<compile_context>
chip_gen: v7x
topology: tpu7x:2x2x1
jax: 0.10.2.dev20260603
libtpu: 0.0.44.dev20260713+nightly
codegen_flags: <defaults>
</compile_context>

<pallas_src>
import functools

import jax
import jax.numpy as jnp
from jax import lax
from jax.experimental import pallas as pl
from jax.experimental.pallas import tpu as pltpu
from jax.experimental.pallas import tpu_sc as plsc

N_NODES = 100000
N_EDGES = 200000
F = 128
FA = 144
NUM_RELS = 3

NC = 2
NS = 16

C = 5120
NCHUNK = 20
CHUNKS_PER_CORE = 10
NPAD = NCHUNK * C
TRASH_ROWS = 8
BUF_ROWS = C + TRASH_ROWS

EP = 200192
SHARD = EP // NS
LCAP = SHARD + 160
BATCH = 64
SLAB = C // NS
PIECE = SHARD // 4
DST_SENTINEL = 1 << 30

BLK = 512
NPAD_TC = 100352
GRID_TC = NPAD_TC // BLK


def _compact_pass(s_in, d_in, nvreg, lo, hi, sub, s_out, d_out,
                  cnt0=None):

    def fbody(i, cnt):
        dv = d_in[pl.ds(i * 16, 16)]
        sv = s_in[pl.ds(i * 16, 16)]
        m = (dv >= lo) & (dv < hi)
        ii = lax.iota(jnp.int32, 16)
        ps = jnp.where(m, 1, 0)
        for sh in (1, 2, 4, 8):
            g = ps.at[jnp.maximum(ii - sh, 0)].get(mode='promise_in_bounds')
            ps = ps + jnp.where(ii >= sh, g, 0)
        t = ii + 1
        pos = jnp.zeros((16,), jnp.int32)
        for step in (8, 4, 2, 1):
            probe = pos + (step - 1)
            pv = ps.at[probe].get(mode='promise_in_bounds')
            pos = pos + jnp.where(pv < t, step, 0)
        svc = sv.at[pos].get(mode='promise_in_bounds')
        dvc = (dv - sub).at[pos].get(mode='promise_in_bounds')
        s_out[pl.ds(cnt, 16)] = svc
        d_out[pl.ds(cnt, 16)] = dvc
        return cnt + ps[15]

    return lax.fori_loop(0, nvreg, fbody,
                         jnp.int32(0) if cnt0 is None else cnt0)


def _sc_body(xaug_hbm, src0_hbm, dst0_hbm, src1_hbm, dst1_hbm, src2_hbm,
             dst2_hbm, zeros_hbm, out_hbm,
             shard_src, shard_dst, srcl, dstl, idxrow, rows,
             buf, sem0, sem1):
    c = lax.axis_index("c")
    s = lax.axis_index("s")
    src_refs = (src0_hbm, src1_hbm, src2_hbm)
    dst_refs = (dst0_hbm, dst1_hbm, dst2_hbm)

    half_lo = c * (CHUNKS_PER_CORE * C)
    half_hi = half_lo + CHUNKS_PER_CORE * C

    for r in range(NUM_RELS):
        base = s * SHARD
        pltpu.sync_copy(src_refs[r].at[pl.ds(base, SHARD)], shard_src)
        pltpu.sync_copy(dst_refs[r].at[pl.ds(base, SHARD)], shard_dst)

        def cbody(k, carry, _r=r):
            chunk = c * CHUNKS_PER_CORE + k
            lo = chunk * C
            hi = lo + C

            pltpu.sync_copy(zeros_hbm, buf.at[pl.ds(s * SLAB, SLAB)])
            plsc.subcore_barrier()

            cnt = _compact_pass(shard_src, shard_dst, SHARD // 16,
                                lo, hi, lo, srcl, dstl)

            trash_src = jnp.zeros((16,), jnp.int32) + s * 64
            trash_dst = jnp.zeros((16,), jnp.int32) + (C + (s % 8))
            for t in range(9):
                srcl[pl.ds(cnt + t * 16, 16)] = trash_src
                dstl[pl.ds(cnt + t * 16, 16)] = trash_dst
            nb = (cnt + (BATCH - 1)) // BATCH

            def bbody(g, carry):
                for q in range(BATCH // 16):
                    idxrow[0, pl.ds(q * 16, 16)] = (
                        dstl[pl.ds(g * BATCH + q * 16, 16)])
                pltpu.async_copy(
                    xaug_hbm.at[srcl.at[pl.ds(g * BATCH, BATCH)]],
                    rows.at[0], sem0).wait()
                pltpu.sync_copy(rows.at[0], buf.at[idxrow.at[0]], add=True)
                return carry

            lax.fori_loop(0, nb, bbody, jnp.int32(0))
            plsc.subcore_barrier()

            @pl.when(chunk < NCHUNK)
            def _():
                pltpu.sync_copy(
                    buf.at[pl.ds(s * SLAB, SLAB)],
                    out_hbm.at[_r, pl.ds(chunk * C + s * SLAB, SLAB)],
                )
            return carry

        lax.fori_loop(0, CHUNKS_PER_CORE, cbody, jnp.int32(0))


def _sc_aggregate(xaug, srcs, dsts, zeros_in):
    mesh = plsc.VectorSubcoreMesh(core_axis_name="c", subcore_axis_name="s")
    call = functools.partial(
        pl.kernel,
        mesh=mesh,
        compiler_params=pltpu.CompilerParams(use_tc_tiling_on_sc=False),
        out_type=jax.ShapeDtypeStruct((NUM_RELS, NPAD, FA), jnp.float32),
        scratch_types=[
            pltpu.VMEM((SHARD,), jnp.int32),
            pltpu.VMEM((SHARD,), jnp.int32),
            pltpu.VMEM((LCAP,), jnp.int32),
            pltpu.VMEM((LCAP,), jnp.int32),
            pltpu.VMEM((2, BATCH), jnp.int32),
            pltpu.VMEM((2, BATCH, FA), jnp.float32),
            pltpu.VMEM_SHARED((BUF_ROWS, FA), jnp.float32),
            pltpu.SemaphoreType.DMA,
            pltpu.SemaphoreType.DMA,
        ],
    )(_sc_body)
    return call(xaug, srcs[0], dsts[0], srcs[1], dsts[1], srcs[2], dsts[2],
                zeros_in)


def _tc_body(raw_ref, x_ref, basis_ref, coeff_ref, lw_ref, bias_ref, o_ref):
    x = x_ref[...]
    acc = jnp.dot(x, lw_ref[...], preferred_element_type=jnp.float32)
    coeff = coeff_ref[...]
    u0 = jnp.zeros((BLK, F), jnp.float32)
    u1 = jnp.zeros((BLK, F), jnp.float32)
    for r in range(NUM_RELS):
        a = raw_ref[r, :, :F]
        d = raw_ref[r, :, F:F + 1]
        an = a * (1.0 / jnp.maximum(d, 1.0))
        u0 = u0 + coeff[r, 0] * an
        u1 = u1 + coeff[r, 1] * an
    acc = acc + jnp.dot(u0, basis_ref[0], preferred_element_type=jnp.float32)
    acc = acc + jnp.dot(u1, basis_ref[1], preferred_element_type=jnp.float32)
    o_ref[...] = acc + bias_ref[...]


def _tc_combine(raw, xp, basis, coeff, loop_weight, bias2d):
    return pl.pallas_call(
        _tc_body,
        grid=(GRID_TC,),
        in_specs=[
            pl.BlockSpec((NUM_RELS, BLK, FA), lambda i: (0, i, 0)),
            pl.BlockSpec((BLK, F), lambda i: (i, 0)),
            pl.BlockSpec((2, F, F), lambda i: (0, 0, 0)),
            pl.BlockSpec((NUM_RELS, 2), lambda i: (0, 0)),
            pl.BlockSpec((F, F), lambda i: (0, 0)),
            pl.BlockSpec((1, F), lambda i: (0, 0)),
        ],
        out_specs=pl.BlockSpec((BLK, F), lambda i: (i, 0)),
        out_shape=jax.ShapeDtypeStruct((NPAD_TC, F), jnp.float32),
    )(raw, xp, basis, coeff, loop_weight, bias2d)


def kernel(x, basis, coeff, loop_weight, bias, edge_index_0, edge_index_1, edge_index_2):
    x = x.astype(jnp.float32)
    pad_e = EP - N_EDGES
    srcs, dsts = [], []
    for ei in (edge_index_0, edge_index_1, edge_index_2):
        ei = ei.astype(jnp.int32)
        srcs.append(jnp.pad(ei[0], (0, pad_e)))
        dsts.append(jnp.pad(ei[1], (0, pad_e), constant_values=DST_SENTINEL))
    xaug = jnp.concatenate(
        [x, jnp.ones((N_NODES, 1), jnp.float32),
         jnp.zeros((N_NODES, FA - F - 1), jnp.float32)], axis=1)
    zeros_in = jnp.zeros((SLAB, FA), jnp.float32)

    raw = _sc_aggregate(xaug, srcs, dsts, zeros_in)

    xp = jnp.pad(x, ((0, NPAD_TC - N_NODES), (0, 0)))
    out = _tc_combine(raw, xp, basis.astype(jnp.float32),
                      coeff.astype(jnp.float32),
                      loop_weight.astype(jnp.float32),
                      bias.astype(jnp.float32).reshape(1, F))
    return out[:N_NODES]

# --- scband reference (transcript-rebuilt; emitter-appended) ---
"""Pipeline reference for scband-rel-graph-conv-layer-32521492365634 (READ-ONLY COPY).

The authoritative reference and input builder live on the scoring server;
editing this copy changes nothing except your own understanding.
"""

import jax, jax.numpy as jnp
import numpy as np

N_NODES = 100000
N_EDGES = 200000
IN_FEAT = 128
OUT_FEAT = 128
NUM_RELS = 3
NUM_BASES = 2


def setup_inputs(seed: int = 0) -> dict:
    key = jax.random.key(seed)
    ks = jax.random.split(key, 10)
    x = jax.random.normal(ks[0], (N_NODES, IN_FEAT), dtype=jnp.float32)
    edge_index_0 = jax.random.randint(ks[1], (2, N_EDGES), 0, N_NODES, dtype=jnp.int64)
    edge_index_1 = jax.random.randint(ks[2], (2, N_EDGES), 0, N_NODES, dtype=jnp.int64)
    edge_index_2 = jax.random.randint(ks[3], (2, N_EDGES), 0, N_NODES, dtype=jnp.int64)
    # Basis-decomposed relation weights: W_r = sum_b coeff[r,b] * basis[b]
    basis = jax.random.normal(ks[4], (NUM_BASES, IN_FEAT, OUT_FEAT), dtype=jnp.float32) / np.sqrt(IN_FEAT)
    coeff = jax.random.normal(ks[5], (NUM_RELS, NUM_BASES), dtype=jnp.float32)
    loop_weight = jax.random.normal(ks[6], (IN_FEAT, OUT_FEAT), dtype=jnp.float32) / np.sqrt(IN_FEAT)
    bias = jnp.zeros((OUT_FEAT,), dtype=jnp.float32)
    return {
        "x": x,
        "basis": basis,
        "coeff": coeff,
        "loop_weight": loop_weight,
        "bias": bias,
        "edge_index_0": edge_index_0,
        "edge_index_1": edge_index_1,
        "edge_index_2": edge_index_2,
    }


def reference(x, basis, coeff, loop_weight, bias, edge_index_0, edge_index_1, edge_index_2):
    # RelGraphConvLayer: per-relation GraphConv(norm='right', weight from basis),
    # aggregate='sum' across relations, plus self-loop and bias. activation=None, dropout=0.
    weights = jnp.einsum('rb,bio->rio', coeff, basis)  # [R, in, out]
    N = x.shape[0]
    out = jnp.zeros((N, weights.shape[2]), dtype=x.dtype)
    for r, ei in enumerate([edge_index_0, edge_index_1, edge_index_2]):
        src = ei[0]
        dst = ei[1]
        msg = jnp.take(x, src, axis=0)                       # gather src features [E, in]
        agg = jax.ops.segment_sum(msg, dst, num_segments=N)  # scatter-add to dst
        deg = jax.ops.segment_sum(jnp.ones((ei.shape[1],), dtype=x.dtype), dst, num_segments=N)
        agg = agg / jnp.maximum(deg, 1.0)[:, None]           # norm='right': divide by in-degree
        out = out + agg @ weights[r]
    out = out + x @ loop_weight  # self-loop
    out = out + bias
    return out

if __name__ == "__main__":
    import jax
    _d = setup_inputs()
    print(jax.jit(kernel)(*tuple(_d.values())))

</pallas_src>

<mosaic_0001>
#map = affine_map<(d0, d1) -> (0, 0)>
#map1 = affine_map<(d0, d1) -> (0)>
#map2 = affine_map<(d0, d1) -> (0, 0, 0)>
module attributes {stable_mosaic.version = 14 : i64} {
  func.func @_sc_body(%arg0: i32, %arg1: i32, %arg2: memref<100000x144xf32, #tpu.memory_space<hbm>>, %arg3: memref<200192xi32, #tpu.memory_space<hbm>>, %arg4: memref<200192xi32, #tpu.memory_space<hbm>>, %arg5: memref<200192xi32, #tpu.memory_space<hbm>>, %arg6: memref<200192xi32, #tpu.memory_space<hbm>>, %arg7: memref<200192xi32, #tpu.memory_space<hbm>>, %arg8: memref<200192xi32, #tpu.memory_space<hbm>>, %arg9: memref<320x144xf32, #tpu.memory_space<hbm>>, %arg10: memref<3x102400x144xf32, #tpu.memory_space<hbm>>, %arg11: memref<12512xi32, #tpu.memory_space<vmem>>, %arg12: memref<12512xi32, #tpu.memory_space<vmem>>, %arg13: memref<12672xi32, #tpu.memory_space<vmem>>, %arg14: memref<12672xi32, #tpu.memory_space<vmem>>, %arg15: memref<2x64xi32, #tpu.memory_space<vmem>>, %arg16: memref<2x64x144xf32, #tpu.memory_space<vmem>>, %arg17: memref<5128x144xf32, #tpu.memory_space<vmem_shared>>, %arg18: memref<!tpu.dma_semaphore, #tpu.memory_space<semaphore_mem>>, %arg19: memref<!tpu.dma_semaphore, #tpu.memory_space<semaphore_mem>>) attributes {dimension_semantics = [#tpu.dimension_semantics<core_parallel>, #tpu.dimension_semantics<subcore_parallel>], iteration_bounds = array<i64: 2, 16>, scalar_prefetch = 0 : i64, scratch_operands = 9 : i64, tpu.core_type = #tpu.core_type<sc_vector_subcore>, window_params = [{transform_indices = #map}, {transform_indices = #map1}, {transform_indices = #map1}, {transform_indices = #map1}, {transform_indices = #map1}, {transform_indices = #map1}, {transform_indices = #map1}, {transform_indices = #map}, {transform_indices = #map2}]} {
    %mul3A = arith.constant 51200 : i32
    %mul3A_0 = arith.muli %arg0, %mul3A : i32
    %add3A = arith.constant 51200 : i32
    %add3A_1 = arith.addi %mul3A_0, %add3A : i32
    %mul3A_2 = arith.constant 12512 : i32
    %mul3A_3 = arith.muli %arg1, %mul3A_2 : i32
    "tpu.region"() ({
      %run_scoped3A = tpu.sem_alloc : memref<!tpu.dma_semaphore, #tpu.memory_space<semaphore_mem>>
      %dma_start3A = tpu.memref_slice %arg3[%mul3A_3] : memref<200192xi32, #tpu.memory_space<hbm>> -> memref<12512xi32, #tpu.memory_space<hbm>>
      %dma_start3A_25 = tpu.memref_slice %arg3[%mul3A_3] : memref<200192xi32, #tpu.memory_space<hbm>> -> memref<12512xi32, #tpu.memory_space<hbm>>
      tpu.enqueue_dma source(%dma_start3A_25 : memref<12512xi32, #tpu.memory_space<hbm>>) target(%arg11 : memref<12512xi32, #tpu.memory_space<vmem>>) target_semaphore(%run_scoped3A : memref<!tpu.dma_semaphore, #tpu.memory_space<semaphore_mem>>)
      %dma_wait3A = tpu.memref_slice %arg3[%mul3A_3] : memref<200192xi32, #tpu.memory_space<hbm>> -> memref<12512xi32, #tpu.memory_space<hbm>>
      %dma_wait3A_26 = tpu.memref_slice %arg3[%mul3A_3] : memref<200192xi32, #tpu.memory_space<hbm>> -> memref<12512xi32, #tpu.memory_space<hbm>>
      tpu.wait_dma2 semaphore(%run_scoped3A : memref<!tpu.dma_semaphore, #tpu.memory_space<semaphore_mem>>) src(%dma_wait3A_26 : memref<12512xi32, #tpu.memory_space<hbm>>) dst(%arg11 : memref<12512xi32, #tpu.memory_space<vmem>>)
      tpu.yield
    }) : () -> ()
    "tpu.region"() ({
      %run_scoped3A = tpu.sem_alloc : memref<!tpu.dma_semaphore, #tpu.memory_space<semaphore_mem>>
      %dma_start3A = tpu.memref_slice %arg4[%mul3A_3] : memref<200192xi32, #tpu.memory_space<hbm>> -> memref<12512xi32, #tpu.memory_space<hbm>>
      %dma_start3A_25 = tpu.memref_slice %arg4[%mul3A_3] : memref<200192xi32, #tpu.memory_space<hbm>> -> memref<12512xi32, #tpu.memory_space<hbm>>
      tpu.enqueue_dma source(%dma_start3A_25 : memref<12512xi32, #tpu.memory_space<hbm>>) target(%arg12 : memref<12512xi32, #tpu.memory_space<vmem>>) target_semaphore(%run_scoped3A : memref<!tpu.dma_semaphore, #tpu.memory_space<semaphore_mem>>)
      %dma_wait3A = tpu.memref_slice %arg4[%mul3A_3] : memref<200192xi32, #tpu.memory_space<hbm>> -> memref<12512xi32, #tpu.memory_space<hbm>>
      %dma_wait3A_26 = tpu.memref_slice %arg4[%mul3A_3] : memref<200192xi32, #tpu.memory_space<hbm>> -> memref<12512xi32, #tpu.memory_space<hbm>>
      tpu.wait_dma2 semaphore(%run_scoped3A : memref<!tpu.dma_semaphore, #tpu.memory_space<semaphore_mem>>) src(%dma_wait3A_26 : memref<12512xi32, #tpu.memory_space<hbm>>) dst(%arg12 : memref<12512xi32, #tpu.memory_space<vmem>>)
      tpu.yield
    }) : () -> ()
    %scan3A = arith.constant 0 : i32
    %scan3A_4 = arith.constant 0 : i32
    %scan3A_5 = arith.constant 10 : i32
    %scan3A_6 = arith.addi %scan3A_4, %scan3A_5 : i32
    %scan3A_7 = arith.constant 1 : i32
    scf.for %scan3A_25 = %scan3A_4 to %scan3A_6 step %scan3A_7  : i32 {
      %mul3A_26 = arith.constant 10 : i32
      %mul3A_27 = arith.muli %arg0, %mul3A_26 : i32
      %add3A_28 = arith.addi %mul3A_27, %scan3A_25 : i32
      %mul3A_29 = arith.constant 5120 : i32
      %mul3A_30 = arith.muli %add3A_28, %mul3A_29 : i32
      %add3A_31 = arith.constant 5120 : i32
      %add3A_32 = arith.addi %mul3A_30, %add3A_31 : i32
      %mul3A_33 = arith.constant 320 : i32
      %mul3A_34 = arith.muli %arg1, %mul3A_33 : i32
      "tpu.region"() ({
        %run_scoped3A = tpu.sem_alloc : memref<!tpu.dma_semaphore, #tpu.memory_space<semaphore_mem>>
        %dma_start3A = arith.constant 0 : i32
        %dma_start3A_205 = tpu.memref_slice %arg17[%mul3A_34, %dma_start3A] : memref<5128x144xf32, #tpu.memory_space<vmem_shared>> -> memref<320x144xf32, #tpu.memory_space<vmem_shared>>
        tpu.enqueue_dma source(%arg9 : memref<320x144xf32, #tpu.memory_space<hbm>>) target(%dma_start3A_205 : memref<320x144xf32, #tpu.memory_space<vmem_shared>>) target_semaphore(%run_scoped3A : memref<!tpu.dma_semaphore, #tpu.memory_space<semaphore_mem>>)
        %dma_wait3A = arith.constant 0 : i32
        %dma_wait3A_206 = tpu.memref_slice %arg17[%mul3A_34, %dma_wait3A] : memref<5128x144xf32, #tpu.memory_space<vmem_shared>> -> memref<320x144xf32, #tpu.memory_space<vmem_shared>>
        tpu.wait_dma2 semaphore(%run_scoped3A : memref<!tpu.dma_semaphore, #tpu.memory_space<semaphore_mem>>) src(%arg9 : memref<320x144xf32, #tpu.memory_space<hbm>>) dst(%dma_wait3A_206 : memref<320x144xf32, #tpu.memory_space<vmem_shared>>)
        tpu.yield
      }) : () -> ()
      %barrier3A = arith.constant 0 : index
      tpu.barrier barrier_id(%barrier3A)
      %scan3A_35 = arith.constant 0 : i32
      %scan3A_36 = arith.constant 0 : i32
      %scan3A_37 = arith.constant 782 : i32
      %scan3A_38 = arith.addi %scan3A_36, %scan3A_37 : i32
      %scan3A_39 = arith.constant 1 : i32
      %scan3A_40 = scf.for %scan3A_205 = %scan3A_36 to %scan3A_38 step %scan3A_39 iter_args(%scan3A_206 = %scan3A_35) -> (i32)  : i32 {
        %mul3A_207 = arith.constant 16 : i32
        %mul3A_208 = arith.muli %scan3A_205, %mul3A_207 : i32
        %get3A = arith.index_cast %mul3A_208 : i32 to index
        %get3A_209 = tpu.vector_load %arg12[%get3A] {strides = array<i32>} : memref<12512xi32, #tpu.memory_space<vmem>>, vector<16xi32>,
        %get3A_210 = vector.shape_cast %get3A_209 : vector<16xi32> to vector<16xi32>
        %mul3A_211 = arith.constant 16 : i32
        %mul3A_212 = arith.muli %scan3A_205, %mul3A_211 : i32
        %get3A_213 = arith.index_cast %mul3A_212 : i32 to index
        %get3A_214 = tpu.vector_load %arg11[%get3A_213] {strides = array<i32>} : memref<12512xi32, #tpu.memory_space<vmem>>, vector<16xi32>,
        %get3A_215 = vector.shape_cast %get3A_214 : vector<16xi32> to vector<16xi32>
        %ge3A = vector.broadcast %mul3A_30 : i32 to vector<16xi32>
        %ge3A_216 = arith.cmpi sge, %get3A_210, %ge3A : vector<16xi32>
        %lt3A_217 = vector.broadcast %add3A_32 : i32 to vector<16xi32>
        %lt3A_218 = arith.cmpi slt, %get3A_210, %lt3A_217 : vector<16xi32>
        %and3A_219 = arith.andi %ge3A_216, %lt3A_218 : vector<16xi1>
        %iota3A = tpu.iota {dimensions = array<i32: 0>} : vector<16xi32>
        %jit3A_220 = arith.constant 1 : i32
        %jit3A_221 = arith.constant 0 : i32
        %broadcast_in_dim3A_222 = vector.broadcast %jit3A_220 : i32 to vector<16xi32>
        %broadcast_in_dim3A_223 = vector.broadcast %jit3A_221 : i32 to vector<16xi32>
        %select_n3A_224 = arith.select %and3A_219, %broadcast_in_dim3A_222, %broadcast_in_dim3A_223 : vector<16xi1>, vector<16xi32>
        %sub3A_225 = arith.constant 1 : i32
        %sub3A_226 = vector.broadcast %sub3A_225 : i32 to vector<16xi32>
        %sub3A_227 = arith.subi %iota3A, %sub3A_226 : vector<16xi32>
        %max3A = arith.constant 0 : i32
        %max3A_228 = vector.broadcast %max3A : i32 to vector<16xi32>
        %max3A_229 = arith.maxsi %sub3A_227, %max3A_228 : vector<16xi32>
        %lt3A_230 = arith.constant 0 : i32
        %lt3A_231 = vector.broadcast %lt3A_230 : i32 to vector<16xi32>
        %lt3A_232 = arith.cmpi slt, %max3A_229, %lt3A_231 : vector<16xi32>
        %add3A_233 = arith.constant 16 : i32
        %add3A_234 = vector.broadcast %add3A_233 : i32 to vector<16xi32>
        %add3A_235 = arith.addi %max3A_229, %add3A_234 : vector<16xi32>
        %select_n3A_236 = arith.select %lt3A_232, %add3A_235, %max3A_229 : vector<16xi1>, vector<16xi32>
        %broadcast_in_dim3A_237 = vector.shape_cast %select_n3A_236 : vector<16xi32> to vector<16x1xi32>
        %gather3A = vector.shape_cast %broadcast_in_dim3A_237 : vector<16x1xi32> to vector<16xi32>
        %gather3A_238 = tpu.dynamic_gather %select_n3A_224[%gather3A] in [0] : vector<16xi32>, vector<16xi32> -> vector<16xi32>
        %ge3A_239 = arith.constant 1 : i32
        %ge3A_240 = vector.broadcast %ge3A_239 : i32 to vector<16xi32>
        %ge3A_241 = arith.cmpi sge, %iota3A, %ge3A_240 : vector<16xi32>
        %jit3A_242 = arith.constant 0 : i32
        %broadcast_in_dim3A_243 = vector.broadcast %jit3A_242 : i32 to vector<16xi32>
        %select_n3A_244 = arith.select %ge3A_241, %gather3A_238, %broadcast_in_dim3A_243 : vector<16xi1>, vector<16xi32>
        %add3A_245 = arith.addi %select_n3A_224, %select_n3A_244 : vector<16xi32>
        %sub3A_246 = arith.constant 2 : i32
        %sub3A_247 = vector.broadcast %sub3A_246 : i32 to vector<16xi32>
        %sub3A_248 = arith.subi %iota3A, %sub3A_247 : vector<16xi32>
        %max3A_249 = arith.constant 0 : i32
        %max3A_250 = vector.broadcast %max3A_249 : i32 to vector<16xi32>
        %max3A_251 = arith.maxsi %sub3A_248, %max3A_250 : vector<16xi32>
        %lt3A_252 = arith.constant 0 : i32
        %lt3A_253 = vector.broadcast %lt3A_252 : i32 to vector<16xi32>
        %lt3A_254 = arith.cmpi slt, %max3A_251, %lt3A_253 : vector<16xi32>
        %add3A_255 = arith.constant 16 : i32
        %add3A_256 = vector.broadcast %add3A_255 : i32 to vector<16xi32>
        %add3A_257 = arith.addi %max3A_251, %add3A_256 : vector<16xi32>
        %select_n3A_258 = arith.select %lt3A_254, %add3A_257, %max3A_251 : vector<16xi1>, vector<16xi32>
        %broadcast_in_dim3A_259 = vector.shape_cast %select_n3A_258 : vector<16xi32> to vector<16x1xi32>
        %gather3A_260 = vector.shape_cast %broadcast_in_dim3A_259 : vector<16x1xi32> to vector<16xi32>
        %gather3A_261 = tpu.dynamic_gather %add3A_245[%gather3A_260] in [0] : vector<16xi32>, vector<16xi32> -> vector<16xi32>
        %ge3A_262 = arith.constant 2 : i32
        %ge3A_263 = vector.broadcast %ge3A_262 : i32 to vector<16xi32>
        %ge3A_264 = arith.cmpi sge, %iota3A, %ge3A_263 : vector<16xi32>
        %jit3A_265 = arith.constant 0 : i32
        %broadcast_in_dim3A_266 = vector.broadcast %jit3A_265 : i32 to vector<16xi32>
        %select_n3A_267 = arith.select %ge3A_264, %gather3A_261, %broadcast_in_dim3A_266 : vector<16xi1>, vector<16xi32>
        %add3A_268 = arith.addi %add3A_245, %select_n3A_267 : vector<16xi32>
        %sub3A_269 = arith.constant 4 : i32
        %sub3A_270 = vector.broadcast %sub3A_269 : i32 to vector<16xi32>
        %sub3A_271 = arith.subi %iota3A, %sub3A_270 : vector<16xi32>
        %max3A_272 = arith.constant 0 : i32
        %max3A_273 = vector.broadcast %max3A_272 : i32 to vector<16xi32>
        %max3A_274 = arith.maxsi %sub3A_271, %max3A_273 : vector<16xi32>
        %lt3A_275 = arith.constant 0 : i32
        %lt3A_276 = vector.broadcast %lt3A_275 : i32 to vector<16xi32>
        %lt3A_277 = arith.cmpi slt, %max3A_274, %lt3A_276 : vector<16xi32>
        %add3A_278 = arith.constant 16 : i32
        %add3A_279 = vector.broadcast %add3A_278 : i32 to vector<16xi32>
        %add3A_280 = arith.addi %max3A_274, %add3A_279 : vector<16xi32>
        %select_n3A_281 = arith.select %lt3A_277, %add3A_280, %max3A_274 : vector<16xi1>, vector<16xi32>
        %broadcast_in_dim3A_282 = vector.shape_cast %select_n3A_281 : vector<16xi32> to vector<16x1xi32>
        %gather3A_283 = vector.shape_cast %broadcast_in_dim3A_282 : vector<16x1xi32> to vector<16xi32>
        %gather3A_284 = tpu.dynamic_gather %add3A_268[%gather3A_283] in [0] : vector<16xi32>, vector<16xi32> -> vector<16xi32>
        %ge3A_285 = arith.constant 4 : i32
        %ge3A_286 = vector.broadcast %ge3A_285 : i32 to vector<16xi32>
        %ge3A_287 = arith.cmpi sge, %iota3A, %ge3A_286 : vector<16xi32>
        %jit3A_288 = arith.constant 0 : i32
        %broadcast_in_dim3A_289 = vector.broadcast %jit3A_288 : i32 to vector<16xi32>
        %select_n3A_290 = arith.select %ge3A_287, %gather3A_284, %broadcast_in_dim3A_289 : vector<16xi1>, vector<16xi32>
        %add3A_291 = arith.addi %add3A_268, %select_n3A_290 : vector<16xi32>
        %sub3A_292 = arith.constant 8 : i32
        %sub3A_293 = vector.broadcast %sub3A_292 : i32 to vector<16xi32>
        %sub3A_294 = arith.subi %iota3A, %sub3A_293 : vector<16xi32>
        %max3A_295 = arith.constant 0 : i32
        %max3A_296 = vector.broadcast %max3A_295 : i32 to vector<16xi32>
        %max3A_297 = arith.maxsi %sub3A_294, %max3A_296 : vector<16xi32>
        %lt3A_298 = arith.constant 0 : i32
        %lt3A_299 = vector.broadcast %lt3A_298 : i32 to vector<16xi32>
        %lt3A_300 = arith.cmpi slt, %max3A_297, %lt3A_299 : vector<16xi32>
        %add3A_301 = arith.constant 16 : i32
        %add3A_302 = vector.broadcast %add3A_301 : i32 to vector<16xi32>
        %add3A_303 = arith.addi %max3A_297, %add3A_302 : vector<16xi32>
        %select_n3A_304 = arith.select %lt3A_300, %add3A_303, %max3A_297 : vector<16xi1>, vector<16xi32>
        %broadcast_in_dim3A_305 = vector.shape_cast %select_n3A_304 : vector<16xi32> to vector<16x1xi32>
        %gather3A_306 = vector.shape_cast %broadcast_in_dim3A_305 : vector<16x1xi32> to vector<16xi32>
        %gather3A_307 = tpu.dynamic_gather %add3A_291[%gather3A_306] in [0] : vector<16xi32>, vector<16xi32> -> vector<16xi32>
        %ge3A_308 = arith.constant 8 : i32
        %ge3A_309 = vector.broadcast %ge3A_308 : i32 to vector<16xi32>
        %ge3A_310 = arith.cmpi sge, %iota3A, %ge3A_309 : vector<16xi32>
        %jit3A_311 = arith.constant 0 : i32
        %broadcast_in_dim3A_312 = vector.broadcast %jit3A_311 : i32 to vector<16xi32>
        %select_n3A_313 = arith.select %ge3A_310, %gather3A_307, %broadcast_in_dim3A_312 : vector<16xi1>, vector<16xi32>
        %add3A_314 = arith.addi %add3A_291, %select_n3A_313 : vector<16xi32>
        %add3A_315 = arith.constant 1 : i32
        %add3A_316 = vector.broadcast %add3A_315 : i32 to vector<16xi32>
        %add3A_317 = arith.addi %iota3A, %add3A_316 : vector<16xi32>
        %broadcast_in_dim3A_318 = arith.constant 0 : i32
        %broadcast_in_dim3A_319 = vector.broadcast %broadcast_in_dim3A_318 : i32 to vector<16xi32>
        %add3A_320 = arith.constant 7 : i32
        %add3A_321 = vector.broadcast %add3A_320 : i32 to vector<16xi32>
        %add3A_322 = arith.addi %broadcast_in_dim3A_319, %add3A_321 : vector<16xi32>
        %lt3A_323 = arith.constant 0 : i32
        %lt3A_324 = vector.broadcast %lt3A_323 : i32 to vector<16xi32>
        %lt3A_325 = arith.cmpi slt, %add3A_322, %lt3A_324 : vector<16xi32>
        %add3A_326 = arith.constant 16 : i32
        %add3A_327 = vector.broadcast %add3A_326 : i32 to vector<16xi32>
        %add3A_328 = arith.addi %add3A_322, %add3A_327 : vector<16xi32>
        %select_n3A_329 = arith.select %lt3A_325, %add3A_328, %add3A_322 : vector<16xi1>, vector<16xi32>
        %broadcast_in_dim3A_330 = vector.shape_cast %select_n3A_329 : vector<16xi32> to vector<16x1xi32>
        %gather3A_331 = vector.shape_cast %broadcast_in_dim3A_330 : vector<16x1xi32> to vector<16xi32>
        %gather3A_332 = tpu.dynamic_gather %add3A_314[%gather3A_331] in [0] : vector<16xi32>, vector<16xi32> -> vector<16xi32>
        %lt3A_333 = arith.cmpi slt, %gather3A_332, %add3A_317 : vector<16xi32>
        %jit3A_334 = arith.constant 8 : i32
        %jit3A_335 = arith.constant 0 : i32
        %broadcast_in_dim3A_336 = vector.broadcast %jit3A_334 : i32 to vector<16xi32>
        %broadcast_in_dim3A_337 = vector.broadcast %jit3A_335 : i32 to vector<16xi32>
        %select_n3A_338 = arith.select %lt3A_333, %broadcast_in_dim3A_336, %broadcast_in_dim3A_337 : vector<16xi1>, vector<16xi32>
        %add3A_339 = arith.addi %broadcast_in_dim3A_319, %select_n3A_338 : vector<16xi32>
        %add3A_340 = arith.constant 3 : i32
        %add3A_341 = vector.broadcast %add3A_340 : i32 to vector<16xi32>
        %add3A_342 = arith.addi %add3A_339, %add3A_341 : vector<16xi32>
        %lt3A_343 = arith.constant 0 : i32
        %lt3A_344 = vector.broadcast %lt3A_343 : i32 to vector<16xi32>
        %lt3A_345 = arith.cmpi slt, %add3A_342, %lt3A_344 : vector<16xi32>
        %add3A_346 = arith.constant 16 : i32
        %add3A_347 = vector.broadcast %add3A_346 : i32 to vector<16xi32>
        %add3A_348 = arith.addi %add3A_342, %add3A_347 : vector<16xi32>
        %select_n3A_349 = arith.select %lt3A_345, %add3A_348, %add3A_342 : vector<16xi1>, vector<16xi32>
        %broadcast_in_dim3A_350 = vector.shape_cast %select_n3A_349 : vector<16xi32> to vector<16x1xi32>
        %gather3A_351 = vector.shape_cast %broadcast_in_dim3A_350 : vector<16x1xi32> to vector<16xi32>
        %gather3A_352 = tpu.dynamic_gather %add3A_314[%gather3A_351] in [0] : vector<16xi32>, vector<16xi32> -> vector<16xi32>
        %lt3A_353 = arith.cmpi slt, %gather3A_352, %add3A_317 : vector<16xi32>
        %jit3A_354 = arith.constant 4 : i32
        %jit3A_355 = arith.constant 0 : i32
        %broadcast_in_dim3A_356 = vector.broadcast %jit3A_354 : i32 to vector<16xi32>
        %broadcast_in_dim3A_357 = vector.broadcast %jit3A_355 : i32 to vector<16xi32>
        %select_n3A_358 = arith.select %lt3A_353, %broadcast_in_dim3A_356, %broadcast_in_dim3A_357 : vector<16xi1>, vector<16xi32>
        %add3A_359 = arith.addi %add3A_339, %select_n3A_358 : vector<16xi32>
        %add3A_360 = arith.constant 1 : i32
        %add3A_361 = vector.broadcast %add3A_360 : i32 to vector<16xi32>
        %add3A_362 = arith.addi %add3A_359, %add3A_361 : vector<16xi32>
        %lt3A_363 = arith.constant 0 : i32
        %lt3A_364 = vector.broadcast %lt3A_363 : i32 to vector<16xi32>
        %lt3A_365 = arith.cmpi slt, %add3A_362, %lt3A_364 : vector<16xi32>
        %add3A_366 = arith.constant 16 : i32
        %add3A_367 = vector.broadcast %add3A_366 : i32 to vector<16xi32>
        %add3A_368 = arith.addi %add3A_362, %add3A_367 : vector<16xi32>
        %select_n3A_369 = arith.select %lt3A_365, %add3A_368, %add3A_362 : vector<16xi1>, vector<16xi32>
        %broadcast_in_dim3A_370 = vector.shape_cast %select_n3A_369 : vector<16xi32> to vector<16x1xi32>
        %gather3A_371 = vector.shape_cast %broadcast_in_dim3A_370 : vector<16x1xi32> to vector<16xi32>
        %gather3A_372 = tpu.dynamic_gather %add3A_314[%gather3A_371] in [0] : vector<16xi32>, vector<16xi32> -> vector<16xi32>
        %lt3A_373 = arith.cmpi slt, %gather3A_372, %add3A_317 : vector<16xi32>
        %jit3A_374 = arith.constant 2 : i32
        %jit3A_375 = arith.constant 0 : i32
        %broadcast_in_dim3A_376 = vector.broadcast %jit3A_374 : i32 to vector<16xi32>
        %broadcast_in_dim3A_377 = vector.broadcast %jit3A_375 : i32 to vector<16xi32>
        %select_n3A_378 = arith.select %lt3A_373, %broadcast_in_dim3A_376, %broadcast_in_dim3A_377 : vector<16xi1>, vector<16xi32>
        %add3A_379 = arith.addi %add3A_359, %select_n3A_378 : vector<16xi32>
        %add3A_380 = arith.constant 0 : i32
        %add3A_381 = vector.broadcast %add3A_380 : i32 to vector<16xi32>
        %add3A_382 = arith.addi %add3A_379, %add3A_381 : vector<16xi32>
        %lt3A_383 = arith.constant 0 : i32
        %lt3A_384 = vector.broadcast %lt3A_383 : i32 to vector<16xi32>
        %lt3A_385 = arith.cmpi slt, %add3A_382, %lt3A_384 : vector<16xi32>
        %add3A_386 = arith.constant 16 : i32
        %add3A_387 = vector.broadcast %add3A_386 : i32 to vector<16xi32>
        %add3A_388 = arith.addi %add3A_382, %add3A_387 : vector<16xi32>
        %select_n3A_389 = arith.select %lt3A_385, %add3A_388, %add3A_382 : vector<16xi1>, vector<16xi32>
        %broadcast_in_dim3A_390 = vector.shape_cast %select_n3A_389 : vector<16xi32> to vector<16x1xi32>
        %gather3A_391 = vector.shape_cast %broadcast_in_dim3A_390 : vector<16x1xi32> to vector<16xi32>
        %gather3A_392 = tpu.dynamic_gather %add3A_314[%gather3A_391] in [0] : vector<16xi32>, vector<16xi32> -> vector<16xi32>
        %lt3A_393 = arith.cmpi slt, %gather3A_392, %add3A_317 : vector<16xi32>
        %jit3A_394 = arith.constant 1 : i32
        %jit3A_395 = arith.constant 0 : i32
        %broadcast_in_dim3A_396 = vector.broadcast %jit3A_394 : i32 to vector<16xi32>
        %broadcast_in_dim3A_397 = vector.broadcast %jit3A_395 : i32 to vector<16xi32>
        %select_n3A_398 = arith.select %lt3A_393, %broadcast_in_dim3A_396, %broadcast_in_dim3A_397 : vector<16xi1>, vector<16xi32>
        %add3A_399 = arith.addi %add3A_379, %select_n3A_398 : vector<16xi32>
        %lt3A_400 = arith.constant 0 : i32
        %lt3A_401 = vector.broadcast %lt3A_400 : i32 to vector<16xi32>
        %lt3A_402 = arith.cmpi slt, %add3A_399, %lt3A_401 : vector<16xi32>
        %add3A_403 = arith.constant 16 : i32
        %add3A_404 = vector.broadcast %add3A_403 : i32 to vector<16xi32>
        %add3A_405 = arith.addi %add3A_399, %add3A_404 : vector<16xi32>
        %select_n3A_406 = arith.select %lt3A_402, %add3A_405, %add3A_399 : vector<16xi1>, vector<16xi32>
        %broadcast_in_dim3A_407 = vector.shape_cast %select_n3A_406 : vector<16xi32> to vector<16x1xi32>
        %gather3A_408 = vector.shape_cast %broadcast_in_dim3A_407 : vector<16x1xi32> to vector<16xi32>
        %gather3A_409 = tpu.dynamic_gather %get3A_215[%gather3A_408] in [0] : vector<16xi32>, vector<16xi32> -> vector<16xi32>
        %sub3A_410 = vector.broadcast %mul3A_30 : i32 to vector<16xi32>
        %sub3A_411 = arith.subi %get3A_210, %sub3A_410 : vector<16xi32>
        %lt3A_412 = arith.constant 0 : i32
        %lt3A_413 = vector.broadcast %lt3A_412 : i32 to vector<16xi32>
        %lt3A_414 = arith.cmpi slt, %add3A_399, %lt3A_413 : vector<16xi32>
        %add3A_415 = arith.constant 16 : i32
        %add3A_416 = vector.broadcast %add3A_415 : i32 to vector<16xi32>
        %add3A_417 = arith.addi %add3A_399, %add3A_416 : vector<16xi32>
        %select_n3A_418 = arith.select %lt3A_414, %add3A_417, %add3A_399 : vector<16xi1>, vector<16xi32>
        %broadcast_in_dim3A_419 = vector.shape_cast %select_n3A_418 : vector<16xi32> to vector<16x1xi32>
        %gather3A_420 = vector.shape_cast %broadcast_in_dim3A_419 : vector<16x1xi32> to vector<16xi32>
        %gather3A_421 = tpu.dynamic_gather %sub3A_411[%gather3A_420] in [0] : vector<16xi32>, vector<16xi32> -> vector<16xi32>
        %swap3A_422 = arith.index_cast %scan3A_206 : i32 to index
        %swap3A_423 = tpu.vector_load %arg13[%swap3A_422] {strides = array<i32>} : memref<12672xi32, #tpu.memory_space<vmem>>, vector<16xi32>,
        %swap3A_424 = vector.shape_cast %swap3A_423 : vector<16xi32> to vector<16xi32>
        %swap3A_425 = vector.shape_cast %gather3A_409 : vector<16xi32> to vector<16xi32>
        tpu.vector_store %arg13[%swap3A_422], %swap3A_425 {strides = array<i32>} : memref<12672xi32, #tpu.memory_space<vmem>>, vector<16xi32>,
        %swap3A_426 = arith.index_cast %scan3A_206 : i32 to index
        %swap3A_427 = tpu.vector_load %arg14[%swap3A_426] {strides = array<i32>} : memref<12672xi32, #tpu.memory_space<vmem>>, vector<16xi32>,
        %swap3A_428 = vector.shape_cast %swap3A_427 : vector<16xi32> to vector<16xi32>
        %swap3A_429 = vector.shape_cast %gather3A_421 : vector<16xi32> to vector<16xi32>
        tpu.vector_store %arg14[%swap3A_426], %swap3A_429 {strides = array<i32>} : memref<12672xi32, #tpu.memory_space<vmem>>, vector<16xi32>,
        %slice3A = vector.extract_strided_slice %add3A_314 {offsets = [15], sizes = [1], strides = [1]} : vector<16xi32> to vector<1xi32>
        %squeeze3A = vector.extract %slice3A[0] : i32 from vector<1xi32>
        %add3A_430 = arith.addi %scan3A_206, %squeeze3A : i32
        scf.yield %add3A_430 : i32
      }
      %scan3A_41 = arith.constant 782 : i32
      %broadcast_in_dim3A = arith.constant 0 : i32
      %broadcast_in_dim3A_42 = vector.broadcast %broadcast_in_dim3A : i32 to vector<16xi32>
      %mul3A_43 = arith.constant 64 : i32
      %mul3A_44 = arith.muli %arg1, %mul3A_43 : i32
      %add3A_45 = vector.broadcast %mul3A_44 : i32 to vector<16xi32>
      %add3A_46 = arith.addi %broadcast_in_dim3A_42, %add3A_45 : vector<16xi32>
      %broadcast_in_dim3A_47 = arith.constant 0 : i32
      %broadcast_in_dim3A_48 = vector.broadcast %broadcast_in_dim3A_47 : i32 to vector<16xi32>
      %jit3A = arith.constant 8 : i32
      %eq3A = arith.constant 0 : i32
      %eq3A_49 = arith.cmpi eq, %jit3A, %eq3A : i32
      %jit3A_50 = arith.constant 1 : i32
      %select_n3A = arith.select %eq3A_49, %jit3A_50, %jit3A : i32
      %rem3A = arith.remsi %arg1, %select_n3A : i32
      %ne3A = arith.constant 0 : i32
      %ne3A_51 = arith.cmpi ne, %rem3A, %ne3A : i32
      %lt3A = arith.constant 0 : i32
      %lt3A_52 = arith.cmpi slt, %rem3A, %lt3A : i32
      %lt3A_53 = arith.constant 0 : i32
      %lt3A_54 = arith.cmpi slt, %select_n3A, %lt3A_53 : i32
      %ne3A_55 = arith.xori %lt3A_52, %lt3A_54 : i1
      %and3A = arith.andi %ne3A_55, %ne3A_51 : i1
      %add3A_56 = arith.addi %rem3A, %select_n3A : i32
      %select_n3A_57 = arith.select %and3A, %add3A_56, %rem3A : i32
      %add3A_58 = arith.constant 5120 : i32
      %add3A_59 = arith.addi %add3A_58, %select_n3A_57 : i32
      %add3A_60 = vector.broadcast %add3A_59 : i32 to vector<16xi32>
      %add3A_61 = arith.addi %broadcast_in_dim3A_48, %add3A_60 : vector<16xi32>
      %add3A_62 = arith.constant 0 : i32
      %add3A_63 = arith.addi %scan3A_40, %add3A_62 : i32
      %swap3A = arith.index_cast %add3A_63 : i32 to index
      %swap3A_64 = tpu.vector_load %arg13[%swap3A] {strides = array<i32>} : memref<12672xi32, #tpu.memory_space<vmem>>, vector<16xi32>,
      %swap3A_65 = vector.shape_cast %swap3A_64 : vector<16xi32> to vector<16xi32>
      %swap3A_66 = vector.shape_cast %add3A_46 : vector<16xi32> to vector<16xi32>
      tpu.vector_store %arg13[%swap3A], %swap3A_66 {strides = array<i32>} : memref<12672xi32, #tpu.memory_space<vmem>>, vector<16xi32>,
      %add3A_67 = arith.constant 0 : i32
      %add3A_68 = arith.addi %scan3A_40, %add3A_67 : i32
      %swap3A_69 = arith.index_cast %add3A_68 : i32 to index
      %swap3A_70 = tpu.vector_load %arg14[%swap3A_69] {strides = array<i32>} : memref<12672xi32, #tpu.memory_space<vmem>>, vector<16xi32>,
      %swap3A_71 = vector.shape_cast %swap3A_70 : vector<16xi32> to vector<16xi32>
      %swap3A_72 = vector.shape_cast %add3A_61 : vector<16xi32> to vector<16xi32>
      tpu.vector_store %arg14[%swap3A_69], %swap3A_72 {strides = array<i32>} : memref<12672xi32, #tpu.memory_space<vmem>>, vector<16xi32>,
      %add3A_73 = arith.constant 16 : i32
      %add3A_74 = arith.addi %scan3A_40, %add3A_73 : i32
      %swap3A_75 = arith.index_cast %add3A_74 : i32 to index
      %swap3A_76 = tpu.vector_load %arg13[%swap3A_75] {strides = array<i32>} : memref<12672xi32, #tpu.memory_space<vmem>>, vector<16xi32>,
      %swap3A_77 = vector.shape_cast %swap3A_76 : vector<16xi32> to vector<16xi32>
      %swap3A_78 = vector.shape_cast %add3A_46 : vector<16xi32> to vector<16xi32>
      tpu.vector_store %arg13[%swap3A_75], %swap3A_78 {strides = array<i32>} : memref<12672xi32, #tpu.memory_space<vmem>>, vector<16xi32>,
      %add3A_79 = arith.constant 16 : i32
      %add3A_80 = arith.addi %scan3A_40, %add3A_79 : i32
      %swap3A_81 = arith.index_cast %add3A_80 : i32 to index
      %swap3A_82 = tpu.vector_load %arg14[%swap3A_81] {strides = array<i32>} : memref<12672xi32, #tpu.memory_space<vmem>>, vector<16xi32>,
      %swap3A_83 = vector.shape_cast %swap3A_82 : vector<16xi32> to vector<16xi32>
      %swap3A_84 = vector.shape_cast %add3A_61 : vector<16xi32> to vector<16xi32>
      tpu.vector_store %arg14[%swap3A_81], %swap3A_84 {strides = array<i32>} : memref<12672xi32, #tpu.memory_space<vmem>>, vector<16xi32>,
      %add3A_85 = arith.constant 32 : i32
      %add3A_86 = arith.addi %scan3A_40, %add3A_85 : i32
      %swap3A_87 = arith.index_cast %add3A_86 : i32 to index
      %swap3A_88 = tpu.vector_load %arg13[%swap3A_87] {strides = array<i32>} : memref<12672xi32, #tpu.memory_space<vmem>>, vector<16xi32>,
      %swap3A_89 = vector.shape_cast %swap3A_88 : vector<16xi32> to vector<16xi32>
      %swap3A_90 = vector.shape_cast %add3A_46 : vector<16xi32> to vector<16xi32>
      tpu.vector_store %arg13[%swap3A_87], %swap3A_90 {strides = array<i32>} : memref<12672xi32, #tpu.memory_space<vmem>>, vector<16xi32>,
      %add3A_91 = arith.constant 32 : i32
      %add3A_92 = arith.addi %scan3A_40, %add3A_91 : i32
      %swap3A_93 = arith.index_cast %add3A_92 : i32 to index
      %swap3A_94 = tpu.vector_load %arg14[%swap3A_93] {strides = array<i32>} : memref<12672xi32, #tpu.memory_space<vmem>>, vector<16xi32>,
      %swap3A_95 = vector.shape_cast %swap3A_94 : vector<16xi32> to vector<16xi32>
      %swap3A_96 = vector.shape_cast %add3A_61 : vector<16xi32> to vector<16xi32>
      tpu.vector_store %arg14[%swap3A_93], %swap3A_96 {strides = array<i32>} : memref<12672xi32, #tpu.memory_space<vmem>>, vector<16xi32>,
      %add3A_97 = arith.constant 48 : i32
      %add3A_98 = arith.addi %scan3A_40, %add3A_97 : i32
      %swap3A_99 = arith.index_cast %add3A_98 : i32 to index
      %swap3A_100 = tpu.vector_load %arg13[%swap3A_99] {strides = array<i32>} : memref<12672xi32, #tpu.memory_space<vmem>>, vector<16xi32>,
      %swap3A_101 = vector.shape_cast %swap3A_100 : vector<16xi32> to vector<16xi32>
      %swap3A_102 = vector.shape_cast %add3A_46 : vector<16xi32> to vector<16xi32>
      tpu.vector_store %arg13[%swap3A_99], %swap3A_102 {strides = array<i32>} : memref<12672xi32, #tpu.memory_space<vmem>>, vector<16xi32>,
      %add3A_103 = arith.constant 48 : i32
      %add3A_104 = arith.addi %scan3A_40, %add3A_103 : i32
      %swap3A_105 = arith.index_cast %add3A_104 : i32 to index
      %swap3A_106 = tpu.vector_load %arg14[%swap3A_105] {strides = array<i32>} : memref<12672xi32, #tpu.memory_space<vmem>>, vector<16xi32>,
      %swap3A_107 = vector.shape_cast %swap3A_106 : vector<16xi32> to vector<16xi32>
      %swap3A_108 = vector.shape_cast %add3A_61 : vector<16xi32> to vector<16xi32>
      tpu.vector_store %arg14[%swap3A_105], %swap3A_108 {strides = array<i32>} : memref<12672xi32, #tpu.memory_space<vmem>>, vector<16xi32>,
      %add3A_109 = arith.constant 64 : i32
      %add3A_110 = arith.addi %scan3A_40, %add3A_109 : i32
      %swap3A_111 = arith.index_cast %add3A_110 : i32 to index
      %swap3A_112 = tpu.vector_load %arg13[%swap3A_111] {strides = array<i32>} : memref<12672xi32, #tpu.memory_space<vmem>>, vector<16xi32>,
      %swap3A_113 = vector.shape_cast %swap3A_112 : vector<16xi32> to vector<16xi32>
      %swap3A_114 = vector.shape_cast %add3A_46 : vector<16xi32> to vector<16xi32>
      tpu.vector_store %arg13[%swap3A_111], %swap3A_114 {strides = array<i32>} : memref<12672xi32, #tpu.memory_space<vmem>>, vector<16xi32>,
      %add3A_115 = arith.constant 64 : i32
      %add3A_116 = arith.addi %scan3A_40, %add3A_115 : i32
      %swap3A_117 = arith.index_cast %add3A_116 : i32 to index
      %swap3A_118 = tpu.vector_load %arg14[%swap3A_117] {strides = array<i32>} : memref<12672xi32, #tpu.memory_space<vmem>>, vector<16xi32>,
      %swap3A_119 = vector.shape_cast %swap3A_118 : vector<16xi32> to vector<16xi32>
      %swap3A_120 = vector.shape_cast %add3A_61 : vector<16xi32> to vector<16xi32>
      tpu.vector_store %arg14[%swap3A_117], %swap3A_120 {strides = array<i32>} : memref<12672xi32, #tpu.memory_space<vmem>>, vector<16xi32>,
      %add3A_121 = arith.constant 80 : i32
      %add3A_122 = arith.addi %scan3A_40, %add3A_121 : i32
      %swap3A_123 = arith.index_cast %add3A_122 : i32 to index
      %swap3A_124 = tpu.vector_load %arg13[%swap3A_123] {strides = array<i32>} : memref<12672xi32, #tpu.memory_space<vmem>>, vector<16xi32>,
      %swap3A_125 = vector.shape_cast %swap3A_124 : vector<16xi32> to vector<16xi32>
      %swap3A_126 = vector.shape_cast %add3A_46 : vector<16xi32> to vector<16xi32>
      tpu.vector_store %arg13[%swap3A_123], %swap3A_126 {strides = array<i32>} : memref<12672xi32, #tpu.memory_space<vmem>>, vector<16xi32>,
      %add3A_127 = arith.constant 80 : i32
      %add3A_128 = arith.addi %scan3A_40, %add3A_127 : i32
      %swap3A_129 = arith.index_cast %add3A_128 : i32 to index
      %swap3A_130 = tpu.vector_load %arg14[%swap3A_129] {strides = array<i32>} : memref<12672xi32, #tpu.memory_space<vmem>>, vector<16xi32>,
      %swap3A_131 = vector.shape_cast %swap3A_130 : vector<16xi32> to vector<16xi32>
      %swap3A_132 = vector.shape_cast %add3A_61 : vector<16xi32> to vector<16xi32>
      tpu.vector_store %arg14[%swap3A_129], %swap3A_132 {strides = array<i32>} : memref<12672xi32, #tpu.memory_space<vmem>>, vector<16xi32>,
      %add3A_133 = arith.constant 96 : i32
      %add3A_134 = arith.addi %scan3A_40, %add3A_133 : i32
      %swap3A_135 = arith.index_cast %add3A_134 : i32 to index
      %swap3A_136 = tpu.vector_load %arg13[%swap3A_135] {strides = array<i32>} : memref<12672xi32, #tpu.memory_space<vmem>>, vector<16xi32>,
      %swap3A_137 = vector.shape_cast %swap3A_136 : vector<16xi32> to vector<16xi32>
      %swap3A_138 = vector.shape_cast %add3A_46 : vector<16xi32> to vector<16xi32>
      tpu.vector_store %arg13[%swap3A_135], %swap3A_138 {strides = array<i32>} : memref<12672xi32, #tpu.memory_space<vmem>>, vector<16xi32>,
      %add3A_139 = arith.constant 96 : i32
      %add3A_140 = arith.addi %scan3A_40, %add3A_139 : i32
      %swap3A_141 = arith.index_cast %add3A_140 : i32 to index
      %swap3A_142 = tpu.vector_load %arg14[%swap3A_141] {strides = array<i32>} : memref<12672xi32, #tpu.memory_space<vmem>>, vector<16xi32>,
      %swap3A_143 = vector.shape_cast %swap3A_142 : vector<16xi32> to vector<16xi32>
      %swap3A_144 = vector.shape_cast %add3A_61 : vector<16xi32> to vector<16xi32>
      tpu.vector_store %arg14[%swap3A_141], %swap3A_144 {strides = array<i32>} : memref<12672xi32, #tpu.memory_space<vmem>>, vector<16xi32>,
      %add3A_145 = arith.constant 112 : i32
      %add3A_146 = arith.addi %scan3A_40, %add3A_145 : i32
      %swap3A_147 = arith.index_cast %add3A_146 : i32 to index
      %swap3A_148 = tpu.vector_load %arg13[%swap3A_147] {strides = array<i32>} : memref<12672xi32, #tpu.memory_space<vmem>>, vector<16xi32>,
      %swap3A_149 = vector.shape_cast %swap3A_148 : vector<16xi32> to vector<16xi32>
      %swap3A_150 = vector.shape_cast %add3A_46 : vector<16xi32> to vector<16xi32>
      tpu.vector_store %arg13[%swap3A_147], %swap3A_150 {strides = array<i32>} : memref<12672xi32, #tpu.memory_space<vmem>>, vector<16xi32>,
      %add3A_151 = arith.constant 112 : i32
      %add3A_152 = arith.addi %scan3A_40, %add3A_151 : i32
      %swap3A_153 = arith.index_cast %add3A_152 : i32 to index
      %swap3A_154 = tpu.vector_load %arg14[%swap3A_153] {strides = array<i32>} : memref<12672xi32, #tpu.memory_space<vmem>>, vector<16xi32>,
      %swap3A_155 = vector.shape_cast %swap3A_154 : vector<16xi32> to vector<16xi32>
      %swap3A_156 = vector.shape_cast %add3A_61 : vector<16xi32> to vector<16xi32>
      tpu.vector_store %arg14[%swap3A_153], %swap3A_156 {strides = array<i32>} : memref<12672xi32, #tpu.memory_space<vmem>>, vector<16xi32>,
      %add3A_157 = arith.constant 128 : i32
      %add3A_158 = arith.addi %scan3A_40, %add3A_157 : i32
      %swap3A_159 = arith.index_cast %add3A_158 : i32 to index
      %swap3A_160 = tpu.vector_load %arg13[%swap3A_159] {strides = array<i32>} : memref<12672xi32, #tpu.memory_space<vmem>>, vector<16xi32>,
      %swap3A_161 = vector.shape_cast %swap3A_160 : vector<16xi32> to vector<16xi32>
      %swap3A_162 = vector.shape_cast %add3A_46 : vector<16xi32> to vector<16xi32>
      tpu.vector_store %arg13[%swap3A_159], %swap3A_162 {strides = array<i32>} : memref<12672xi32, #tpu.memory_space<vmem>>, vector<16xi32>,
      %add3A_163 = arith.constant 128 : i32
      %add3A_164 = arith.addi %scan3A_40, %add3A_163 : i32
      %swap3A_165 = arith.index_cast %add3A_164 : i32 to index
      %swap3A_166 = tpu.vector_load %arg14[%swap3A_165] {strides = array<i32>} : memref<12672xi32, #tpu.memory_space<vmem>>, vector<16xi32>,
      %swap3A_167 = vector.shape_cast %swap3A_166 : vector<16xi32> to vector<16xi32>
      %swap3A_168 = vector.shape_cast %add3A_61 : vector<16xi32> to vector<16xi32>
      tpu.vector_store %arg14[%swap3A_165], %swap3A_168 {strides = array<i32>} : memref<12672xi32, #tpu.memory_space<vmem>>, vector<16xi32>,
      %add3A_169 = arith.constant 63 : i32
      %add3A_170 = arith.addi %scan3A_40, %add3A_169 : i32
      %jit3A_171 = arith.constant 64 : i32
      %div3A = arith.divsi %add3A_170, %jit3A_171 : i32
      %sign3A = arith.constant 0 : i32
      %sign3A_172 = arith.cmpi sgt, %add3A_170, %sign3A : i32
      %sign3A_173 = arith.extui %sign3A_172 : i1 to i32
      %sign3A_174 = arith.constant 0 : i32
      %sign3A_175 = arith.cmpi slt, %add3A_170, %sign3A_174 : i32
      %sign3A_176 = arith.extui %sign3A_175 : i1 to i32
      %sign3A_177 = arith.subi %sign3A_173, %sign3A_176 : i32
      %sign3A_178 = arith.constant 0 : i32
      %sign3A_179 = arith.cmpi sgt, %jit3A_171, %sign3A_178 : i32
      %sign3A_180 = arith.extui %sign3A_179 : i1 to i32
      %sign3A_181 = arith.constant 0 : i32
      %sign3A_182 = arith.cmpi slt, %jit3A_171, %sign3A_181 : i32
      %sign3A_183 = arith.extui %sign3A_182 : i1 to i32
      %sign3A_184 = arith.subi %sign3A_180, %sign3A_183 : i32
      %ne3A_185 = arith.cmpi ne, %sign3A_177, %sign3A_184 : i32
      %rem3A_186 = arith.remsi %add3A_170, %jit3A_171 : i32
      %ne3A_187 = arith.constant 0 : i32
      %ne3A_188 = arith.cmpi ne, %rem3A_186, %ne3A_187 : i32
      %and3A_189 = arith.andi %ne3A_185, %ne3A_188 : i1
      %sub3A = arith.constant 1 : i32
      %sub3A_190 = arith.subi %div3A, %sub3A : i32
      %select_n3A_191 = arith.select %and3A_189, %sub3A_190, %div3A : i32
      %while3A = arith.constant 0 : i32
      %while3A_192 = arith.constant 0 : i32
      %while3A_193 = arith.subi %select_n3A_191, %while3A_192 : i32
      %while3A_194 = arith.addi %while3A_192, %while3A_193 : i32
      %while3A_195 = arith.constant 1 : i32
      %while3A_196 = arith.divsi %while3A_193, %while3A_195 : i32
      %while3A_197 = arith.muli %while3A_196, %while3A_195 : i32
      %while3A_198 = arith.addi %while3A_192, %while3A_197 : i32
      %while3A_199 = arith.constant 1 : i32
      scf.for %while3A_205 = %while3A_192 to %while3A_198 step %while3A_199  : i32 {
        %mul3A_206 = arith.constant 64 : i32
        %mul3A_207 = arith.muli %while3A_205, %mul3A_206 : i32
        %add3A_208 = arith.constant 0 : i32
        %add3A_209 = arith.addi %mul3A_207, %add3A_208 : i32
        %get3A = arith.index_cast %add3A_209 : i32 to index
        %get3A_210 = tpu.vector_load %arg14[%get3A] {strides = array<i32>} : memref<12672xi32, #tpu.memory_space<vmem>>, vector<16xi32>,
        %get3A_211 = vector.shape_cast %get3A_210 : vector<16xi32> to vector<16xi32>
        %swap3A_212 = arith.constant 0 : i32
        %swap3A_213 = arith.index_cast %swap3A_212 : i32 to index
        %swap3A_214 = arith.constant 0 : index
        %swap3A_215 = tpu.vector_load %arg15[%swap3A_213, %swap3A_214] {strides = array<i32>} : memref<2x64xi32, #tpu.memory_space<vmem>>, vector<1x16xi32>,
        %swap3A_216 = vector.shape_cast %swap3A_215 : vector<1x16xi32> to vector<16xi32>
        %swap3A_217 = vector.shape_cast %get3A_211 : vector<16xi32> to vector<1x16xi32>
        tpu.vector_store %arg15[%swap3A_213, %swap3A_214], %swap3A_217 {strides = array<i32>} : memref<2x64xi32, #tpu.memory_space<vmem>>, vector<1x16xi32>,
        %mul3A_218 = arith.constant 64 : i32
        %mul3A_219 = arith.muli %while3A_205, %mul3A_218 : i32
        %add3A_220 = arith.constant 16 : i32
        %add3A_221 = arith.addi %mul3A_219, %add3A_220 : i32
        %get3A_222 = arith.index_cast %add3A_221 : i32 to index
        %get3A_223 = tpu.vector_load %arg14[%get3A_222] {strides = array<i32>} : memref<12672xi32, #tpu.memory_space<vmem>>, vector<16xi32>,
        %get3A_224 = vector.shape_cast %get3A_223 : vector<16xi32> to vector<16xi32>
        %swap3A_225 = arith.constant 0 : i32
        %swap3A_226 = arith.index_cast %swap3A_225 : i32 to index
        %swap3A_227 = arith.constant 16 : index
        %swap3A_228 = tpu.vector_load %arg15[%swap3A_226, %swap3A_227] {strides = array<i32>} : memref<2x64xi32, #tpu.memory_space<vmem>>, vector<1x16xi32>,
        %swap3A_229 = vector.shape_cast %swap3A_228 : vector<1x16xi32> to vector<16xi32>
        %swap3A_230 = vector.shape_cast %get3A_224 : vector<16xi32> to vector<1x16xi32>
        tpu.vector_store %arg15[%swap3A_226, %swap3A_227], %swap3A_230 {strides = array<i32>} : memref<2x64xi32, #tpu.memory_space<vmem>>, vector<1x16xi32>,
        %mul3A_231 = arith.constant 64 : i32
        %mul3A_232 = arith.muli %while3A_205, %mul3A_231 : i32
        %add3A_233 = arith.constant 32 : i32
        %add3A_234 = arith.addi %mul3A_232, %add3A_233 : i32
        %get3A_235 = arith.index_cast %add3A_234 : i32 to index
        %get3A_236 = tpu.vector_load %arg14[%get3A_235] {strides = array<i32>} : memref<12672xi32, #tpu.memory_space<vmem>>, vector<16xi32>,
        %get3A_237 = vector.shape_cast %get3A_236 : vector<16xi32> to vector<16xi32>
        %swap3A_238 = arith.constant 0 : i32
        %swap3A_239 = arith.index_cast %swap3A_238 : i32 to index
        %swap3A_240 = arith.constant 32 : index
        %swap3A_241 = tpu.vector_load %arg15[%swap3A_239, %swap3A_240] {strides = array<i32>} : memref<2x64xi32, #tpu.memory_space<vmem>>, vector<1x16xi32>,
        %swap3A_242 = vector.shape_cast %swap3A_241 : vector<1x16xi32> to vector<16xi32>
        %swap3A_243 = vector.shape_cast %get3A_237 : vector<16xi32> to vector<1x16xi32>
        tpu.vector_store %arg15[%swap3A_239, %swap3A_240], %swap3A_243 {strides = array<i32>} : memref<2x64xi32, #tpu.memory_space<vmem>>, vector<1x16xi32>,
        %mul3A_244 = arith.constant 64 : i32
        %mul3A_245 = arith.muli %while3A_205, %mul3A_244 : i32
        %add3A_246 = arith.constant 48 : i32
        %add3A_247 = arith.addi %mul3A_245, %add3A_246 : i32
        %get3A_248 = arith.index_cast %add3A_247 : i32 to index
        %get3A_249 = tpu.vector_load %arg14[%get3A_248] {strides = array<i32>} : memref<12672xi32, #tpu.memory_space<vmem>>, vector<16xi32>,
        %get3A_250 = vector.shape_cast %get3A_249 : vector<16xi32> to vector<16xi32>
        %swap3A_251 = arith.constant 0 : i32
        %swap3A_252 = arith.index_cast %swap3A_251 : i32 to index
        %swap3A_253 = arith.constant 48 : index
        %swap3A_254 = tpu.vector_load %arg15[%swap3A_252, %swap3A_253] {strides = array<i32>} : memref<2x64xi32, #tpu.memory_space<vmem>>, vector<1x16xi32>,
        %swap3A_255 = vector.shape_cast %swap3A_254 : vector<1x16xi32> to vector<16xi32>
        %swap3A_256 = vector.shape_cast %get3A_250 : vector<16xi32> to vector<1x16xi32>
        tpu.vector_store %arg15[%swap3A_252, %swap3A_253], %swap3A_256 {strides = array<i32>} : memref<2x64xi32, #tpu.memory_space<vmem>>, vector<1x16xi32>,
        %mul3A_257 = arith.constant 64 : i32
        %mul3A_258 = arith.muli %while3A_205, %mul3A_257 : i32
        %dma_start3A = arith.constant 0 : i32
        %dma_start3A_259 = arith.constant 0 : i32
        %dma_start3A_260 = arith.constant 0 : i32
        %dma_start3A_261 = tpu.memref_slice %arg16[%dma_start3A, %dma_start3A_259, %dma_start3A_260] : memref<2x64x144xf32, #tpu.memory_space<vmem>> -> memref<1x64x144xf32, #tpu.memory_space<vmem>>
        %dma_start3A_262 = tpu.memref_squeeze %dma_start3A_261 : memref<1x64x144xf32, #tpu.memory_space<vmem>> -> memref<64x144xf32, #tpu.memory_space<vmem>>
        %dma_start3A_263 = tpu.memref_slice %arg13[%mul3A_258] : memref<12672xi32, #tpu.memory_space<vmem>> -> memref<64xi32, #tpu.memory_space<vmem>>
        %dma_start3A_264 = arith.constant 0 : i32
        %dma_start3A_265 = arith.constant 0 : i32
        %dma_start3A_266 = tpu.memref_slice %arg2[%dma_start3A_264, %dma_start3A_265] : memref<100000x144xf32, #tpu.memory_space<hbm>> -> memref<100000x144xf32, #tpu.memory_space<hbm>>
        tpu.enqueue_indirect_dma source(%dma_start3A_266 : memref<100000x144xf32, #tpu.memory_space<hbm>>) target(%dma_start3A_262 : memref<64x144xf32, #tpu.memory_space<vmem>>) offsets(%dma_start3A_263 : memref<64xi32, #tpu.memory_space<vmem>>) semaphore(%arg18 : memref<!tpu.dma_semaphore, #tpu.memory_space<semaphore_mem>>)
        %dma_wait3A = arith.constant 0 : i32
        %dma_wait3A_267 = arith.constant 0 : i32
        %dma_wait3A_268 = arith.constant 0 : i32
        %dma_wait3A_269 = tpu.memref_slice %arg16[%dma_wait3A, %dma_wait3A_267, %dma_wait3A_268] : memref<2x64x144xf32, #tpu.memory_space<vmem>> -> memref<1x64x144xf32, #tpu.memory_space<vmem>>
        %dma_wait3A_270 = tpu.memref_squeeze %dma_wait3A_269 : memref<1x64x144xf32, #tpu.memory_space<vmem>> -> memref<64x144xf32, #tpu.memory_space<vmem>>
        %dma_wait3A_271 = tpu.memref_slice %arg13[%mul3A_258] : memref<12672xi32, #tpu.memory_space<vmem>> -> memref<64xi32, #tpu.memory_space<vmem>>
        %dma_wait3A_272 = arith.constant 0 : i32
        %dma_wait3A_273 = arith.constant 0 : i32
        %dma_wait3A_274 = tpu.memref_slice %arg2[%dma_wait3A_272, %dma_wait3A_273] : memref<100000x144xf32, #tpu.memory_space<hbm>> -> memref<100000x144xf32, #tpu.memory_space<hbm>>
        tpu.wait_indirect_dma semaphore(%arg18 : memref<!tpu.dma_semaphore, #tpu.memory_space<semaphore_mem>>) src(%dma_wait3A_274 : memref<100000x144xf32, #tpu.memory_space<hbm>>) dst(%dma_wait3A_270 : memref<64x144xf32, #tpu.memory_space<vmem>>)
        %run_scoped3A = arith.constant 0 : i32
        %run_scoped3A_275 = arith.constant 0 : i32
        "tpu.region"() ({
          %run_scoped3A_276 = tpu.sem_alloc : memref<!tpu.dma_semaphore, #tpu.memory_space<semaphore_mem>>
          %dma_start3A_277 = arith.constant 0 : i32
          %dma_start3A_278 = arith.constant 0 : i32
          %dma_start3A_279 = tpu.memref_slice %arg16[%run_scoped3A, %dma_start3A_277, %dma_start3A_278] : memref<2x64x144xf32, #tpu.memory_space<vmem>> -> memref<1x64x144xf32, #tpu.memory_space<vmem>>
          %dma_start3A_280 = tpu.memref_squeeze %dma_start3A_279 : memref<1x64x144xf32, #tpu.memory_space<vmem>> -> memref<64x144xf32, #tpu.memory_space<vmem>>
          %dma_start3A_281 = arith.constant 0 : i32
          %dma_start3A_282 = tpu.memref_slice %arg15[%run_scoped3A_275, %dma_start3A_281] : memref<2x64xi32, #tpu.memory_space<vmem>> -> memref<1x64xi32, #tpu.memory_space<vmem>>
          %dma_start3A_283 = tpu.memref_squeeze %dma_start3A_282 : memref<1x64xi32, #tpu.memory_space<vmem>> -> memref<64xi32, #tpu.memory_space<vmem>>
          %dma_start3A_284 = arith.constant 0 : i32
          %dma_start3A_285 = arith.constant 0 : i32
          %dma_start3A_286 = tpu.memref_slice %arg17[%dma_start3A_284, %dma_start3A_285] : memref<5128x144xf32, #tpu.memory_space<vmem_shared>> -> memref<5128x144xf32, #tpu.memory_space<vmem_shared>>
          tpu.enqueue_indirect_dma source(%dma_start3A_280 : memref<64x144xf32, #tpu.memory_space<vmem>>) target(%dma_start3A_286 : memref<5128x144xf32, #tpu.memory_space<vmem_shared>>) offsets(%dma_start3A_283 : memref<64xi32, #tpu.memory_space<vmem>>) semaphore(%run_scoped3A_276 : memref<!tpu.dma_semaphore, #tpu.memory_space<semaphore_mem>>) {add = true}
          %dma_wait3A_287 = arith.constant 0 : i32
          %dma_wait3A_288 = arith.constant 0 : i32
          %dma_wait3A_289 = tpu.memref_slice %arg16[%run_scoped3A, %dma_wait3A_287, %dma_wait3A_288] : memref<2x64x144xf32, #tpu.memory_space<vmem>> -> memref<1x64x144xf32, #tpu.memory_space<vmem>>
          %dma_wait3A_290 = tpu.memref_squeeze %dma_wait3A_289 : memref<1x64x144xf32, #tpu.memory_space<vmem>> -> memref<64x144xf32, #tpu.memory_space<vmem>>
          %dma_wait3A_291 = arith.constant 0 : i32
          %dma_wait3A_292 = tpu.memref_slice %arg15[%run_scoped3A_275, %dma_wait3A_291] : memref<2x64xi32, #tpu.memory_space<vmem>> -> memref<1x64xi32, #tpu.memory_space<vmem>>
          %dma_wait3A_293 = tpu.memref_squeeze %dma_wait3A_292 : memref<1x64xi32, #tpu.memory_space<vmem>> -> memref<64xi32, #tpu.memory_space<vmem>>
          %dma_wait3A_294 = arith.constant 0 : i32
          %dma_wait3A_295 = arith.constant 0 : i32
          %dma_wait3A_296 = tpu.memref_slice %arg17[%dma_wait3A_294, %dma_wait3A_295] : memref<5128x144xf32, #tpu.memory_space<vmem_shared>> -> memref<5128x144xf32, #tpu.memory_space<vmem_shared>>
          tpu.wait_indirect_dma semaphore(%run_scoped3A_276 : memref<!tpu.dma_semaphore, #tpu.memory_space<semaphore_mem>>) src(%dma_wait3A_290 : memref<64x144xf32, #tpu.memory_space<vmem>>) dst(%dma_wait3A_296 : memref<5128x144xf32, #tpu.memory_space<vmem_shared>>)
          tpu.yield
        }) : () -> ()
      }
      %while3A_200 = arith.constant 1 : i32
      scf.for %while3A_205 = %while3A_198 to %while3A_194 step %while3A_200  : i32 {
        %mul3A_206 = arith.constant 64 : i32
        %mul3A_207 = arith.muli %while3A_205, %mul3A_206 : i32
        %add3A_208 = arith.constant 0 : i32
        %add3A_209 = arith.addi %mul3A_207, %add3A_208 : i32
        %get3A = arith.index_cast %add3A_209 : i32 to index
        %get3A_210 = tpu.vector_load %arg14[%get3A] {strides = array<i32>} : memref<12672xi32, #tpu.memory_space<vmem>>, vector<16xi32>,
        %get3A_211 = vector.shape_cast %get3A_210 : vector<16xi32> to vector<16xi32>
        %swap3A_212 = arith.constant 0 : i32
        %swap3A_213 = arith.index_cast %swap3A_212 : i32 to index
        %swap3A_214 = arith.constant 0 : index
        %swap3A_215 = tpu.vector_load %arg15[%swap3A_213, %swap3A_214] {strides = array<i32>} : memref<2x64xi32, #tpu.memory_space<vmem>>, vector<1x16xi32>,
        %swap3A_216 = vector.shape_cast %swap3A_215 : vector<1x16xi32> to vector<16xi32>
        %swap3A_217 = vector.shape_cast %get3A_211 : vector<16xi32> to vector<1x16xi32>
        tpu.vector_store %arg15[%swap3A_213, %swap3A_214], %swap3A_217 {strides = array<i32>} : memref<2x64xi32, #tpu.memory_space<vmem>>, vector<1x16xi32>,
        %mul3A_218 = arith.constant 64 : i32
        %mul3A_219 = arith.muli %while3A_205, %mul3A_218 : i32
        %add3A_220 = arith.constant 16 : i32
        %add3A_221 = arith.addi %mul3A_219, %add3A_220 : i32
        %get3A_222 = arith.index_cast %add3A_221 : i32 to index
        %get3A_223 = tpu.vector_load %arg14[%get3A_222] {strides = array<i32>} : memref<12672xi32, #tpu.memory_space<vmem>>, vector<16xi32>,
        %get3A_224 = vector.shape_cast %get3A_223 : vector<16xi32> to vector<16xi32>
        %swap3A_225 = arith.constant 0 : i32
        %swap3A_226 = arith.index_cast %swap3A_225 : i32 to index
        %swap3A_227 = arith.constant 16 : index
        %swap3A_228 = tpu.vector_load %arg15[%swap3A_226, %swap3A_227] {strides = array<i32>} : memref<2x64xi32, #tpu.memory_space<vmem>>, vector<1x16xi32>,
        %swap3A_229 = vector.shape_cast %swap3A_228 : vector<1x16xi32> to vector<16xi32>
        %swap3A_230 = vector.shape_cast %get3A_224 : vector<16xi32> to vector<1x16xi32>
        tpu.vector_store %arg15[%swap3A_226, %swap3A_227], %swap3A_230 {strides = array<i32>} : memref<2x64xi32, #tpu.memory_space<vmem>>, vector<1x16xi32>,
        %mul3A_231 = arith.constant 64 : i32
        %mul3A_232 = arith.muli %while3A_205, %mul3A_231 : i32
        %add3A_233 = arith.constant 32 : i32
        %add3A_234 = arith.addi %mul3A_232, %add3A_233 : i32
        %get3A_235 = arith.index_cast %add3A_234 : i32 to index
        %get3A_236 = tpu.vector_load %arg14[%get3A_235] {strides = array<i32>} : memref<12672xi32, #tpu.memory_space<vmem>>, vector<16xi32>,
        %get3A_237 = vector.shape_cast %get3A_236 : vector<16xi32> to vector<16xi32>
        %swap3A_238 = arith.constant 0 : i32
        %swap3A_239 = arith.index_cast %swap3A_238 : i32 to index
        %swap3A_240 = arith.constant 32 : index
        %swap3A_241 = tpu.vector_load %arg15[%swap3A_239, %swap3A_240] {strides = array<i32>} : memref<2x64xi32, #tpu.memory_space<vmem>>, vector<1x16xi32>,
        %swap3A_242 = vector.shape_cast %swap3A_241 : vector<1x16xi32> to vector<16xi32>
        %swap3A_243 = vector.shape_cast %get3A_237 : vector<16xi32> to vector<1x16xi32>
        tpu.vector_store %arg15[%swap3A_239, %swap3A_240], %swap3A_243 {strides = array<i32>} : memref<2x64xi32, #tpu.memory_space<vmem>>, vector<1x16xi32>,
        %mul3A_244 = arith.constant 64 : i32
        %mul3A_245 = arith.muli %while3A_205, %mul3A_244 : i32
        %add3A_246 = arith.constant 48 : i32
        %add3A_247 = arith.addi %mul3A_245, %add3A_246 : i32
        %get3A_248 = arith.index_cast %add3A_247 : i32 to index
        %get3A_249 = tpu.vector_load %arg14[%get3A_248] {strides = array<i32>} : memref<12672xi32, #tpu.memory_space<vmem>>, vector<16xi32>,
        %get3A_250 = vector.shape_cast %get3A_249 : vector<16xi32> to vector<16xi32>
        %swap3A_251 = arith.constant 0 : i32
        %swap3A_252 = arith.index_cast %swap3A_251 : i32 to index
        %swap3A_253 = arith.constant 48 : index
        %swap3A_254 = tpu.vector_load %arg15[%swap3A_252, %swap3A_253] {strides = array<i32>} : memref<2x64xi32, #tpu.memory_space<vmem>>, vector<1x16xi32>,
        %swap3A_255 = vector.shape_cast %swap3A_254 : vector<1x16xi32> to vector<16xi32>
        %swap3A_256 = vector.shape_cast %get3A_250 : vector<16xi32> to vector<1x16xi32>
        tpu.vector_store %arg15[%swap3A_252, %swap3A_253], %swap3A_256 {strides = array<i32>} : memref<2x64xi32, #tpu.memory_space<vmem>>, vector<1x16xi32>,
        %mul3A_257 = arith.constant 64 : i32
        %mul3A_258 = arith.muli %while3A_205, %mul3A_257 : i32
        %dma_start3A = arith.constant 0 : i32
        %dma_start3A_259 = arith.constant 0 : i32
        %dma_start3A_260 = arith.constant 0 : i32
        %dma_start3A_261 = tpu.memref_slice %arg16[%dma_start3A, %dma_start3A_259, %dma_start3A_260] : memref<2x64x144xf32, #tpu.memory_space<vmem>> -> memref<1x64x144xf32, #tpu.memory_space<vmem>>
        %dma_start3A_262 = tpu.memref_squeeze %dma_start3A_261 : memref<1x64x144xf32, #tpu.memory_space<vmem>> -> memref<64x144xf32, #tpu.memory_space<vmem>>
        %dma_start3A_263 = tpu.memref_slice %arg13[%mul3A_258] : memref<12672xi32, #tpu.memory_space<vmem>> -> memref<64xi32, #tpu.memory_space<vmem>>
        %dma_start3A_264 = arith.constant 0 : i32
        %dma_start3A_265 = arith.constant 0 : i32
        %dma_start3A_266 = tpu.memref_slice %arg2[%dma_start3A_264, %dma_start3A_265] : memref<100000x144xf32, #tpu.memory_space<hbm>> -> memref<100000x144xf32, #tpu.memory_space<hbm>>
        tpu.enqueue_indirect_dma source(%dma_start3A_266 : memref<100000x144xf32, #tpu.memory_space<hbm>>) target(%dma_start3A_262 : memref<64x144xf32, #tpu.memory_space<vmem>>) offsets(%dma_start3A_263 : memref<64xi32, #tpu.memory_space<vmem>>) semaphore(%arg18 : memref<!tpu.dma_semaphore, #tpu.memory_space<semaphore_mem>>)
        %dma_wait3A = arith.constant 0 : i32
        %dma_wait3A_267 = arith.constant 0 : i32
        %dma_wait3A_268 = arith.constant 0 : i32
        %dma_wait3A_269 = tpu.memref_slice %arg16[%dma_wait3A, %dma_wait3A_267, %dma_wait3A_268] : memref<2x64x144xf32, #tpu.memory_space<vmem>> -> memref<1x64x144xf32, #tpu.memory_space<vmem>>
        %dma_wait3A_270 = tpu.memref_squeeze %dma_wait3A_269 : memref<1x64x144xf32, #tpu.memory_space<vmem>> -> memref<64x144xf32, #tpu.memory_space<vmem>>
        %dma_wait3A_271 = tpu.memref_slice %arg13[%mul3A_258] : memref<12672xi32, #tpu.memory_space<vmem>> -> memref<64xi32, #tpu.memory_space<vmem>>
        %dma_wait3A_272 = arith.constant 0 : i32
        %dma_wait3A_273 = arith.constant 0 : i32
        %dma_wait3A_274 = tpu.memref_slice %arg2[%dma_wait3A_272, %dma_wait3A_273] : memref<100000x144xf32, #tpu.memory_space<hbm>> -> memref<100000x144xf32, #tpu.memory_space<hbm>>
        tpu.wait_indirect_dma semaphore(%arg18 : memref<!tpu.dma_semaphore, #tpu.memory_space<semaphore_mem>>) src(%dma_wait3A_274 : memref<100000x144xf32, #tpu.memory_space<hbm>>) dst(%dma_wait3A_270 : memref<64x144xf32, #tpu.memory_space<vmem>>)
        %run_scoped3A = arith.constant 0 : i32
        %run_scoped3A_275 = arith.constant 0 : i32
        "tpu.region"() ({
          %run_scoped3A_276 = tpu.sem_alloc : memref<!tpu.dma_semaphore, #tpu.memory_space<semaphore_mem>>
          %dma_start3A_277 = arith.constant 0 : i32
          %dma_start3A_278 = arith.constant 0 : i32
          %dma_start3A_279 = tpu.memref_slice %arg16[%run_scoped3A, %dma_start3A_277, %dma_start3A_278] : memref<2x64x144xf32, #tpu.memory_space<vmem>> -> memref<1x64x144xf32, #tpu.memory_space<vmem>>
          %dma_start3A_280 = tpu.memref_squeeze %dma_start3A_279 : memref<1x64x144xf32, #tpu.memory_space<vmem>> -> memref<64x144xf32, #tpu.memory_space<vmem>>
          %dma_start3A_281 = arith.constant 0 : i32
          %dma_start3A_282 = tpu.memref_slice %arg15[%run_scoped3A_275, %dma_start3A_281] : memref<2x64xi32, #tpu.memory_space<vmem>> -> memref<1x64xi32, #tpu.memory_space<vmem>>
          %dma_start3A_283 = tpu.memref_squeeze %dma_start3A_282 : memref<1x64xi32, #tpu.memory_space<vmem>> -> memref<64xi32, #tpu.memory_space<vmem>>
          %dma_start3A_284 = arith.constant 0 : i32
          %dma_start3A_285 = arith.constant 0 : i32
          %dma_start3A_286 = tpu.memref_slice %arg17[%dma_start3A_284, %dma_start3A_285] : memref<5128x144xf32, #tpu.memory_space<vmem_shared>> -> memref<5128x144xf32, #tpu.memory_space<vmem_shared>>
          tpu.enqueue_indirect_dma source(%dma_start3A_280 : memref<64x144xf32, #tpu.memory_space<vmem>>) target(%dma_start3A_286 : memref<5128x144xf32, #tpu.memory_space<vmem_shared>>) offsets(%dma_start3A_283 : memref<64xi32, #tpu.memory_space<vmem>>) semaphore(%run_scoped3A_276 : memref<!tpu.dma_semaphore, #tpu.memory_space<semaphore_mem>>) {add = true}
          %dma_wait3A_287 = arith.constant 0 : i32
          %dma_wait3A_288 = arith.constant 0 : i32
          %dma_wait3A_289 = tpu.memref_slice %arg16[%run_scoped3A, %dma_wait3A_287, %dma_wait3A_288] : memref<2x64x144xf32, #tpu.memory_space<vmem>> -> memref<1x64x144xf32, #tpu.memory_space<vmem>>
          %dma_wait3A_290 = tpu.memref_squeeze %dma_wait3A_289 : memref<1x64x144xf32, #tpu.memory_space<vmem>> -> memref<64x144xf32, #tpu.memory_space<vmem>>
          %dma_wait3A_291 = arith.constant 0 : i32
          %dma_wait3A_292 = tpu.memref_slice %arg15[%run_scoped3A_275, %dma_wait3A_291] : memref<2x64xi32, #tpu.memory_space<vmem>> -> memref<1x64xi32, #tpu.memory_space<vmem>>
          %dma_wait3A_293 = tpu.memref_squeeze %dma_wait3A_292 : memref<1x64xi32, #tpu.memory_space<vmem>> -> memref<64xi32, #tpu.memory_space<vmem>>
          %dma_wait3A_294 = arith.constant 0 : i32
          %dma_wait3A_295 = arith.constant 0 : i32
          %dma_wait3A_296 = tpu.memref_slice %arg17[%dma_wait3A_294, %dma_wait3A_295] : memref<5128x144xf32, #tpu.memory_space<vmem_shared>> -> memref<5128x144xf32, #tpu.memory_space<vmem_shared>>
          tpu.wait_indirect_dma semaphore(%run_scoped3A_276 : memref<!tpu.dma_semaphore, #tpu.memory_space<semaphore_mem>>) src(%dma_wait3A_290 : memref<64x144xf32, #tpu.memory_space<vmem>>) dst(%dma_wait3A_296 : memref<5128x144xf32, #tpu.memory_space<vmem_shared>>)
          tpu.yield
        }) : () -> ()
      }
      %barrier3A_201 = arith.constant 0 : index
      tpu.barrier barrier_id(%barrier3A_201)
      %lt3A_202 = arith.constant 20 : i32
      %lt3A_203 = arith.cmpi slt, %add3A_28, %lt3A_202 : i32
      %convert_element_type3A = arith.extui %lt3A_203 : i1 to i32
      %cond3A = arith.constant 0 : i32
      %cond3A_204 = arith.cmpi ne, %convert_element_type3A, %cond3A : i32
      scf.if %cond3A_204 {
        %mul3A_205 = arith.constant 320 : i32
        %mul3A_206 = arith.muli %arg1, %mul3A_205 : i32
        %mul3A_207 = arith.constant 5120 : i32
        %mul3A_208 = arith.muli %add3A_28, %mul3A_207 : i32
        %mul3A_209 = arith.constant 320 : i32
        %mul3A_210 = arith.muli %arg1, %mul3A_209 : i32
        %add3A_211 = arith.addi %mul3A_208, %mul3A_210 : i32
        %run_scoped3A = arith.constant 0 : i32
        "tpu.region"() ({
          %run_scoped3A_212 = tpu.sem_alloc : memref<!tpu.dma_semaphore, #tpu.memory_space<semaphore_mem>>
          %dma_start3A = arith.constant 0 : i32
          %dma_start3A_213 = tpu.memref_slice %arg10[%run_scoped3A, %add3A_211, %dma_start3A] : memref<3x102400x144xf32, #tpu.memory_space<hbm>> -> memref<1x320x144xf32, #tpu.memory_space<hbm>>
          %dma_start3A_214 = tpu.memref_squeeze %dma_start3A_213 : memref<1x320x144xf32, #tpu.memory_space<hbm>> -> memref<320x144xf32, #tpu.memory_space<hbm>>
          %dma_start3A_215 = arith.constant 0 : i32
          %dma_start3A_216 = tpu.memref_slice %arg17[%mul3A_206, %dma_start3A_215] : memref<5128x144xf32, #tpu.memory_space<vmem_shared>> -> memref<320x144xf32, #tpu.memory_space<vmem_shared>>
          tpu.enqueue_dma source(%dma_start3A_216 : memref<320x144xf32, #tpu.memory_space<vmem_shared>>) target(%dma_start3A_214 : memref<320x144xf32, #tpu.memory_space<hbm>>) target_semaphore(%run_scoped3A_212 : memref<!tpu.dma_semaphore, #tpu.memory_space<semaphore_mem>>)
          %dma_wait3A = arith.constant 0 : i32
          %dma_wait3A_217 = tpu.memref_slice %arg10[%run_scoped3A, %add3A_211, %dma_wait3A] : memref<3x102400x144xf32, #tpu.memory_space<hbm>> -> memref<1x320x144xf32, #tpu.memory_space<hbm>>
          %dma_wait3A_218 = tpu.memref_squeeze %dma_wait3A_217 : memref<1x320x144xf32, #tpu.memory_space<hbm>> -> memref<320x144xf32, #tpu.memory_space<hbm>>
          %dma_wait3A_219 = arith.constant 0 : i32
          %dma_wait3A_220 = tpu.memref_slice %arg17[%mul3A_206, %dma_wait3A_219] : memref<5128x144xf32, #tpu.memory_space<vmem_shared>> -> memref<320x144xf32, #tpu.memory_space<vmem_shared>>
          tpu.wait_dma2 semaphore(%run_scoped3A_212 : memref<!tpu.dma_semaphore, #tpu.memory_space<semaphore_mem>>) src(%dma_wait3A_220 : memref<320x144xf32, #tpu.memory_space<vmem_shared>>) dst(%dma_wait3A_218 : memref<320x144xf32, #tpu.memory_space<hbm>>)
          tpu.yield
        }) : () -> ()
      } else {
      }
    }
    %scan3A_8 = arith.constant 10 : i32
    %mul3A_9 = arith.constant 12512 : i32
    %mul3A_10 = arith.muli %arg1, %mul3A_9 : i32
    "tpu.region"() ({
      %run_scoped3A = tpu.sem_alloc : memref<!tpu.dma_semaphore, #tpu.memory_space<semaphore_mem>>
      %dma_start3A = tpu.memref_slice %arg5[%mul3A_10] : memref<200192xi32, #tpu.memory_space<hbm>> -> memref<12512xi32, #tpu.memory_space<hbm>>
      %dma_start3A_25 = tpu.memref_slice %arg5[%mul3A_10] : memref<200192xi32, #tpu.memory_space<hbm>> -> memref<12512xi32, #tpu.memory_space<hbm>>
      tpu.enqueue_dma source(%dma_start3A_25 : memref<12512xi32, #tpu.memory_space<hbm>>) target(%arg11 : memref<12512xi32, #tpu.memory_space<vmem>>) target_semaphore(%run_scoped3A : memref<!tpu.dma_semaphore, #tpu.memory_space<semaphore_mem>>)
      %dma_wait3A = tpu.memref_slice %arg5[%mul3A_10] : memref<200192xi32, #tpu.memory_space<hbm>> -> memref<12512xi32, #tpu.memory_space<hbm>>
      %dma_wait3A_26 = tpu.memref_slice %arg5[%mul3A_10] : memref<200192xi32, #tpu.memory_space<hbm>> -> memref<12512xi32, #tpu.memory_space<hbm>>
      tpu.wait_dma2 semaphore(%run_scoped3A : memref<!tpu.dma_semaphore, #tpu.memory_space<semaphore_mem>>) src(%dma_wait3A_26 : memref<12512xi32, #tpu.memory_space<hbm>>) dst(%arg11 : memref<12512xi32, #tpu.memory_space<vmem>>)
      tpu.yield
    }) : () -> ()
    "tpu.region"() ({
      %run_scoped3A = tpu.sem_alloc : memref<!tpu.dma_semaphore, #tpu.memory_space<semaphore_mem>>
      %dma_start3A = tpu.memref_slice %arg6[%mul3A_10] : memref<200192xi32, #tpu.memory_space<hbm>> -> memref<12512xi32, #tpu.memory_space<hbm>>
      %dma_start3A_25 = tpu.memref_slice %arg6[%mul3A_10] : memref<200192xi32, #tpu.memory_space<hbm>> -> memref<12512xi32, #tpu.memory_space<hbm>>
      tpu.enqueue_dma source(%dma_start3A_25 : memref<12512xi32, #tpu.memory_space<hbm>>) target(%arg12 : memref<12512xi32, #tpu.memory_space<vmem>>) target_semaphore(%run_scoped3A : memref<!tpu.dma_semaphore, #tpu.memory_space<semaphore_mem>>)
      %dma_wait3A = tpu.memref_slice %arg6[%mul3A_10] : memref<200192xi32, #tpu.memory_space<hbm>> -> memref<12512xi32, #tpu.memory_space<hbm>>
      %dma_wait3A_26 = tpu.memref_slice %arg6[%mul3A_10] : memref<200192xi32, #tpu.memory_space<hbm>> -> memref<12512xi32, #tpu.memory_space<hbm>>
      tpu.wait_dma2 semaphore(%run_scoped3A : memref<!tpu.dma_semaphore, #tpu.memory_space<semaphore_mem>>) src(%dma_wait3A_26 : memref<12512xi32, #tpu.memory_space<hbm>>) dst(%arg12 : memref<12512xi32, #tpu.memory_space<vmem>>)
      tpu.yield
    }) : () -> ()
    %scan3A_11 = arith.constant 0 : i32
    %scan3A_12 = arith.constant 0 : i32
    %scan3A_13 = arith.constant 10 : i32
    %scan3A_14 = arith.addi %scan3A_12, %scan3A_13 : i32
    %scan3A_15 = arith.constant 1 : i32
    scf.for %scan3A_25 = %scan3A_12 to %scan3A_14 step %scan3A_15  : i32 {
      %mul3A_26 = arith.constant 10 : i32
      %mul3A_27 = arith.muli %arg0, %mul3A_26 : i32
      %add3A_28 = arith.addi %mul3A_27, %scan3A_25 : i32
      %mul3A_29 = arith.constant 5120 : i32
      %mul3A_30 = arith.muli %add3A_28, %mul3A_29 : i32
      %add3A_31 = arith.constant 5120 : i32
      %add3A_32 = arith.addi %mul3A_30, %add3A_31 : i32
      %mul3A_33 = arith.constant 320 : i32
      %mul3A_34 = arith.muli %arg1, %mul3A_33 : i32
      "tpu.region"() ({
        %run_scoped3A = tpu.sem_alloc : memref<!tpu.dma_semaphore, #tpu.memory_space<semaphore_mem>>
        %dma_start3A = arith.constant 0 : i32
        %dma_start3A_205 = tpu.memref_slice %arg17[%mul3A_34, %dma_start3A] : memref<5128x144xf32, #tpu.memory_space<vmem_shared>> -> memref<320x144xf32, #tpu.memory_space<vmem_shared>>
        tpu.enqueue_dma source(%arg9 : memref<320x144xf32, #tpu.memory_space<hbm>>) target(%dma_start3A_205 : memref<320x144xf32, #tpu.memory_space<vmem_shared>>) target_semaphore(%run_scoped3A : memref<!tpu.dma_semaphore, #tpu.memory_space<semaphore_mem>>)
        %dma_wait3A = arith.constant 0 : i32
        %dma_wait3A_206 = tpu.memref_slice %arg17[%mul3A_34, %dma_wait3A] : memref<5128x144xf32, #tpu.memory_space<vmem_shared>> -> memref<320x144xf32, #tpu.memory_space<vmem_shared>>
        tpu.wait_dma2 semaphore(%run_scoped3A : memref<!tpu.dma_semaphore, #tpu.memory_space<semaphore_mem>>) src(%arg9 : memref<320x144xf32, #tpu.memory_space<hbm>>) dst(%dma_wait3A_206 : memref<320x144xf32, #tpu.memory_space<vmem_shared>>)
        tpu.yield
      }) : () -> ()
      %barrier3A = arith.constant 0 : index
      tpu.barrier barrier_id(%barrier3A)
      %scan3A_35 = arith.constant 0 : i32
      %scan3A_36 = arith.constant 0 : i32
      %scan3A_37 = arith.constant 782 : i32
      %scan3A_38 = arith.addi %scan3A_36, %scan3A_37 : i32
      %scan3A_39 = arith.constant 1 : i32
      %scan3A_40 = scf.for %scan3A_205 = %scan3A_36 to %scan3A_38 step %scan3A_39 iter_args(%scan3A_206 = %scan3A_35) -> (i32)  : i32 {
        %mul3A_207 = arith.constant 16 : i32
        %mul3A_208 = arith.muli %scan3A_205, %mul3A_207 : i32
        %get3A = arith.index_cast %mul3A_208 : i32 to index
        %get3A_209 = tpu.vector_load %arg12[%get3A] {strides = array<i32>} : memref<12512xi32, #tpu.memory_space<vmem>>, vector<16xi32>,
        %get3A_210 = vector.shape_cast %get3A_209 : vector<16xi32> to vector<16xi32>
        %mul3A_211 = arith.constant 16 : i32
        %mul3A_212 = arith.muli %scan3A_205, %mul3A_211 : i32
        %get3A_213 = arith.index_cast %mul3A_212 : i32 to index
        %get3A_214 = tpu.vector_load %arg11[%get3A_213] {strides = array<i32>} : memref<12512xi32, #tpu.memory_space<vmem>>, vector<16xi32>,
        %get3A_215 = vector.shape_cast %get3A_214 : vector<16xi32> to vector<16xi32>
        %ge3A = vector.broadcast %mul3A_30 : i32 to vector<16xi32>
        %ge3A_216 = arith.cmpi sge, %get3A_210, %ge3A : vector<16xi32>
        %lt3A_217 = vector.broadcast %add3A_32 : i32 to vector<16xi32>
        %lt3A_218 = arith.cmpi slt, %get3A_210, %lt3A_217 : vector<16xi32>
        %and3A_219 = arith.andi %ge3A_216, %lt3A_218 : vector<16xi1>
        %iota3A = tpu.iota {dimensions = array<i32: 0>} : vector<16xi32>
        %jit3A_220 = arith.constant 1 : i32
        %jit3A_221 = arith.constant 0 : i32
        %broadcast_in_dim3A_222 = vector.broadcast %jit3A_220 : i32 to vector<16xi32>
        %broadcast_in_dim3A_223 = vector.broadcast %jit3A_221 : i32 to vector<16xi32>
        %select_n3A_224 = arith.select %and3A_219, %broadcast_in_dim3A_222, %broadcast_in_dim3A_223 : vector<16xi1>, vector<16xi32>
        %sub3A_225 = arith.constant 1 : i32
        %sub3A_226 = vector.broadcast %sub3A_225 : i32 to vector<16xi32>
        %sub3A_227 = arith.subi %iota3A, %sub3A_226 : vector<16xi32>
        %max3A = arith.constant 0 : i32
        %max3A_228 = vector.broadcast %max3A : i32 to vector<16xi32>
        %max3A_229 = arith.maxsi %sub3A_227, %max3A_228 : vector<16xi32>
        %lt3A_230 = arith.constant 0 : i32
        %lt3A_231 = vector.broadcast %lt3A_230 : i32 to vector<16xi32>
        %lt3A_232 = arith.cmpi slt, %max3A_229, %lt3A_231 : vector<16xi32>
        %add3A_233 = arith.constant 16 : i32
        %add3A_234 = vector.broadcast %add3A_233 : i32 to vector<16xi32>
        %add3A_235 = arith.addi %max3A_229, %add3A_234 : vector<16xi32>
        %select_n3A_236 = arith.select %lt3A_232, %add3A_235, %max3A_229 : vector<16xi1>, vector<16xi32>
        %broadcast_in_dim3A_237 = vector.shape_cast %select_n3A_236 : vector<16xi32> to vector<16x1xi32>
        %gather3A = vector.shape_cast %broadcast_in_dim3A_237 : vector<16x1xi32> to vector<16xi32>
        %gather3A_238 = tpu.dynamic_gather %select_n3A_224[%gather3A] in [0] : vector<16xi32>, vector<16xi32> -> vector<16xi32>
        %ge3A_239 = arith.constant 1 : i32
        %ge3A_240 = vector.broadcast %ge3A_239 : i32 to vector<16xi32>
        %ge3A_241 = arith.cmpi sge, %iota3A, %ge3A_240 : vector<16xi32>
        %jit3A_242 = arith.constant 0 : i32
        %broadcast_in_dim3A_243 = vector.broadcast %jit3A_242 : i32 to vector<16xi32>
        %select_n3A_244 = arith.select %ge3A_241, %gather3A_238, %broadcast_in_dim3A_243 : vector<16xi1>, vector<16xi32>
        %add3A_245 = arith.addi %select_n3A_224, %select_n3A_244 : vector<16xi32>
        %sub3A_246 = arith.constant 2 : i32
        %sub3A_247 = vector.broadcast %sub3A_246 : i32 to vector<16xi32>
        %sub3A_248 = arith.subi %iota3A, %sub3A_247 : vector<16xi32>
        %max3A_249 = arith.constant 0 : i32
        %max3A_250 = vector.broadcast %max3A_249 : i32 to vector<16xi32>
        %max3A_251 = arith.maxsi %sub3A_248, %max3A_250 : vector<16xi32>
        %lt3A_252 = arith.constant 0 : i32
        %lt3A_253 = vector.broadcast %lt3A_252 : i32 to vector<16xi32>
        %lt3A_254 = arith.cmpi slt, %max3A_251, %lt3A_253 : vector<16xi32>
        %add3A_255 = arith.constant 16 : i32
        %add3A_256 = vector.broadcast %add3A_255 : i32 to vector<16xi32>
        %add3A_257 = arith.addi %max3A_251, %add3A_256 : vector<16xi32>
        %select_n3A_258 = arith.select %lt3A_254, %add3A_257, %max3A_251 : vector<16xi1>, vector<16xi32>
        %broadcast_in_dim3A_259 = vector.shape_cast %select_n3A_258 : vector<16xi32> to vector<16x1xi32>
        %gather3A_260 = vector.shape_cast %broadcast_in_dim3A_259 : vector<16x1xi32> to vector<16xi32>
        %gather3A_261 = tpu.dynamic_gather %add3A_245[%gather3A_260] in [0] : vector<16xi32>, vector<16xi32> -> vector<16xi32>
        %ge3A_262 = arith.constant 2 : i32
        %ge3A_263 = vector.broadcast %ge3A_262 : i32 to vector<16xi32>
        %ge3A_264 = arith.cmpi sge, %iota3A, %ge3A_263 : vector<16xi32>
        %jit3A_265 = arith.constant 0 : i32
        %broadcast_in_dim3A_266 = vector.broadcast %jit3A_265 : i32 to vector<16xi32>
        %select_n3A_267 = arith.select %ge3A_264, %gather3A_261, %broadcast_in_dim3A_266 : vector<16xi1>, vector<16xi32>
        %add3A_268 = arith.addi %add3A_245, %select_n3A_267 : vector<16xi32>
        %sub3A_269 = arith.constant 4 : i32
        %sub3A_270 = vector.broadcast %sub3A_269 : i32 to vector<16xi32>
        %sub3A_271 = arith.subi %iota3A, %sub3A_270 : vector<16xi32>
        %max3A_272 = arith.constant 0 : i32
        %max3A_273 = vector.broadcast %max3A_272 : i32 to vector<16xi32>
        %max3A_274 = arith.maxsi %sub3A_271, %max3A_273 : vector<16xi32>
        %lt3A_275 = arith.constant 0 : i32
        %lt3A_276 = vector.broadcast %lt3A_275 : i32 to vector<16xi32>
        %lt3A_277 = arith.cmpi slt, %max3A_274, %lt3A_276 : vector<16xi32>
        %add3A_278 = arith.constant 16 : i32
        %add3A_279 = vector.broadcast %add3A_278 : i32 to vector<16xi32>
        %add3A_280 = arith.addi %max3A_274, %add3A_279 : vector<16xi32>
        %select_n3A_281 = arith.select %lt3A_277, %add3A_280, %max3A_274 : vector<16xi1>, vector<16xi32>
        %broadcast_in_dim3A_282 = vector.shape_cast %select_n3A_281 : vector<16xi32> to vector<16x1xi32>
        %gather3A_283 = vector.shape_cast %broadcast_in_dim3A_282 : vector<16x1xi32> to vector<16xi32>
        %gather3A_284 = tpu.dynamic_gather %add3A_268[%gather3A_283] in [0] : vector<16xi32>, vector<16xi32> -> vector<16xi32>
        %ge3A_285 = arith.constant 4 : i32
        %ge3A_286 = vector.broadcast %ge3A_285 : i32 to vector<16xi32>
        %ge3A_287 = arith.cmpi sge, %iota3A, %ge3A_286 : vector<16xi32>
        %jit3A_288 = arith.constant 0 : i32
        %broadcast_in_dim3A_289 = vector.broadcast %jit3A_288 : i32 to vector<16xi32>
        %select_n3A_290 = arith.select %ge3A_287, %gather3A_284, %broadcast_in_dim3A_289 : vector<16xi1>, vector<16xi32>
        %add3A_291 = arith.addi %add3A_268, %select_n3A_290 : vector<16xi32>
        %sub3A_292 = arith.constant 8 : i32
        %sub3A_293 = vector.broadcast %sub3A_292 : i32 to vector<16xi32>
        %sub3A_294 = arith.subi %iota3A, %sub3A_293 : vector<16xi32>
        %max3A_295 = arith.constant 0 : i32
        %max3A_296 = vector.broadcast %max3A_295 : i32 to vector<16xi32>
        %max3A_297 = arith.maxsi %sub3A_294, %max3A_296 : vector<16xi32>
        %lt3A_298 = arith.constant 0 : i32
        %lt3A_299 = vector.broadcast %lt3A_298 : i32 to vector<16xi32>
        %lt3A_300 = arith.cmpi slt, %max3A_297, %lt3A_299 : vector<16xi32>
        %add3A_301 = arith.constant 16 : i32
        %add3A_302 = vector.broadcast %add3A_301 : i32 to vector<16xi32>
        %add3A_303 = arith.addi %max3A_297, %add3A_302 : vector<16xi32>
        %select_n3A_304 = arith.select %lt3A_300, %add3A_303, %max3A_297 : vector<16xi1>, vector<16xi32>
        %broadcast_in_dim3A_305 = vector.shape_cast %select_n3A_304 : vector<16xi32> to vector<16x1xi32>
        %gather3A_306 = vector.shape_cast %broadcast_in_dim3A_305 : vector<16x1xi32> to vector<16xi32>
        %gather3A_307 = tpu.dynamic_gather %add3A_291[%gather3A_306] in [0] : vector<16xi32>, vector<16xi32> -> vector<16xi32>
        %ge3A_308 = arith.constant 8 : i32
        %ge3A_309 = vector.broadcast %ge3A_308 : i32 to vector<16xi32>
        %ge3A_310 = arith.cmpi sge, %iota3A, %ge3A_309 : vector<16xi32>
        %jit3A_311 = arith.constant 0 : i32
        %broadcast_in_dim3A_312 = vector.broadcast %jit3A_311 : i32 to vector<16xi32>
        %select_n3A_313 = arith.select %ge3A_310, %gather3A_307, %broadcast_in_dim3A_312 : vector<16xi1>, vector<16xi32>
        %add3A_314 = arith.addi %add3A_291, %select_n3A_313 : vector<16xi32>
        %add3A_315 = arith.constant 1 : i32
        %add3A_316 = vector.broadcast %add3A_315 : i32 to vector<16xi32>
        %add3A_317 = arith.addi %iota3A, %add3A_316 : vector<16xi32>
        %broadcast_in_dim3A_318 = arith.constant 0 : i32
        %broadcast_in_dim3A_319 = vector.broadcast %broadcast_in_dim3A_318 : i32 to vector<16xi32>
        %add3A_320 = arith.constant 7 : i32
        %add3A_321 = vector.broadcast %add3A_320 : i32 to vector<16xi32>
        %add3A_322 = arith.addi %broadcast_in_dim3A_319, %add3A_321 : vector<16xi32>
        %lt3A_323 = arith.constant 0 : i32
        %lt3A_324 = vector.broadcast %lt3A_323 : i32 to vector<16xi32>
        %lt3A_325 = arith.cmpi slt, %add3A_322, %lt3A_324 : vector<16xi32>
        %add3A_326 = arith.constant 16 : i32
        %add3A_327 = vector.broadcast %add3A_326 : i32 to vector<16xi32>
        %add3A_328 = arith.addi %add3A_322, %add3A_327 : vector<16xi32>
        %select_n3A_329 = arith.select %lt3A_325, %add3A_328, %add3A_322 : vector<16xi1>, vector<16xi32>
        %broadcast_in_dim3A_330 = vector.shape_cast %select_n3A_329 : vector<16xi32> to vector<16x1xi32>
        %gather3A_331 = vector.shape_cast %broadcast_in_dim3A_330 : vector<16x1xi32> to vector<16xi32>
        %gather3A_332 = tpu.dynamic_gather %add3A_314[%gather3A_331] in [0] : vector<16xi32>, vector<16xi32> -> vector<16xi32>
        %lt3A_333 = arith.cmpi slt, %gather3A_332, %add3A_317 : vector<16xi32>
        %jit3A_334 = arith.constant 8 : i32
        %jit3A_335 = arith.constant 0 : i32
        %broadcast_in_dim3A_336 = vector.broadcast %jit3A_334 : i32 to vector<16xi32>
        %broadcast_in_dim3A_337 = vector.broadcast %jit3A_335 : i32 to vector<16xi32>
        %select_n3A_338 = arith.select %lt3A_333, %broadcast_in_dim3A_336, %broadcast_in_dim3A_337 : vector<16xi1>, vector<16xi32>
        %add3A_339 = arith.addi %broadcast_in_dim3A_319, %select_n3A_338 : vector<16xi32>
        %add3A_340 = arith.constant 3 : i32
        %add3A_341 = vector.broadcast %add3A_340 : i32 to vector<16xi32>
        %add3A_342 = arith.addi %add3A_339, %add3A_341 : vector<16xi32>
        %lt3A_343 = arith.constant 0 : i32
        %lt3A_344 = vector.broadcast %lt3A_343 : i32 to vector<16xi32>
        %lt3A_345 = arith.cmpi slt, %add3A_342, %lt3A_344 : vector<16xi32>
        %add3A_346 = arith.constant 16 : i32
        %add3A_347 = vector.broadcast %add3A_346 : i32 to vector<16xi32>
        %add3A_348 = arith.addi %add3A_342, %add3A_347 : vector<16xi32>
        %select_n3A_349 = arith.select %lt3A_345, %add3A_348, %add3A_342 : vector<16xi1>, vector<16xi32>
        %broadcast_in_dim3A_350 = vector.shape_cast %select_n3A_349 : vector<16xi32> to vector<16x1xi32>
        %gather3A_351 = vector.shape_cast %broadcast_in_dim3A_350 : vector<16x1xi32> to vector<16xi32>
        %gather3A_352 = tpu.dynamic_gather %add3A_314[%gather3A_351] in [0] : vector<16xi32>, vector<16xi32> -> vector<16xi32>
        %lt3A_353 = arith.cmpi slt, %gather3A_352, %add3A_317 : vector<16xi32>
        %jit3A_354 = arith.constant 4 : i32
        %jit3A_355 = arith.constant 0 : i32
        %broadcast_in_dim3A_356 = vector.broadcast %jit3A_354 : i32 to vector<16xi32>
        %broadcast_in_dim3A_357 = vector.broadcast %jit3A_355 : i32 to vector<16xi32>
        %select_n3A_358 = arith.select %lt3A_353, %broadcast_in_dim3A_356, %broadcast_in_dim3A_357 : vector<16xi1>, vector<16xi32>
        %add3A_359 = arith.addi %add3A_339, %select_n3A_358 : vector<16xi32>
        %add3A_360 = arith.constant 1 : i32
        %add3A_361 = vector.broadcast %add3A_360 : i32 to vector<16xi32>
        %add3A_362 = arith.addi %add3A_359, %add3A_361 : vector<16xi32>
        %lt3A_363 = arith.constant 0 : i32
        %lt3A_364 = vector.broadcast %lt3A_363 : i32 to vector<16xi32>
        %lt3A_365 = arith.cmpi slt, %add3A_362, %lt3A_364 : vector<16xi32>
        %add3A_366 = arith.constant 16 : i32
        %add3A_367 = vector.broadcast %add3A_366 : i32 to vector<16xi32>
        %add3A_368 = arith.addi %add3A_362, %add3A_367 : vector<16xi32>
        %select_n3A_369 = arith.select %lt3A_365, %add3A_368, %add3A_362 : vector<16xi1>, vector<16xi32>
        %broadcast_in_dim3A_370 = vector.shape_cast %select_n3A_369 : vector<16xi32> to vector<16x1xi32>
        %gather3A_371 = vector.shape_cast %broadcast_in_dim3A_370 : vector<16x1xi32> to vector<16xi32>
        %gather3A_372 = tpu.dynamic_gather %add3A_314[%gather3A_371] in [0] : vector<16xi32>, vector<16xi32> -> vector<16xi32>
        %lt3A_373 = arith.cmpi slt, %gather3A_372, %add3A_317 : vector<16xi32>
        %jit3A_374 = arith.constant 2 : i32
        %jit3A_375 = arith.constant 0 : i32
        %broadcast_in_dim3A_376 = vector.broadcast %jit3A_374 : i32 to vector<16xi32>
        %broadcast_in_dim3A_377 = vector.broadcast %jit3A_375 : i32 to vector<16xi32>
        %select_n3A_378 = arith.select %lt3A_373, %broadcast_in_dim3A_376, %broadcast_in_dim3A_377 : vector<16xi1>, vector<16xi32>
        %add3A_379 = arith.addi %add3A_359, %select_n3A_378 : vector<16xi32>
        %add3A_380 = arith.constant 0 : i32
        %add3A_381 = vector.broadcast %add3A_380 : i32 to vector<16xi32>
        %add3A_382 = arith.addi %add3A_379, %add3A_381 : vector<16xi32>
        %lt3A_383 = arith.constant 0 : i32
        %lt3A_384 = vector.broadcast %lt3A_383 : i32 to vector<16xi32>
        %lt3A_385 = arith.cmpi slt, %add3A_382, %lt3A_384 : vector<16xi32>
        %add3A_386 = arith.constant 16 : i32
        %add3A_387 = vector.broadcast %add3A_386 : i32 to vector<16xi32>
        %add3A_388 = arith.addi %add3A_382, %add3A_387 : vector<16xi32>
        %select_n3A_389 = arith.select %lt3A_385, %add3A_388, %add3A_382 : vector<16xi1>, vector<16xi32>
        %broadcast_in_dim3A_390 = vector.shape_cast %select_n3A_389 : vector<16xi32> to vector<16x1xi32>
        %gather3A_391 = vector.shape_cast %broadcast_in_dim3A_390 : vector<16x1xi32> to vector<16xi32>
        %gather3A_392 = tpu.dynamic_gather %add3A_314[%gather3A_391] in [0] : vector<16xi32>, vector<16xi32> -> vector<16xi32>
        %lt3A_393 = arith.cmpi slt, %gather3A_392, %add3A_317 : vector<16xi32>
        %jit3A_394 = arith.constant 1 : i32
        %jit3A_395 = arith.constant 0 : i32
        %broadcast_in_dim3A_396 = vector.broadcast %jit3A_394 : i32 to vector<16xi32>
        %broadcast_in_dim3A_397 = vector.broadcast %jit3A_395 : i32 to vector<16xi32>
        %select_n3A_398 = arith.select %lt3A_393, %broadcast_in_dim3A_396, %broadcast_in_dim3A_397 : vector<16xi1>, vector<16xi32>
        %add3A_399 = arith.addi %add3A_379, %select_n3A_398 : vector<16xi32>
        %lt3A_400 = arith.constant 0 : i32
        %lt3A_401 = vector.broadcast %lt3A_400 : i32 to vector<16xi32>
        %lt3A_402 = arith.cmpi slt, %add3A_399, %lt3A_401 : vector<16xi32>
        %add3A_403 = arith.constant 16 : i32
        %add3A_404 = vector.broadcast %add3A_403 : i32 to vector<16xi32>
        %add3A_405 = arith.addi %add3A_399, %add3A_404 : vector<16xi32>
        %select_n3A_406 = arith.select %lt3A_402, %add3A_405, %add3A_399 : vector<16xi1>, vector<16xi32>
        %broadcast_in_dim3A_407 = vector.shape_cast %select_n3A_406 : vector<16xi32> to vector<16x1xi32>
        %gather3A_408 = vector.shape_cast %broadcast_in_dim3A_407 : vector<16x1xi32> to vector<16xi32>
        %gather3A_409 = tpu.dynamic_gather %get3A_215[%gather3A_408] in [0] : vector<16xi32>, vector<16xi32> -> vector<16xi32>
        %sub3A_410 = vector.broadcast %mul3A_30 : i32 to vector<16xi32>
        %sub3A_411 = arith.subi %get3A_210, %sub3A_410 : vector<16xi32>
        %lt3A_412 = arith.constant 0 : i32
        %lt3A_413 = vector.broadcast %lt3A_412 : i32 to vector<16xi32>
        %lt3A_414 = arith.cmpi slt, %add3A_399, %lt3A_413 : vector<16xi32>
        %add3A_415 = arith.constant 16 : i32
        %add3A_416 = vector.broadcast %add3A_415 : i32 to vector<16xi32>
        %add3A_417 = arith.addi %add3A_399, %add3A_416 : vector<16xi32>
        %select_n3A_418 = arith.select %lt3A_414, %add3A_417, %add3A_399 : vector<16xi1>, vector<16xi32>
        %broadcast_in_dim3A_419 = vector.shape_cast %select_n3A_418 : vector<16xi32> to vector<16x1xi32>
        %gather3A_420 = vector.shape_cast %broadcast_in_dim3A_419 : vector<16x1xi32> to vector<16xi32>
        %gather3A_421 = tpu.dynamic_gather %sub3A_411[%gather3A_420] in [0] : vector<16xi32>, vector<16xi32> -> vector<16xi32>
        %swap3A_422 = arith.index_cast %scan3A_206 : i32 to index
        %swap3A_423 = tpu.vector_load %arg13[%swap3A_422] {strides = array<i32>} : memref<12672xi32, #tpu.memory_space<vmem>>, vector<16xi32>,
        %swap3A_424 = vector.shape_cast %swap3A_423 : vector<16xi32> to vector<16xi32>
        %swap3A_425 = vector.shape_cast %gather3A_409 : vector<16xi32> to vector<16xi32>
        tpu.vector_store %arg13[%swap3A_422], %swap3A_425 {strides = array<i32>} : memref<12672xi32, #tpu.memory_space<vmem>>, vector<16xi32>,
        %swap3A_426 = arith.index_cast %scan3A_206 : i32 to index
        %swap3A_427 = tpu.vector_load %arg14[%swap3A_426] {strides = array<i32>} : memref<12672xi32, #tpu.memory_space<vmem>>, vector<16xi32>,
        %swap3A_428 = vector.shape_cast %swap3A_427 : vector<16xi32> to vector<16xi32>
        %swap3A_429 = vector.shape_cast %gather3A_421 : vector<16xi32> to vector<16xi32>
        tpu.vector_store %arg14[%swap3A_426], %swap3A_429 {strides = array<i32>} : memref<12672xi32, #tpu.memory_space<vmem>>, vector<16xi32>,
        %slice3A = vector.extract_strided_slice %add3A_314 {offsets = [15], sizes = [1], strides = [1]} : vector<16xi32> to vector<1xi32>
        %squeeze3A = vector.extract %slice3A[0] : i32 from vector<1xi32>
        %add3A_430 = arith.addi %scan3A_206, %squeeze3A : i32
        scf.yield %add3A_430 : i32
      }
      %scan3A_41 = arith.constant 782 : i32
      %broadcast_in_dim3A = arith.constant 0 : i32
      %broadcast_in_dim3A_42 = vector.broadcast %broadcast_in_dim3A : i32 to vector<16xi32>
      %mul3A_43 = arith.constant 64 : i32
      %mul3A_44 = arith.muli %arg1, %mul3A_43 : i32
      %add3A_45 = vector.broadcast %mul3A_44 : i32 to vector<16xi32>
      %add3A_46 = arith.addi %broadcast_in_dim3A_42, %add3A_45 : vector<16xi32>
      %broadcast_in_dim3A_47 = arith.constant 0 : i32
      %broadcast_in_dim3A_48 = vector.broadcast %broadcast_in_dim3A_47 : i32 to vector<16xi32>
      %jit3A = arith.constant 8 : i32
      %eq3A = arith.constant 0 : i32
      %eq3A_49 = arith.cmpi eq, %jit3A, %eq3A : i32
      %jit3A_50 = arith.constant 1 : i32
      %select_n3A = arith.select %eq3A_49, %jit3A_50, %jit3A : i32
      %rem3A = arith.remsi %arg1, %select_n3A : i32
      %ne3A = arith.constant 0 : i32
      %ne3A_51 = arith.cmpi ne, %rem3A, %ne3A : i32
      %lt3A = arith.constant 0 : i32
      %lt3A_52 = arith.cmpi slt, %rem3A, %lt3A : i32
      %lt3A_53 = arith.constant 0 : i32
      %lt3A_54 = arith.cmpi slt, %select_n3A, %lt3A_53 : i32
      %ne3A_55 = arith.xori %lt3A_52, %lt3A_54 : i1
      %and3A = arith.andi %ne3A_55, %ne3A_51 : i1
      %add3A_56 = arith.addi %rem3A, %select_n3A : i32
      %select_n3A_57 = arith.select %and3A, %add3A_56, %rem3A : i32
      %add3A_58 = arith.constant 5120 : i32
      %add3A_59 = arith.addi %add3A_58, %select_n3A_57 : i32
      %add3A_60 = vector.broadcast %add3A_59 : i32 to vector<16xi32>
      %add3A_61 = arith.addi %broadcast_in_dim3A_48, %add3A_60 : vector<16xi32>
      %add3A_62 = arith.constant 0 : i32
      %add3A_63 = arith.addi %scan3A_40, %add3A_62 : i32
      %swap3A = arith.index_cast %add3A_63 : i32 to index
      %swap3A_64 = tpu.vector_load %arg13[%swap3A] {strides = array<i32>} : memref<12672xi32, #tpu.memory_space<vmem>>, vector<16xi32>,
      %swap3A_65 = vector.shape_cast %swap3A_64 : vector<16xi32> to vector<16xi32>
      %swap3A_66 = vector.shape_cast %add3A_46 : vector<16xi32> to vector<16xi32>
      tpu.vector_store %arg13[%swap3A], %swap3A_66 {strides = array<i32>} : memref<12672xi32, #tpu.memory_space<vmem>>, vector<16xi32>,
      %add3A_67 = arith.constant 0 : i32
      %add3A_68 = arith.addi %scan3A_40, %add3A_67 : i32
      %swap3A_69 = arith.index_cast %add3A_68 : i32 to index
      %swap3A_70 = tpu.vector_load %arg14[%swap3A_69] {strides = array<i32>} : memref<12672xi32, #tpu.memory_space<vmem>>, vector<16xi32>,
      %swap3A_71 = vector.shape_cast %swap3A_70 : vector<16xi32> to vector<16xi32>
      %swap3A_72 = vector.shape_cast %add3A_61 : vector<16xi32> to vector<16xi32>
      tpu.vector_store %arg14[%swap3A_69], %swap3A_72 {strides = array<i32>} : memref<12672xi32, #tpu.memory_space<vmem>>, vector<16xi32>,
      %add3A_73 = arith.constant 16 : i32
      %add3A_74 = arith.addi %scan3A_40, %add3A_73 : i32
      %swap3A_75 = arith.index_cast %add3A_74 : i32 to index
      %swap3A_76 = tpu.vector_load %arg13[%swap3A_75] {strides = array<i32>} : memref<12672xi32, #tpu.memory_space<vmem>>, vector<16xi32>,
      %swap3A_77 = vector.shape_cast %swap3A_76 : vector<16xi32> to vector<16xi32>
      %swap3A_78 = vector.shape_cast %add3A_46 : vector<16xi32> to vector<16xi32>
      tpu.vector_store %arg13[%swap3A_75], %swap3A_78 {strides = array<i32>} : memref<12672xi32, #tpu.memory_space<vmem>>, vector<16xi32>,
      %add3A_79 = arith.constant 16 : i32
      %add3A_80 = arith.addi %scan3A_40, %add3A_79 : i32
      %swap3A_81 = arith.index_cast %add3A_80 : i32 to index
      %swap3A_82 = tpu.vector_load %arg14[%swap3A_81] {strides = array<i32>} : memref<12672xi32, #tpu.memory_space<vmem>>, vector<16xi32>,
      %swap3A_83 = vector.shape_cast %swap3A_82 : vector<16xi32> to vector<16xi32>
      %swap3A_84 = vector.shape_cast %add3A_61 : vector<16xi32> to vector<16xi32>
      tpu.vector_store %arg14[%swap3A_81], %swap3A_84 {strides = array<i32>} : memref<12672xi32, #tpu.memory_space<vmem>>, vector<16xi32>,
      %add3A_85 = arith.constant 32 : i32
      %add3A_86 = arith.addi %scan3A_40, %add3A_85 : i32
      %swap3A_87 = arith.index_cast %add3A_86 : i32 to index
      %swap3A_88 = tpu.vector_load %arg13[%swap3A_87] {strides = array<i32>} : memref<12672xi32, #tpu.memory_space<vmem>>, vector<16xi32>,
      %swap3A_89 = vector.shape_cast %swap3A_88 : vector<16xi32> to vector<16xi32>
      %swap3A_90 = vector.shape_cast %add3A_46 : vector<16xi32> to vector<16xi32>
      tpu.vector_store %arg13[%swap3A_87], %swap3A_90 {strides = array<i32>} : memref<12672xi32, #tpu.memory_space<vmem>>, vector<16xi32>,
      %add3A_91 = arith.constant 32 : i32
      %add3A_92 = arith.addi %scan3A_40, %add3A_91 : i32
      %swap3A_93 = arith.index_cast %add3A_92 : i32 to index
      %swap3A_94 = tpu.vector_load %arg14[%swap3A_93] {strides = array<i32>} : memref<12672xi32, #tpu.memory_space<vmem>>, vector<16xi32>,
      %swap3A_95 = vector.shape_cast %swap3A_94 : vector<16xi32> to vector<16xi32>
      %swap3A_96 = vector.shape_cast %add3A_61 : vector<16xi32> to vector<16xi32>
      tpu.vector_store %arg14[%swap3A_93], %swap3A_96 {strides = array<i32>} : memref<12672xi32, #tpu.memory_space<vmem>>, vector<16xi32>,
      %add3A_97 = arith.constant 48 : i32
      %add3A_98 = arith.addi %scan3A_40, %add3A_97 : i32
      %swap3A_99 = arith.index_cast %add3A_98 : i32 to index
      %swap3A_100 = tpu.vector_load %arg13[%swap3A_99] {strides = array<i32>} : memref<12672xi32, #tpu.memory_space<vmem>>, vector<16xi32>,
      %swap3A_101 = vector.shape_cast %swap3A_100 : vector<16xi32> to vector<16xi32>
      %swap3A_102 = vector.shape_cast %add3A_46 : vector<16xi32> to vector<16xi32>
      tpu.vector_store %arg13[%swap3A_99], %swap3A_102 {strides = array<i32>} : memref<12672xi32, #tpu.memory_space<vmem>>, vector<16xi32>,
      %add3A_103 = arith.constant 48 : i32
      %add3A_104 = arith.addi %scan3A_40, %add3A_103 : i32
      %swap3A_105 = arith.index_cast %add3A_104 : i32 to index
      %swap3A_106 = tpu.vector_load %arg14[%swap3A_105] {strides = array<i32>} : memref<12672xi32, #tpu.memory_space<vmem>>, vector<16xi32>,
      %swap3A_107 = vector.shape_cast %swap3A_106 : vector<16xi32> to vector<16xi32>
      %swap3A_108 = vector.shape_cast %add3A_61 : vector<16xi32> to vector<16xi32>
      tpu.vector_store %arg14[%swap3A_105], %swap3A_108 {strides = array<i32>} : memref<12672xi32, #tpu.memory_space<vmem>>, vector<16xi32>,
      %add3A_109 = arith.constant 64 : i32
      %add3A_110 = arith.addi %scan3A_40, %add3A_109 : i32
      %swap3A_111 = arith.index_cast %add3A_110 : i32 to index
      %swap3A_112 = tpu.vector_load %arg13[%swap3A_111] {strides = array<i32>} : memref<12672xi32, #tpu.memory_space<vmem>>, vector<16xi32>,
      %swap3A_113 = vector.shape_cast %swap3A_112 : vector<16xi32> to vector<16xi32>
      %swap3A_114 = vector.shape_cast %add3A_46 : vector<16xi32> to vector<16xi32>
      tpu.vector_store %arg13[%swap3A_111], %swap3A_114 {strides = array<i32>} : memref<12672xi32, #tpu.memory_space<vmem>>, vector<16xi32>,
      %add3A_115 = arith.constant 64 : i32
      %add3A_116 = arith.addi %scan3A_40, %add3A_115 : i32
      %swap3A_117 = arith.index_cast %add3A_116 : i32 to index
      %swap3A_118 = tpu.vector_load %arg14[%swap3A_117] {strides = array<i32>} : memref<12672xi32, #tpu.memory_space<vmem>>, vector<16xi32>,
      %swap3A_119 = vector.shape_cast %swap3A_118 : vector<16xi32> to vector<16xi32>
      %swap3A_120 = vector.shape_cast %add3A_61 : vector<16xi32> to vector<16xi32>
      tpu.vector_store %arg14[%swap3A_117], %swap3A_120 {strides = array<i32>} : memref<12672xi32, #tpu.memory_space<vmem>>, vector<16xi32>,
      %add3A_121 = arith.constant 80 : i32
      %add3A_122 = arith.addi %scan3A_40, %add3A_121 : i32
      %swap3A_123 = arith.index_cast %add3A_122 : i32 to index
      %swap3A_124 = tpu.vector_load %arg13[%swap3A_123] {strides = array<i32>} : memref<12672xi32, #tpu.memory_space<vmem>>, vector<16xi32>,
      %swap3A_125 = vector.shape_cast %swap3A_124 : vector<16xi32> to vector<16xi32>
      %swap3A_126 = vector.shape_cast %add3A_46 : vector<16xi32> to vector<16xi32>
      tpu.vector_store %arg13[%swap3A_123], %swap3A_126 {strides = array<i32>} : memref<12672xi32, #tpu.memory_space<vmem>>, vector<16xi32>,
      %add3A_127 = arith.constant 80 : i32
      %add3A_128 = arith.addi %scan3A_40, %add3A_127 : i32
      %swap3A_129 = arith.index_cast %add3A_128 : i32 to index
      %swap3A_130 = tpu.vector_load %arg14[%swap3A_129] {strides = array<i32>} : memref<12672xi32, #tpu.memory_space<vmem>>, vector<16xi32>,
      %swap3A_131 = vector.shape_cast %swap3A_130 : vector<16xi32> to vector<16xi32>
      %swap3A_132 = vector.shape_cast %add3A_61 : vector<16xi32> to vector<16xi32>
      tpu.vector_store %arg14[%swap3A_129], %swap3A_132 {strides = array<i32>} : memref<12672xi32, #tpu.memory_space<vmem>>, vector<16xi32>,
      %add3A_133 = arith.constant 96 : i32
      %add3A_134 = arith.addi %scan3A_40, %add3A_133 : i32
      %swap3A_135 = arith.index_cast %add3A_134 : i32 to index
      %swap3A_136 = tpu.vector_load %arg13[%swap3A_135] {strides = array<i32>} : memref<12672xi32, #tpu.memory_space<vmem>>, vector<16xi32>,
      %swap3A_137 = vector.shape_cast %swap3A_136 : vector<16xi32> to vector<16xi32>
      %swap3A_138 = vector.shape_cast %add3A_46 : vector<16xi32> to vector<16xi32>
      tpu.vector_store %arg13[%swap3A_135], %swap3A_138 {strides = array<i32>} : memref<12672xi32, #tpu.memory_space<vmem>>, vector<16xi32>,
      %add3A_139 = arith.constant 96 : i32
      %add3A_140 = arith.addi %scan3A_40, %add3A_139 : i32
      %swap3A_141 = arith.index_cast %add3A_140 : i32 to index
      %swap3A_142 = tpu.vector_load %arg14[%swap3A_141] {strides = array<i32>} : memref<12672xi32, #tpu.memory_space<vmem>>, vector<16xi32>,
      %swap3A_143 = vector.shape_cast %swap3A_142 : vector<16xi32> to vector<16xi32>
      %swap3A_144 = vector.shape_cast %add3A_61 : vector<16xi32> to vector<16xi32>
      tpu.vector_store %arg14[%swap3A_141], %swap3A_144 {strides = array<i32>} : memref<12672xi32, #tpu.memory_space<vmem>>, vector<16xi32>,
      %add3A_145 = arith.constant 112 : i32
      %add3A_146 = arith.addi %scan3A_40, %add3A_145 : i32
      %swap3A_147 = arith.index_cast %add3A_146 : i32 to index
      %swap3A_148 = tpu.vector_load %arg13[%swap3A_147] {strides = array<i32>} : memref<12672xi32, #tpu.memory_space<vmem>>, vector<16xi32>,
      %swap3A_149 = vector.shape_cast %swap3A_148 : vector<16xi32> to vector<16xi32>
      %swap3A_150 = vector.shape_cast %add3A_46 : vector<16xi32> to vector<16xi32>
      tpu.vector_store %arg13[%swap3A_147], %swap3A_150 {strides = array<i32>} : memref<12672xi32, #tpu.memory_space<vmem>>, vector<16xi32>,
      %add3A_151 = arith.constant 112 : i32
      %add3A_152 = arith.addi %scan3A_40, %add3A_151 : i32
      %swap3A_153 = arith.index_cast %add3A_152 : i32 to index
      %swap3A_154 = tpu.vector_load %arg14[%swap3A_153] {strides = array<i32>} : memref<12672xi32, #tpu.memory_space<vmem>>, vector<16xi32>,
      %swap3A_155 = vector.shape_cast %swap3A_154 : vector<16xi32> to vector<16xi32>
      %swap3A_156 = vector.shape_cast %add3A_61 : vector<16xi32> to vector<16xi32>
      tpu.vector_store %arg14[%swap3A_153], %swap3A_156 {strides = array<i32>} : memref<12672xi32, #tpu.memory_space<vmem>>, vector<16xi32>,
      %add3A_157 = arith.constant 128 : i32
      %add3A_158 = arith.addi %scan3A_40, %add3A_157 : i32
      %swap3A_159 = arith.index_cast %add3A_158 : i32 to index
      %swap3A_160 = tpu.vector_load %arg13[%swap3A_159] {strides = array<i32>} : memref<12672xi32, #tpu.memory_space<vmem>>, vector<16xi32>,
      %swap3A_161 = vector.shape_cast %swap3A_160 : vector<16xi32> to vector<16xi32>
      %swap3A_162 = vector.shape_cast %add3A_46 : vector<16xi32> to vector<16xi32>
      tpu.vector_store %arg13[%swap3A_159], %swap3A_162 {strides = array<i32>} : memref<12672xi32, #tpu.memory_space<vmem>>, vector<16xi32>,
      %add3A_163 = arith.constant 128 : i32
      %add3A_164 = arith.addi %scan3A_40, %add3A_163 : i32
      %swap3A_165 = arith.index_cast %add3A_164 : i32 to index
      %swap3A_166 = tpu.vector_load %arg14[%swap3A_165] {strides = array<i32>} : memref<12672xi32, #tpu.memory_space<vmem>>, vector<16xi32>,
      %swap3A_167 = vector.shape_cast %swap3A_166 : vector<16xi32> to vector<16xi32>
      %swap3A_168 = vector.shape_cast %add3A_61 : vector<16xi32> to vector<16xi32>
      tpu.vector_store %arg14[%swap3A_165], %swap3A_168 {strides = array<i32>} : memref<12672xi32, #tpu.memory_space<vmem>>, vector<16xi32>,
      %add3A_169 = arith.constant 63 : i32
      %add3A_170 = arith.addi %scan3A_40, %add3A_169 : i32
      %jit3A_171 = arith.constant 64 : i32
      %div3A = arith.divsi %add3A_170, %jit3A_171 : i32
      %sign3A = arith.constant 0 : i32
      %sign3A_172 = arith.cmpi sgt, %add3A_170, %sign3A : i32
      %sign3A_173 = arith.extui %sign3A_172 : i1 to i32
      %sign3A_174 = arith.constant 0 : i32
      %sign3A_175 = arith.cmpi slt, %add3A_170, %sign3A_174 : i32
      %sign3A_176 = arith.extui %sign3A_175 : i1 to i32
      %sign3A_177 = arith.subi %sign3A_173, %sign3A_176 : i32
      %sign3A_178 = arith.constant 0 : i32
      %sign3A_179 = arith.cmpi sgt, %jit3A_171, %sign3A_178 : i32
      %sign3A_180 = arith.extui %sign3A_179 : i1 to i32
      %sign3A_181 = arith.constant 0 : i32
      %sign3A_182 = arith.cmpi slt, %jit3A_171, %sign3A_181 : i32
      %sign3A_183 = arith.extui %sign3A_182 : i1 to i32
      %sign3A_184 = arith.subi %sign3A_180, %sign3A_183 : i32
      %ne3A_185 = arith.cmpi ne, %sign3A_177, %sign3A_184 : i32
      %rem3A_186 = arith.remsi %add3A_170, %jit3A_171 : i32
      %ne3A_187 = arith.constant 0 : i32
      %ne3A_188 = arith.cmpi ne, %rem3A_186, %ne3A_187 : i32
      %and3A_189 = arith.andi %ne3A_185, %ne3A_188 : i1
      %sub3A = arith.constant 1 : i32
      %sub3A_190 = arith.subi %div3A, %sub3A : i32
      %select_n3A_191 = arith.select %and3A_189, %sub3A_190, %div3A : i32
      %while3A = arith.constant 0 : i32
      %while3A_192 = arith.constant 0 : i32
      %while3A_193 = arith.subi %select_n3A_191, %while3A_192 : i32
      %while3A_194 = arith.addi %while3A_192, %while3A_193 : i32
      %while3A_195 = arith.constant 1 : i32
      %while3A_196 = arith.divsi %while3A_193, %while3A_195 : i32
      %while3A_197 = arith.muli %while3A_196, %while3A_195 : i32
      %while3A_198 = arith.addi %while3A_192, %while3A_197 : i32
      %while3A_199 = arith.constant 1 : i32
      scf.for %while3A_205 = %while3A_192 to %while3A_198 step %while3A_199  : i32 {
        %mul3A_206 = arith.constant 64 : i32
        %mul3A_207 = arith.muli %while3A_205, %mul3A_206 : i32
        %add3A_208 = arith.constant 0 : i32
        %add3A_209 = arith.addi %mul3A_207, %add3A_208 : i32
        %get3A = arith.index_cast %add3A_209 : i32 to index
        %get3A_210 = tpu.vector_load %arg14[%get3A] {strides = array<i32>} : memref<12672xi32, #tpu.memory_space<vmem>>, vector<16xi32>,
        %get3A_211 = vector.shape_cast %get3A_210 : vector<16xi32> to vector<16xi32>
        %swap3A_212 = arith.constant 0 : i32
        %swap3A_213 = arith.index_cast %swap3A_212 : i32 to index
        %swap3A_214 = arith.constant 0 : index
        %swap3A_215 = tpu.vector_load %arg15[%swap3A_213, %swap3A_214] {strides = array<i32>} : memref<2x64xi32, #tpu.memory_space<vmem>>, vector<1x16xi32>,
        %swap3A_216 = vector.shape_cast %swap3A_215 : vector<1x16xi32> to vector<16xi32>
        %swap3A_217 = vector.shape_cast %get3A_211 : vector<16xi32> to vector<1x16xi32>
        tpu.vector_store %arg15[%swap3A_213, %swap3A_214], %swap3A_217 {strides = array<i32>} : memref<2x64xi32, #tpu.memory_space<vmem>>, vector<1x16xi32>,
        %mul3A_218 = arith.constant 64 : i32
        %mul3A_219 = arith.muli %while3A_205, %mul3A_218 : i32
        %add3A_220 = arith.constant 16 : i32
        %add3A_221 = arith.addi %mul3A_219, %add3A_220 : i32
        %get3A_222 = arith.index_cast %add3A_221 : i32 to index
        %get3A_223 = tpu.vector_load %arg14[%get3A_222] {strides = array<i32>} : memref<12672xi32, #tpu.memory_space<vmem>>, vector<16xi32>,
        %get3A_224 = vector.shape_cast %get3A_223 : vector<16xi32> to vector<16xi32>
        %swap3A_225 = arith.constant 0 : i32
        %swap3A_226 = arith.index_cast %swap3A_225 : i32 to index
        %swap3A_227 = arith.constant 16 : index
        %swap3A_228 = tpu.vector_load %arg15[%swap3A_226, %swap3A_227] {strides = array<i32>} : memref<2x64xi32, #tpu.memory_space<vmem>>, vector<1x16xi32>,
        %swap3A_229 = vector.shape_cast %swap3A_228 : vector<1x16xi32> to vector<16xi32>
        %swap3A_230 = vector.shape_cast %get3A_224 : vector<16xi32> to vector<1x16xi32>
        tpu.vector_store %arg15[%swap3A_226, %swap3A_227], %swap3A_230 {strides = array<i32>} : memref<2x64xi32, #tpu.memory_space<vmem>>, vector<1x16xi32>,
        %mul3A_231 = arith.constant 64 : i32
        %mul3A_232 = arith.muli %while3A_205, %mul3A_231 : i32
        %add3A_233 = arith.constant 32 : i32
        %add3A_234 = arith.addi %mul3A_232, %add3A_233 : i32
        %get3A_235 = arith.index_cast %add3A_234 : i32 to index
        %get3A_236 = tpu.vector_load %arg14[%get3A_235] {strides = array<i32>} : memref<12672xi32, #tpu.memory_space<vmem>>, vector<16xi32>,
        %get3A_237 = vector.shape_cast %get3A_236 : vector<16xi32> to vector<16xi32>
        %swap3A_238 = arith.constant 0 : i32
        %swap3A_239 = arith.index_cast %swap3A_238 : i32 to index
        %swap3A_240 = arith.constant 32 : index
        %swap3A_241 = tpu.vector_load %arg15[%swap3A_239, %swap3A_240] {strides = array<i32>} : memref<2x64xi32, #tpu.memory_space<vmem>>, vector<1x16xi32>,
        %swap3A_242 = vector.shape_cast %swap3A_241 : vector<1x16xi32> to vector<16xi32>
        %swap3A_243 = vector.shape_cast %get3A_237 : vector<16xi32> to vector<1x16xi32>
        tpu.vector_store %arg15[%swap3A_239, %swap3A_240], %swap3A_243 {strides = array<i32>} : memref<2x64xi32, #tpu.memory_space<vmem>>, vector<1x16xi32>,
        %mul3A_244 = arith.constant 64 : i32
        %mul3A_245 = arith.muli %while3A_205, %mul3A_244 : i32
        %add3A_246 = arith.constant 48 : i32
        %add3A_247 = arith.addi %mul3A_245, %add3A_246 : i32
        %get3A_248 = arith.index_cast %add3A_247 : i32 to index
        %get3A_249 = tpu.vector_load %arg14[%get3A_248] {strides = array<i32>} : memref<12672xi32, #tpu.memory_space<vmem>>, vector<16xi32>,
        %get3A_250 = vector.shape_cast %get3A_249 : vector<16xi32> to vector<16xi32>
        %swap3A_251 = arith.constant 0 : i32
        %swap3A_252 = arith.index_cast %swap3A_251 : i32 to index
        %swap3A_253 = arith.constant 48 : index
        %swap3A_254 = tpu.vector_load %arg15[%swap3A_252, %swap3A_253] {strides = array<i32>} : memref<2x64xi32, #tpu.memory_space<vmem>>, vector<1x16xi32>,
        %swap3A_255 = vector.shape_cast %swap3A_254 : vector<1x16xi32> to vector<16xi32>
        %swap3A_256 = vector.shape_cast %get3A_250 : vector<16xi32> to vector<1x16xi32>
        tpu.vector_store %arg15[%swap3A_252, %swap3A_253], %swap3A_256 {strides = array<i32>} : memref<2x64xi32, #tpu.memory_space<vmem>>, vector<1x16xi32>,
        %mul3A_257 = arith.constant 64 : i32
        %mul3A_258 = arith.muli %while3A_205, %mul3A_257 : i32
        %dma_start3A = arith.constant 0 : i32
        %dma_start3A_259 = arith.constant 0 : i32
        %dma_start3A_260 = arith.constant 0 : i32
        %dma_start3A_261 = tpu.memref_slice %arg16[%dma_start3A, %dma_start3A_259, %dma_start3A_260] : memref<2x64x144xf32, #tpu.memory_space<vmem>> -> memref<1x64x144xf32, #tpu.memory_space<vmem>>
        %dma_start3A_262 = tpu.memref_squeeze %dma_start3A_261 : memref<1x64x144xf32, #tpu.memory_space<vmem>> -> memref<64x144xf32, #tpu.memory_space<vmem>>
        %dma_start3A_263 = tpu.memref_slice %arg13[%mul3A_258] : memref<12672xi32, #tpu.memory_space<vmem>> -> memref<64xi32, #tpu.memory_space<vmem>>
        %dma_start3A_264 = arith.constant 0 : i32
        %dma_start3A_265 = arith.constant 0 : i32
        %dma_start3A_266 = tpu.memref_slice %arg2[%dma_start3A_264, %dma_start3A_265] : memref<100000x144xf32, #tpu.memory_space<hbm>> -> memref<100000x144xf32, #tpu.memory_space<hbm>>
        tpu.enqueue_indirect_dma source(%dma_start3A_266 : memref<100000x144xf32, #tpu.memory_space<hbm>>) target(%dma_start3A_262 : memref<64x144xf32, #tpu.memory_space<vmem>>) offsets(%dma_start3A_263 : memref<64xi32, #tpu.memory_space<vmem>>) semaphore(%arg18 : memref<!tpu.dma_semaphore, #tpu.memory_space<semaphore_mem>>)
        %dma_wait3A = arith.constant 0 : i32
        %dma_wait3A_267 = arith.constant 0 : i32
        %dma_wait3A_268 = arith.constant 0 : i32
        %dma_wait3A_269 = tpu.memref_slice %arg16[%dma_wait3A, %dma_wait3A_267, %dma_wait3A_268] : memref<2x64x144xf32, #tpu.memory_space<vmem>> -> memref<1x64x144xf32, #tpu.memory_space<vmem>>
        %dma_wait3A_270 = tpu.memref_squeeze %dma_wait3A_269 : memref<1x64x144xf32, #tpu.memory_space<vmem>> -> memref<64x144xf32, #tpu.memory_space<vmem>>
        %dma_wait3A_271 = tpu.memref_slice %arg13[%mul3A_258] : memref<12672xi32, #tpu.memory_space<vmem>> -> memref<64xi32, #tpu.memory_space<vmem>>
        %dma_wait3A_272 = arith.constant 0 : i32
        %dma_wait3A_273 = arith.constant 0 : i32
        %dma_wait3A_274 = tpu.memref_slice %arg2[%dma_wait3A_272, %dma_wait3A_273] : memref<100000x144xf32, #tpu.memory_space<hbm>> -> memref<100000x144xf32, #tpu.memory_space<hbm>>
        tpu.wait_indirect_dma semaphore(%arg18 : memref<!tpu.dma_semaphore, #tpu.memory_space<semaphore_mem>>) src(%dma_wait3A_274 : memref<100000x144xf32, #tpu.memory_space<hbm>>) dst(%dma_wait3A_270 : memref<64x144xf32, #tpu.memory_space<vmem>>)
        %run_scoped3A = arith.constant 0 : i32
        %run_scoped3A_275 = arith.constant 0 : i32
        "tpu.region"() ({
          %run_scoped3A_276 = tpu.sem_alloc : memref<!tpu.dma_semaphore, #tpu.memory_space<semaphore_mem>>
          %dma_start3A_277 = arith.constant 0 : i32
          %dma_start3A_278 = arith.constant 0 : i32
          %dma_start3A_279 = tpu.memref_slice %arg16[%run_scoped3A, %dma_start3A_277, %dma_start3A_278] : memref<2x64x144xf32, #tpu.memory_space<vmem>> -> memref<1x64x144xf32, #tpu.memory_space<vmem>>
          %dma_start3A_280 = tpu.memref_squeeze %dma_start3A_279 : memref<1x64x144xf32, #tpu.memory_space<vmem>> -> memref<64x144xf32, #tpu.memory_space<vmem>>
          %dma_start3A_281 = arith.constant 0 : i32
          %dma_start3A_282 = tpu.memref_slice %arg15[%run_scoped3A_275, %dma_start3A_281] : memref<2x64xi32, #tpu.memory_space<vmem>> -> memref<1x64xi32, #tpu.memory_space<vmem>>
          %dma_start3A_283 = tpu.memref_squeeze %dma_start3A_282 : memref<1x64xi32, #tpu.memory_space<vmem>> -> memref<64xi32, #tpu.memory_space<vmem>>
          %dma_start3A_284 = arith.constant 0 : i32
          %dma_start3A_285 = arith.constant 0 : i32
          %dma_start3A_286 = tpu.memref_slice %arg17[%dma_start3A_284, %dma_start3A_285] : memref<5128x144xf32, #tpu.memory_space<vmem_shared>> -> memref<5128x144xf32, #tpu.memory_space<vmem_shared>>
          tpu.enqueue_indirect_dma source(%dma_start3A_280 : memref<64x144xf32, #tpu.memory_space<vmem>>) target(%dma_start3A_286 : memref<5128x144xf32, #tpu.memory_space<vmem_shared>>) offsets(%dma_start3A_283 : memref<64xi32, #tpu.memory_space<vmem>>) semaphore(%run_scoped3A_276 : memref<!tpu.dma_semaphore, #tpu.memory_space<semaphore_mem>>) {add = true}
          %dma_wait3A_287 = arith.constant 0 : i32
          %dma_wait3A_288 = arith.constant 0 : i32
          %dma_wait3A_289 = tpu.memref_slice %arg16[%run_scoped3A, %dma_wait3A_287, %dma_wait3A_288] : memref<2x64x144xf32, #tpu.memory_space<vmem>> -> memref<1x64x144xf32, #tpu.memory_space<vmem>>
          %dma_wait3A_290 = tpu.memref_squeeze %dma_wait3A_289 : memref<1x64x144xf32, #tpu.memory_space<vmem>> -> memref<64x144xf32, #tpu.memory_space<vmem>>
          %dma_wait3A_291 = arith.constant 0 : i32
          %dma_wait3A_292 = tpu.memref_slice %arg15[%run_scoped3A_275, %dma_wait3A_291] : memref<2x64xi32, #tpu.memory_space<vmem>> -> memref<1x64xi32, #tpu.memory_space<vmem>>
          %dma_wait3A_293 = tpu.memref_squeeze %dma_wait3A_292 : memref<1x64xi32, #tpu.memory_space<vmem>> -> memref<64xi32, #tpu.memory_space<vmem>>
          %dma_wait3A_294 = arith.constant 0 : i32
          %dma_wait3A_295 = arith.constant 0 : i32
          %dma_wait3A_296 = tpu.memref_slice %arg17[%dma_wait3A_294, %dma_wait3A_295] : memref<5128x144xf32, #tpu.memory_space<vmem_shared>> -> memref<5128x144xf32, #tpu.memory_space<vmem_shared>>
          tpu.wait_indirect_dma semaphore(%run_scoped3A_276 : memref<!tpu.dma_semaphore, #tpu.memory_space<semaphore_mem>>) src(%dma_wait3A_290 : memref<64x144xf32, #tpu.memory_space<vmem>>) dst(%dma_wait3A_296 : memref<5128x144xf32, #tpu.memory_space<vmem_shared>>)
          tpu.yield
        }) : () -> ()
      }
      %while3A_200 = arith.constant 1 : i32
      scf.for %while3A_205 = %while3A_198 to %while3A_194 step %while3A_200  : i32 {
        %mul3A_206 = arith.constant 64 : i32
        %mul3A_207 = arith.muli %while3A_205, %mul3A_206 : i32
        %add3A_208 = arith.constant 0 : i32
        %add3A_209 = arith.addi %mul3A_207, %add3A_208 : i32
        %get3A = arith.index_cast %add3A_209 : i32 to index
        %get3A_210 = tpu.vector_load %arg14[%get3A] {strides = array<i32>} : memref<12672xi32, #tpu.memory_space<vmem>>, vector<16xi32>,
        %get3A_211 = vector.shape_cast %get3A_210 : vector<16xi32> to vector<16xi32>
        %swap3A_212 = arith.constant 0 : i32
        %swap3A_213 = arith.index_cast %swap3A_212 : i32 to index
        %swap3A_214 = arith.constant 0 : index
        %swap3A_215 = tpu.vector_load %arg15[%swap3A_213, %swap3A_214] {strides = array<i32>} : memref<2x64xi32, #tpu.memory_space<vmem>>, vector<1x16xi32>,
        %swap3A_216 = vector.shape_cast %swap3A_215 : vector<1x16xi32> to vector<16xi32>
        %swap3A_217 = vector.shape_cast %get3A_211 : vector<16xi32> to vector<1x16xi32>
        tpu.vector_store %arg15[%swap3A_213, %swap3A_214], %swap3A_217 {strides = array<i32>} : memref<2x64xi32, #tpu.memory_space<vmem>>, vector<1x16xi32>,
        %mul3A_218 = arith.constant 64 : i32
        %mul3A_219 = arith.muli %while3A_205, %mul3A_218 : i32
        %add3A_220 = arith.constant 16 : i32
        %add3A_221 = arith.addi %mul3A_219, %add3A_220 : i32
        %get3A_222 = arith.index_cast %add3A_221 : i32 to index
        %get3A_223 = tpu.vector_load %arg14[%get3A_222] {strides = array<i32>} : memref<12672xi32, #tpu.memory_space<vmem>>, vector<16xi32>,
        %get3A_224 = vector.shape_cast %get3A_223 : vector<16xi32> to vector<16xi32>
        %swap3A_225 = arith.constant 0 : i32
        %swap3A_226 = arith.index_cast %swap3A_225 : i32 to index
        %swap3A_227 = arith.constant 16 : index
        %swap3A_228 = tpu.vector_load %arg15[%swap3A_226, %swap3A_227] {strides = array<i32>} : memref<2x64xi32, #tpu.memory_space<vmem>>, vector<1x16xi32>,
        %swap3A_229 = vector.shape_cast %swap3A_228 : vector<1x16xi32> to vector<16xi32>
        %swap3A_230 = vector.shape_cast %get3A_224 : vector<16xi32> to vector<1x16xi32>
        tpu.vector_store %arg15[%swap3A_226, %swap3A_227], %swap3A_230 {strides = array<i32>} : memref<2x64xi32, #tpu.memory_space<vmem>>, vector<1x16xi32>,
        %mul3A_231 = arith.constant 64 : i32
        %mul3A_232 = arith.muli %while3A_205, %mul3A_231 : i32
        %add3A_233 = arith.constant 32 : i32
        %add3A_234 = arith.addi %mul3A_232, %add3A_233 : i32
        %get3A_235 = arith.index_cast %add3A_234 : i32 to index
        %get3A_236 = tpu.vector_load %arg14[%get3A_235] {strides = array<i32>} : memref<12672xi32, #tpu.memory_space<vmem>>, vector<16xi32>,
        %get3A_237 = vector.shape_cast %get3A_236 : vector<16xi32> to vector<16xi32>
        %swap3A_238 = arith.constant 0 : i32
        %swap3A_239 = arith.index_cast %swap3A_238 : i32 to index
        %swap3A_240 = arith.constant 32 : index
        %swap3A_241 = tpu.vector_load %arg15[%swap3A_239, %swap3A_240] {strides = array<i32>} : memref<2x64xi32, #tpu.memory_space<vmem>>, vector<1x16xi32>,
        %swap3A_242 = vector.shape_cast %swap3A_241 : vector<1x16xi32> to vector<16xi32>
        %swap3A_243 = vector.shape_cast %get3A_237 : vector<16xi32> to vector<1x16xi32>
        tpu.vector_store %arg15[%swap3A_239, %swap3A_240], %swap3A_243 {strides = array<i32>} : memref<2x64xi32, #tpu.memory_space<vmem>>, vector<1x16xi32>,
        %mul3A_244 = arith.constant 64 : i32
        %mul3A_245 = arith.muli %while3A_205, %mul3A_244 : i32
        %add3A_246 = arith.constant 48 : i32
        %add3A_247 = arith.addi %mul3A_245, %add3A_246 : i32
        %get3A_248 = arith.index_cast %add3A_247 : i32 to index
        %get3A_249 = tpu.vector_load %arg14[%get3A_248] {strides = array<i32>} : memref<12672xi32, #tpu.memory_space<vmem>>, vector<16xi32>,
        %get3A_250 = vector.shape_cast %get3A_249 : vector<16xi32> to vector<16xi32>
        %swap3A_251 = arith.constant 0 : i32
        %swap3A_252 = arith.index_cast %swap3A_251 : i32 to index
        %swap3A_253 = arith.constant 48 : index
        %swap3A_254 = tpu.vector_load %arg15[%swap3A_252, %swap3A_253] {strides = array<i32>} : memref<2x64xi32, #tpu.memory_space<vmem>>, vector<1x16xi32>,
        %swap3A_255 = vector.shape_cast %swap3A_254 : vector<1x16xi32> to vector<16xi32>
        %swap3A_256 = vector.shape_cast %get3A_250 : vector<16xi32> to vector<1x16xi32>
        tpu.vector_store %arg15[%swap3A_252, %swap3A_253], %swap3A_256 {strides = array<i32>} : memref<2x64xi32, #tpu.memory_space<vmem>>, vector<1x16xi32>,
        %mul3A_257 = arith.constant 64 : i32
        %mul3A_258 = arith.muli %while3A_205, %mul3A_257 : i32
        %dma_start3A = arith.constant 0 : i32
        %dma_start3A_259 = arith.constant 0 : i32
        %dma_start3A_260 = arith.constant 0 : i32
        %dma_start3A_261 = tpu.memref_slice %arg16[%dma_start3A, %dma_start3A_259, %dma_start3A_260] : memref<2x64x144xf32, #tpu.memory_space<vmem>> -> memref<1x64x144xf32, #tpu.memory_space<vmem>>
        %dma_start3A_262 = tpu.memref_squeeze %dma_start3A_261 : memref<1x64x144xf32, #tpu.memory_space<vmem>> -> memref<64x144xf32, #tpu.memory_space<vmem>>
        %dma_start3A_263 = tpu.memref_slice %arg13[%mul3A_258] : memref<12672xi32, #tpu.memory_space<vmem>> -> memref<64xi32, #tpu.memory_space<vmem>>
        %dma_start3A_264 = arith.constant 0 : i32
        %dma_start3A_265 = arith.constant 0 : i32
        %dma_start3A_266 = tpu.memref_slice %arg2[%dma_start3A_264, %dma_start3A_265] : memref<100000x144xf32, #tpu.memory_space<hbm>> -> memref<100000x144xf32, #tpu.memory_space<hbm>>
        tpu.enqueue_indirect_dma source(%dma_start3A_266 : memref<100000x144xf32, #tpu.memory_space<hbm>>) target(%dma_start3A_262 : memref<64x144xf32, #tpu.memory_space<vmem>>) offsets(%dma_start3A_263 : memref<64xi32, #tpu.memory_space<vmem>>) semaphore(%arg18 : memref<!tpu.dma_semaphore, #tpu.memory_space<semaphore_mem>>)
        %dma_wait3A = arith.constant 0 : i32
        %dma_wait3A_267 = arith.constant 0 : i32
        %dma_wait3A_268 = arith.constant 0 : i32
        %dma_wait3A_269 = tpu.memref_slice %arg16[%dma_wait3A, %dma_wait3A_267, %dma_wait3A_268] : memref<2x64x144xf32, #tpu.memory_space<vmem>> -> memref<1x64x144xf32, #tpu.memory_space<vmem>>
        %dma_wait3A_270 = tpu.memref_squeeze %dma_wait3A_269 : memref<1x64x144xf32, #tpu.memory_space<vmem>> -> memref<64x144xf32, #tpu.memory_space<vmem>>
        %dma_wait3A_271 = tpu.memref_slice %arg13[%mul3A_258] : memref<12672xi32, #tpu.memory_space<vmem>> -> memref<64xi32, #tpu.memory_space<vmem>>
        %dma_wait3A_272 = arith.constant 0 : i32
        %dma_wait3A_273 = arith.constant 0 : i32
        %dma_wait3A_274 = tpu.memref_slice %arg2[%dma_wait3A_272, %dma_wait3A_273] : memref<100000x144xf32, #tpu.memory_space<hbm>> -> memref<100000x144xf32, #tpu.memory_space<hbm>>
        tpu.wait_indirect_dma semaphore(%arg18 : memref<!tpu.dma_semaphore, #tpu.memory_space<semaphore_mem>>) src(%dma_wait3A_274 : memref<100000x144xf32, #tpu.memory_space<hbm>>) dst(%dma_wait3A_270 : memref<64x144xf32, #tpu.memory_space<vmem>>)
        %run_scoped3A = arith.constant 0 : i32
        %run_scoped3A_275 = arith.constant 0 : i32
        "tpu.region"() ({
          %run_scoped3A_276 = tpu.sem_alloc : memref<!tpu.dma_semaphore, #tpu.memory_space<semaphore_mem>>
          %dma_start3A_277 = arith.constant 0 : i32
          %dma_start3A_278 = arith.constant 0 : i32
          %dma_start3A_279 = tpu.memref_slice %arg16[%run_scoped3A, %dma_start3A_277, %dma_start3A_278] : memref<2x64x144xf32, #tpu.memory_space<vmem>> -> memref<1x64x144xf32, #tpu.memory_space<vmem>>
          %dma_start3A_280 = tpu.memref_squeeze %dma_start3A_279 : memref<1x64x144xf32, #tpu.memory_space<vmem>> -> memref<64x144xf32, #tpu.memory_space<vmem>>
          %dma_start3A_281 = arith.constant 0 : i32
          %dma_start3A_282 = tpu.memref_slice %arg15[%run_scoped3A_275, %dma_start3A_281] : memref<2x64xi32, #tpu.memory_space<vmem>> -> memref<1x64xi32, #tpu.memory_space<vmem>>
          %dma_start3A_283 = tpu.memref_squeeze %dma_start3A_282 : memref<1x64xi32, #tpu.memory_space<vmem>> -> memref<64xi32, #tpu.memory_space<vmem>>
          %dma_start3A_284 = arith.constant 0 : i32
          %dma_start3A_285 = arith.constant 0 : i32
          %dma_start3A_286 = tpu.memref_slice %arg17[%dma_start3A_284, %dma_start3A_285] : memref<5128x144xf32, #tpu.memory_space<vmem_shared>> -> memref<5128x144xf32, #tpu.memory_space<vmem_shared>>
          tpu.enqueue_indirect_dma source(%dma_start3A_280 : memref<64x144xf32, #tpu.memory_space<vmem>>) target(%dma_start3A_286 : memref<5128x144xf32, #tpu.memory_space<vmem_shared>>) offsets(%dma_start3A_283 : memref<64xi32, #tpu.memory_space<vmem>>) semaphore(%run_scoped3A_276 : memref<!tpu.dma_semaphore, #tpu.memory_space<semaphore_mem>>) {add = true}
          %dma_wait3A_287 = arith.constant 0 : i32
          %dma_wait3A_288 = arith.constant 0 : i32
          %dma_wait3A_289 = tpu.memref_slice %arg16[%run_scoped3A, %dma_wait3A_287, %dma_wait3A_288] : memref<2x64x144xf32, #tpu.memory_space<vmem>> -> memref<1x64x144xf32, #tpu.memory_space<vmem>>
          %dma_wait3A_290 = tpu.memref_squeeze %dma_wait3A_289 : memref<1x64x144xf32, #tpu.memory_space<vmem>> -> memref<64x144xf32, #tpu.memory_space<vmem>>
          %dma_wait3A_291 = arith.constant 0 : i32
          %dma_wait3A_292 = tpu.memref_slice %arg15[%run_scoped3A_275, %dma_wait3A_291] : memref<2x64xi32, #tpu.memory_space<vmem>> -> memref<1x64xi32, #tpu.memory_space<vmem>>
          %dma_wait3A_293 = tpu.memref_squeeze %dma_wait3A_292 : memref<1x64xi32, #tpu.memory_space<vmem>> -> memref<64xi32, #tpu.memory_space<vmem>>
          %dma_wait3A_294 = arith.constant 0 : i32
          %dma_wait3A_295 = arith.constant 0 : i32
          %dma_wait3A_296 = tpu.memref_slice %arg17[%dma_wait3A_294, %dma_wait3A_295] : memref<5128x144xf32, #tpu.memory_space<vmem_shared>> -> memref<5128x144xf32, #tpu.memory_space<vmem_shared>>
          tpu.wait_indirect_dma semaphore(%run_scoped3A_276 : memref<!tpu.dma_semaphore, #tpu.memory_space<semaphore_mem>>) src(%dma_wait3A_290 : memref<64x144xf32, #tpu.memory_space<vmem>>) dst(%dma_wait3A_296 : memref<5128x144xf32, #tpu.memory_space<vmem_shared>>)
          tpu.yield
        }) : () -> ()
      }
      %barrier3A_201 = arith.constant 0 : index
      tpu.barrier barrier_id(%barrier3A_201)
      %lt3A_202 = arith.constant 20 : i32
      %lt3A_203 = arith.cmpi slt, %add3A_28, %lt3A_202 : i32
      %convert_element_type3A = arith.extui %lt3A_203 : i1 to i32
      %cond3A = arith.constant 0 : i32
      %cond3A_204 = arith.cmpi ne, %convert_element_type3A, %cond3A : i32
      scf.if %cond3A_204 {
        %mul3A_205 = arith.constant 320 : i32
        %mul3A_206 = arith.muli %arg1, %mul3A_205 : i32
        %mul3A_207 = arith.constant 5120 : i32
        %mul3A_208 = arith.muli %add3A_28, %mul3A_207 : i32
        %mul3A_209 = arith.constant 320 : i32
        %mul3A_210 = arith.muli %arg1, %mul3A_209 : i32
        %add3A_211 = arith.addi %mul3A_208, %mul3A_210 : i32
        %run_scoped3A = arith.constant 1 : i32
        "tpu.region"() ({
          %run_scoped3A_212 = tpu.sem_alloc : memref<!tpu.dma_semaphore, #tpu.memory_space<semaphore_mem>>
          %dma_start3A = arith.constant 0 : i32
          %dma_start3A_213 = tpu.memref_slice %arg10[%run_scoped3A, %add3A_211, %dma_start3A] : memref<3x102400x144xf32, #tpu.memory_space<hbm>> -> memref<1x320x144xf32, #tpu.memory_space<hbm>>
          %dma_start3A_214 = tpu.memref_squeeze %dma_start3A_213 : memref<1x320x144xf32, #tpu.memory_space<hbm>> -> memref<320x144xf32, #tpu.memory_space<hbm>>
          %dma_start3A_215 = arith.constant 0 : i32
          %dma_start3A_216 = tpu.memref_slice %arg17[%mul3A_206, %dma_start3A_215] : memref<5128x144xf32, #tpu.memory_space<vmem_shared>> -> memref<320x144xf32, #tpu.memory_space<vmem_shared>>
          tpu.enqueue_dma source(%dma_start3A_216 : memref<320x144xf32, #tpu.memory_space<vmem_shared>>) target(%dma_start3A_214 : memref<320x144xf32, #tpu.memory_space<hbm>>) target_semaphore(%run_scoped3A_212 : memref<!tpu.dma_semaphore, #tpu.memory_space<semaphore_mem>>)
          %dma_wait3A = arith.constant 0 : i32
          %dma_wait3A_217 = tpu.memref_slice %arg10[%run_scoped3A, %add3A_211, %dma_wait3A] : memref<3x102400x144xf32, #tpu.memory_space<hbm>> -> memref<1x320x144xf32, #tpu.memory_space<hbm>>
          %dma_wait3A_218 = tpu.memref_squeeze %dma_wait3A_217 : memref<1x320x144xf32, #tpu.memory_space<hbm>> -> memref<320x144xf32, #tpu.memory_space<hbm>>
          %dma_wait3A_219 = arith.constant 0 : i32
          %dma_wait3A_220 = tpu.memref_slice %arg17[%mul3A_206, %dma_wait3A_219] : memref<5128x144xf32, #tpu.memory_space<vmem_shared>> -> memref<320x144xf32, #tpu.memory_space<vmem_shared>>
          tpu.wait_dma2 semaphore(%run_scoped3A_212 : memref<!tpu.dma_semaphore, #tpu.memory_space<semaphore_mem>>) src(%dma_wait3A_220 : memref<320x144xf32, #tpu.memory_space<vmem_shared>>) dst(%dma_wait3A_218 : memref<320x144xf32, #tpu.memory_space<hbm>>)
          tpu.yield
        }) : () -> ()
      } else {
      }
    }
    %scan3A_16 = arith.constant 10 : i32
    %mul3A_17 = arith.constant 12512 : i32
    %mul3A_18 = arith.muli %arg1, %mul3A_17 : i32
    "tpu.region"() ({
      %run_scoped3A = tpu.sem_alloc : memref<!tpu.dma_semaphore, #tpu.memory_space<semaphore_mem>>
      %dma_start3A = tpu.memref_slice %arg7[%mul3A_18] : memref<200192xi32, #tpu.memory_space<hbm>> -> memref<12512xi32, #tpu.memory_space<hbm>>
      %dma_start3A_25 = tpu.memref_slice %arg7[%mul3A_18] : memref<200192xi32, #tpu.memory_space<hbm>> -> memref<12512xi32, #tpu.memory_space<hbm>>
      tpu.enqueue_dma source(%dma_start3A_25 : memref<12512xi32, #tpu.memory_space<hbm>>) target(%arg11 : memref<12512xi32, #tpu.memory_space<vmem>>) target_semaphore(%run_scoped3A : memref<!tpu.dma_semaphore, #tpu.memory_space<semaphore_mem>>)
      %dma_wait3A = tpu.memref_slice %arg7[%mul3A_18] : memref<200192xi32, #tpu.memory_space<hbm>> -> memref<12512xi32, #tpu.memory_space<hbm>>
      %dma_wait3A_26 = tpu.memref_slice %arg7[%mul3A_18] : memref<200192xi32, #tpu.memory_space<hbm>> -> memref<12512xi32, #tpu.memory_space<hbm>>
      tpu.wait_dma2 semaphore(%run_scoped3A : memref<!tpu.dma_semaphore, #tpu.memory_space<semaphore_mem>>) src(%dma_wait3A_26 : memref<12512xi32, #tpu.memory_space<hbm>>) dst(%arg11 : memref<12512xi32, #tpu.memory_space<vmem>>)
      tpu.yield
    }) : () -> ()
    "tpu.region"() ({
      %run_scoped3A = tpu.sem_alloc : memref<!tpu.dma_semaphore, #tpu.memory_space<semaphore_mem>>
      %dma_start3A = tpu.memref_slice %arg8[%mul3A_18] : memref<200192xi32, #tpu.memory_space<hbm>> -> memref<12512xi32, #tpu.memory_space<hbm>>
      %dma_start3A_25 = tpu.memref_slice %arg8[%mul3A_18] : memref<200192xi32, #tpu.memory_space<hbm>> -> memref<12512xi32, #tpu.memory_space<hbm>>
      tpu.enqueue_dma source(%dma_start3A_25 : memref<12512xi32, #tpu.memory_space<hbm>>) target(%arg12 : memref<12512xi32, #tpu.memory_space<vmem>>) target_semaphore(%run_scoped3A : memref<!tpu.dma_semaphore, #tpu.memory_space<semaphore_mem>>)
      %dma_wait3A = tpu.memref_slice %arg8[%mul3A_18] : memref<200192xi32, #tpu.memory_space<hbm>> -> memref<12512xi32, #tpu.memory_space<hbm>>
      %dma_wait3A_26 = tpu.memref_slice %arg8[%mul3A_18] : memref<200192xi32, #tpu.memory_space<hbm>> -> memref<12512xi32, #tpu.memory_space<hbm>>
      tpu.wait_dma2 semaphore(%run_scoped3A : memref<!tpu.dma_semaphore, #tpu.memory_space<semaphore_mem>>) src(%dma_wait3A_26 : memref<12512xi32, #tpu.memory_space<hbm>>) dst(%arg12 : memref<12512xi32, #tpu.memory_space<vmem>>)
      tpu.yield
    }) : () -> ()
    %scan3A_19 = arith.constant 0 : i32
    %scan3A_20 = arith.constant 0 : i32
    %scan3A_21 = arith.constant 10 : i32
    %scan3A_22 = arith.addi %scan3A_20, %scan3A_21 : i32
    %scan3A_23 = arith.constant 1 : i32
    scf.for %scan3A_25 = %scan3A_20 to %scan3A_22 step %scan3A_23  : i32 {
      %mul3A_26 = arith.constant 10 : i32
      %mul3A_27 = arith.muli %arg0, %mul3A_26 : i32
      %add3A_28 = arith.addi %mul3A_27, %scan3A_25 : i32
      %mul3A_29 = arith.constant 5120 : i32
      %mul3A_30 = arith.muli %add3A_28, %mul3A_29 : i32
      %add3A_31 = arith.constant 5120 : i32
      %add3A_32 = arith.addi %mul3A_30, %add3A_31 : i32
      %mul3A_33 = arith.constant 320 : i32
      %mul3A_34 = arith.muli %arg1, %mul3A_33 : i32
      "tpu.region"() ({
        %run_scoped3A = tpu.sem_alloc : memref<!tpu.dma_semaphore, #tpu.memory_space<semaphore_mem>>
        %dma_start3A = arith.constant 0 : i32
        %dma_start3A_205 = tpu.memref_slice %arg17[%mul3A_34, %dma_start3A] : memref<5128x144xf32, #tpu.memory_space<vmem_shared>> -> memref<320x144xf32, #tpu.memory_space<vmem_shared>>
        tpu.enqueue_dma source(%arg9 : memref<320x144xf32, #tpu.memory_space<hbm>>) target(%dma_start3A_205 : memref<320x144xf32, #tpu.memory_space<vmem_shared>>) target_semaphore(%run_scoped3A : memref<!tpu.dma_semaphore, #tpu.memory_space<semaphore_mem>>)
        %dma_wait3A = arith.constant 0 : i32
        %dma_wait3A_206 = tpu.memref_slice %arg17[%mul3A_34, %dma_wait3A] : memref<5128x144xf32, #tpu.memory_space<vmem_shared>> -> memref<320x144xf32, #tpu.memory_space<vmem_shared>>
        tpu.wait_dma2 semaphore(%run_scoped3A : memref<!tpu.dma_semaphore, #tpu.memory_space<semaphore_mem>>) src(%arg9 : memref<320x144xf32, #tpu.memory_space<hbm>>) dst(%dma_wait3A_206 : memref<320x144xf32, #tpu.memory_space<vmem_shared>>)
        tpu.yield
      }) : () -> ()
      %barrier3A = arith.constant 0 : index
      tpu.barrier barrier_id(%barrier3A)
      %scan3A_35 = arith.constant 0 : i32
      %scan3A_36 = arith.constant 0 : i32
      %scan3A_37 = arith.constant 782 : i32
      %scan3A_38 = arith.addi %scan3A_36, %scan3A_37 : i32
      %scan3A_39 = arith.constant 1 : i32
      %scan3A_40 = scf.for %scan3A_205 = %scan3A_36 to %scan3A_38 step %scan3A_39 iter_args(%scan3A_206 = %scan3A_35) -> (i32)  : i32 {
        %mul3A_207 = arith.constant 16 : i32
        %mul3A_208 = arith.muli %scan3A_205, %mul3A_207 : i32
        %get3A = arith.index_cast %mul3A_208 : i32 to index
        %get3A_209 = tpu.vector_load %arg12[%get3A] {strides = array<i32>} : memref<12512xi32, #tpu.memory_space<vmem>>, vector<16xi32>,
        %get3A_210 = vector.shape_cast %get3A_209 : vector<16xi32> to vector<16xi32>
        %mul3A_211 = arith.constant 16 : i32
        %mul3A_212 = arith.muli %scan3A_205, %mul3A_211 : i32
        %get3A_213 = arith.index_cast %mul3A_212 : i32 to index
        %get3A_214 = tpu.vector_load %arg11[%get3A_213] {strides = array<i32>} : memref<12512xi32, #tpu.memory_space<vmem>>, vector<16xi32>,
        %get3A_215 = vector.shape_cast %get3A_214 : vector<16xi32> to vector<16xi32>
        %ge3A = vector.broadcast %mul3A_30 : i32 to vector<16xi32>
        %ge3A_216 = arith.cmpi sge, %get3A_210, %ge3A : vector<16xi32>
        %lt3A_217 = vector.broadcast %add3A_32 : i32 to vector<16xi32>
        %lt3A_218 = arith.cmpi slt, %get3A_210, %lt3A_217 : vector<16xi32>
        %and3A_219 = arith.andi %ge3A_216, %lt3A_218 : vector<16xi1>
        %iota3A = tpu.iota {dimensions = array<i32: 0>} : vector<16xi32>
        %jit3A_220 = arith.constant 1 : i32
        %jit3A_221 = arith.constant 0 : i32
        %broadcast_in_dim3A_222 = vector.broadcast %jit3A_220 : i32 to vector<16xi32>
        %broadcast_in_dim3A_223 = vector.broadcast %jit3A_221 : i32 to vector<16xi32>
        %select_n3A_224 = arith.select %and3A_219, %broadcast_in_dim3A_222, %broadcast_in_dim3A_223 : vector<16xi1>, vector<16xi32>
        %sub3A_225 = arith.constant 1 : i32
        %sub3A_226 = vector.broadcast %sub3A_225 : i32 to vector<16xi32>
        %sub3A_227 = arith.subi %iota3A, %sub3A_226 : vector<16xi32>
        %max3A = arith.constant 0 : i32
        %max3A_228 = vector.broadcast %max3A : i32 to vector<16xi32>
        %max3A_229 = arith.maxsi %sub3A_227, %max3A_228 : vector<16xi32>
        %lt3A_230 = arith.constant 0 : i32
        %lt3A_231 = vector.broadcast %lt3A_230 : i32 to vector<16xi32>
        %lt3A_232 = arith.cmpi slt, %max3A_229, %lt3A_231 : vector<16xi32>
        %add3A_233 = arith.constant 16 : i32
        %add3A_234 = vector.broadcast %add3A_233 : i32 to vector<16xi32>
        %add3A_235 = arith.addi %max3A_229, %add3A_234 : vector<16xi32>
        %select_n3A_236 = arith.select %lt3A_232, %add3A_235, %max3A_229 : vector<16xi1>, vector<16xi32>
        %broadcast_in_dim3A_237 = vector.shape_cast %select_n3A_236 : vector<16xi32> to vector<16x1xi32>
        %gather3A = vector.shape_cast %broadcast_in_dim3A_237 : vector<16x1xi32> to vector<16xi32>
        %gather3A_238 = tpu.dynamic_gather %select_n3A_224[%gather3A] in [0] : vector<16xi32>, vector<16xi32> -> vector<16xi32>
        %ge3A_239 = arith.constant 1 : i32
        %ge3A_240 = vector.broadcast %ge3A_239 : i32 to vector<16xi32>
        %ge3A_241 = arith.cmpi sge, %iota3A, %ge3A_240 : vector<16xi32>
        %jit3A_242 = arith.constant 0 : i32
        %broadcast_in_dim3A_243 = vector.broadcast %jit3A_242 : i32 to vector<16xi32>
        %select_n3A_244 = arith.select %ge3A_241, %gather3A_238, %broadcast_in_dim3A_243 : vector<16xi1>, vector<16xi32>
        %add3A_245 = arith.addi %select_n3A_224, %select_n3A_244 : vector<16xi32>
        %sub3A_246 = arith.constant 2 : i32
        %sub3A_247 = vector.broadcast %sub3A_246 : i32 to vector<16xi32>
        %sub3A_248 = arith.subi %iota3A, %sub3A_247 : vector<16xi32>
        %max3A_249 = arith.constant 0 : i32
        %max3A_250 = vector.broadcast %max3A_249 : i32 to vector<16xi32>
        %max3A_251 = arith.maxsi %sub3A_248, %max3A_250 : vector<16xi32>
        %lt3A_252 = arith.constant 0 : i32
        %lt3A_253 = vector.broadcast %lt3A_252 : i32 to vector<16xi32>
        %lt3A_254 = arith.cmpi slt, %max3A_251, %lt3A_253 : vector<16xi32>
        %add3A_255 = arith.constant 16 : i32
        %add3A_256 = vector.broadcast %add3A_255 : i32 to vector<16xi32>
        %add3A_257 = arith.addi %max3A_251, %add3A_256 : vector<16xi32>
        %select_n3A_258 = arith.select %lt3A_254, %add3A_257, %max3A_251 : vector<16xi1>, vector<16xi32>
        %broadcast_in_dim3A_259 = vector.shape_cast %select_n3A_258 : vector<16xi32> to vector<16x1xi32>
        %gather3A_260 = vector.shape_cast %broadcast_in_dim3A_259 : vector<16x1xi32> to vector<16xi32>
        %gather3A_261 = tpu.dynamic_gather %add3A_245[%gather3A_260] in [0] : vector<16xi32>, vector<16xi32> -> vector<16xi32>
        %ge3A_262 = arith.constant 2 : i32
        %ge3A_263 = vector.broadcast %ge3A_262 : i32 to vector<16xi32>
        %ge3A_264 = arith.cmpi sge, %iota3A, %ge3A_263 : vector<16xi32>
        %jit3A_265 = arith.constant 0 : i32
        %broadcast_in_dim3A_266 = vector.broadcast %jit3A_265 : i32 to vector<16xi32>
        %select_n3A_267 = arith.select %ge3A_264, %gather3A_261, %broadcast_in_dim3A_266 : vector<16xi1>, vector<16xi32>
        %add3A_268 = arith.addi %add3A_245, %select_n3A_267 : vector<16xi32>
        %sub3A_269 = arith.constant 4 : i32
        %sub3A_270 = vector.broadcast %sub3A_269 : i32 to vector<16xi32>
        %sub3A_271 = arith.subi %iota3A, %sub3A_270 : vector<16xi32>
        %max3A_272 = arith.constant 0 : i32
        %max3A_273 = vector.broadcast %max3A_272 : i32 to vector<16xi32>
        %max3A_274 = arith.maxsi %sub3A_271, %max3A_273 : vector<16xi32>
        %lt3A_275 = arith.constant 0 : i32
        %lt3A_276 = vector.broadcast %lt3A_275 : i32 to vector<16xi32>
        %lt3A_277 = arith.cmpi slt, %max3A_274, %lt3A_276 : vector<16xi32>
        %add3A_278 = arith.constant 16 : i32
        %add3A_279 = vector.broadcast %add3A_278 : i32 to vector<16xi32>
        %add3A_280 = arith.addi %max3A_274, %add3A_279 : vector<16xi32>
        %select_n3A_281 = arith.select %lt3A_277, %add3A_280, %max3A_274 : vector<16xi1>, vector<16xi32>
        %broadcast_in_dim3A_282 = vector.shape_cast %select_n3A_281 : vector<16xi32> to vector<16x1xi32>
        %gather3A_283 = vector.shape_cast %broadcast_in_dim3A_282 : vector<16x1xi32> to vector<16xi32>
        %gather3A_284 = tpu.dynamic_gather %add3A_268[%gather3A_283] in [0] : vector<16xi32>, vector<16xi32> -> vector<16xi32>
        %ge3A_285 = arith.constant 4 : i32
        %ge3A_286 = vector.broadcast %ge3A_285 : i32 to vector<16xi32>
        %ge3A_287 = arith.cmpi sge, %iota3A, %ge3A_286 : vector<16xi32>
        %jit3A_288 = arith.constant 0 : i32
        %broadcast_in_dim3A_289 = vector.broadcast %jit3A_288 : i32 to vector<16xi32>
        %select_n3A_290 = arith.select %ge3A_287, %gather3A_284, %broadcast_in_dim3A_289 : vector<16xi1>, vector<16xi32>
        %add3A_291 = arith.addi %add3A_268, %select_n3A_290 : vector<16xi32>
        %sub3A_292 = arith.constant 8 : i32
        %sub3A_293 = vector.broadcast %sub3A_292 : i32 to vector<16xi32>
        %sub3A_294 = arith.subi %iota3A, %sub3A_293 : vector<16xi32>
        %max3A_295 = arith.constant 0 : i32
        %max3A_296 = vector.broadcast %max3A_295 : i32 to vector<16xi32>
        %max3A_297 = arith.maxsi %sub3A_294, %max3A_296 : vector<16xi32>
        %lt3A_298 = arith.constant 0 : i32
        %lt3A_299 = vector.broadcast %lt3A_298 : i32 to vector<16xi32>
        %lt3A_300 = arith.cmpi slt, %max3A_297, %lt3A_299 : vector<16xi32>
        %add3A_301 = arith.constant 16 : i32
        %add3A_302 = vector.broadcast %add3A_301 : i32 to vector<16xi32>
        %add3A_303 = arith.addi %max3A_297, %add3A_302 : vector<16xi32>
        %select_n3A_304 = arith.select %lt3A_300, %add3A_303, %max3A_297 : vector<16xi1>, vector<16xi32>
        %broadcast_in_dim3A_305 = vector.shape_cast %select_n3A_304 : vector<16xi32> to vector<16x1xi32>
        %gather3A_306 = vector.shape_cast %broadcast_in_dim3A_305 : vector<16x1xi32> to vector<16xi32>
        %gather3A_307 = tpu.dynamic_gather %add3A_291[%gather3A_306] in [0] : vector<16xi32>, vector<16xi32> -> vector<16xi32>
        %ge3A_308 = arith.constant 8 : i32
        %ge3A_309 = vector.broadcast %ge3A_308 : i32 to vector<16xi32>
        %ge3A_310 = arith.cmpi sge, %iota3A, %ge3A_309 : vector<16xi32>
        %jit3A_311 = arith.constant 0 : i32
        %broadcast_in_dim3A_312 = vector.broadcast %jit3A_311 : i32 to vector<16xi32>
        %select_n3A_313 = arith.select %ge3A_310, %gather3A_307, %broadcast_in_dim3A_312 : vector<16xi1>, vector<16xi32>
        %add3A_314 = arith.addi %add3A_291, %select_n3A_313 : vector<16xi32>
        %add3A_315 = arith.constant 1 : i32
        %add3A_316 = vector.broadcast %add3A_315 : i32 to vector<16xi32>
        %add3A_317 = arith.addi %iota3A, %add3A_316 : vector<16xi32>
        %broadcast_in_dim3A_318 = arith.constant 0 : i32
        %broadcast_in_dim3A_319 = vector.broadcast %broadcast_in_dim3A_318 : i32 to vector<16xi32>
        %add3A_320 = arith.constant 7 : i32
        %add3A_321 = vector.broadcast %add3A_320 : i32 to vector<16xi32>
        %add3A_322 = arith.addi %broadcast_in_dim3A_319, %add3A_321 : vector<16xi32>
        %lt3A_323 = arith.constant 0 : i32
        %lt3A_324 = vector.broadcast %lt3A_323 : i32 to vector<16xi32>
        %lt3A_325 = arith.cmpi slt, %add3A_322, %lt3A_324 : vector<16xi32>
        %add3A_326 = arith.constant 16 : i32
        %add3A_327 = vector.broadcast %add3A_326 : i32 to vector<16xi32>
        %add3A_328 = arith.addi %add3A_322, %add3A_327 : vector<16xi32>
        %select_n3A_329 = arith.select %lt3A_325, %add3A_328, %add3A_322 : vector<16xi1>, vector<16xi32>
        %broadcast_in_dim3A_330 = vector.shape_cast %select_n3A_329 : vector<16xi32> to vector<16x1xi32>
        %gather3A_331 = vector.shape_cast %broadcast_in_dim3A_330 : vector<16x1xi32> to vector<16xi32>
        %gather3A_332 = tpu.dynamic_gather %add3A_314[%gather3A_331] in [0] : vector<16xi32>, vector<16xi32> -> vector<16xi32>
        %lt3A_333 = arith.cmpi slt, %gather3A_332, %add3A_317 : vector<16xi32>
        %jit3A_334 = arith.constant 8 : i32
        %jit3A_335 = arith.constant 0 : i32
        %broadcast_in_dim3A_336 = vector.broadcast %jit3A_334 : i32 to vector<16xi32>
        %broadcast_in_dim3A_337 = vector.broadcast %jit3A_335 : i32 to vector<16xi32>
        %select_n3A_338 = arith.select %lt3A_333, %broadcast_in_dim3A_336, %broadcast_in_dim3A_337 : vector<16xi1>, vector<16xi32>
        %add3A_339 = arith.addi %broadcast_in_dim3A_319, %select_n3A_338 : vector<16xi32>
        %add3A_340 = arith.constant 3 : i32
        %add3A_341 = vector.broadcast %add3A_340 : i32 to vector<16xi32>
        %add3A_342 = arith.addi %add3A_339, %add3A_341 : vector<16xi32>
        %lt3A_343 = arith.constant 0 : i32
        %lt3A_344 = vector.broadcast %lt3A_343 : i32 to vector<16xi32>
        %lt3A_345 = arith.cmpi slt, %add3A_342, %lt3A_344 : vector<16xi32>
        %add3A_346 = arith.constant 16 : i32
        %add3A_347 = vector.broadcast %add3A_346 : i32 to vector<16xi32>
        %add3A_348 = arith.addi %add3A_342, %add3A_347 : vector<16xi32>
        %select_n3A_349 = arith.select %lt3A_345, %add3A_348, %add3A_342 : vector<16xi1>, vector<16xi32>
        %broadcast_in_dim3A_350 = vector.shape_cast %select_n3A_349 : vector<16xi32> to vector<16x1xi32>
        %gather3A_351 = vector.shape_cast %broadcast_in_dim3A_350 : vector<16x1xi32> to vector<16xi32>
        %gather3A_352 = tpu.dynamic_gather %add3A_314[%gather3A_351] in [0] : vector<16xi32>, vector<16xi32> -> vector<16xi32>
        %lt3A_353 = arith.cmpi slt, %gather3A_352, %add3A_317 : vector<16xi32>
        %jit3A_354 = arith.constant 4 : i32
        %jit3A_355 = arith.constant 0 : i32
        %broadcast_in_dim3A_356 = vector.broadcast %jit3A_354 : i32 to vector<16xi32>
        %broadcast_in_dim3A_357 = vector.broadcast %jit3A_355 : i32 to vector<16xi32>
        %select_n3A_358 = arith.select %lt3A_353, %broadcast_in_dim3A_356, %broadcast_in_dim3A_357 : vector<16xi1>, vector<16xi32>
        %add3A_359 = arith.addi %add3A_339, %select_n3A_358 : vector<16xi32>
        %add3A_360 = arith.constant 1 : i32
        %add3A_361 = vector.broadcast %add3A_360 : i32 to vector<16xi32>
        %add3A_362 = arith.addi %add3A_359, %add3A_361 : vector<16xi32>
        %lt3A_363 = arith.constant 0 : i32
        %lt3A_364 = vector.broadcast %lt3A_363 : i32 to vector<16xi32>
        %lt3A_365 = arith.cmpi slt, %add3A_362, %lt3A_364 : vector<16xi32>
        %add3A_366 = arith.constant 16 : i32
        %add3A_367 = vector.broadcast %add3A_366 : i32 to vector<16xi32>
        %add3A_368 = arith.addi %add3A_362, %add3A_367 : vector<16xi32>
        %select_n3A_369 = arith.select %lt3A_365, %add3A_368, %add3A_362 : vector<16xi1>, vector<16xi32>
        %broadcast_in_dim3A_370 = vector.shape_cast %select_n3A_369 : vector<16xi32> to vector<16x1xi32>
        %gather3A_371 = vector.shape_cast %broadcast_in_dim3A_370 : vector<16x1xi32> to vector<16xi32>
        %gather3A_372 = tpu.dynamic_gather %add3A_314[%gather3A_371] in [0] : vector<16xi32>, vector<16xi32> -> vector<16xi32>
        %lt3A_373 = arith.cmpi slt, %gather3A_372, %add3A_317 : vector<16xi32>
        %jit3A_374 = arith.constant 2 : i32
        %jit3A_375 = arith.constant 0 : i32
        %broadcast_in_dim3A_376 = vector.broadcast %jit3A_374 : i32 to vector<16xi32>
        %broadcast_in_dim3A_377 = vector.broadcast %jit3A_375 : i32 to vector<16xi32>
        %select_n3A_378 = arith.select %lt3A_373, %broadcast_in_dim3A_376, %broadcast_in_dim3A_377 : vector<16xi1>, vector<16xi32>
        %add3A_379 = arith.addi %add3A_359, %select_n3A_378 : vector<16xi32>
        %add3A_380 = arith.constant 0 : i32
        %add3A_381 = vector.broadcast %add3A_380 : i32 to vector<16xi32>
        %add3A_382 = arith.addi %add3A_379, %add3A_381 : vector<16xi32>
        %lt3A_383 = arith.constant 0 : i32
        %lt3A_384 = vector.broadcast %lt3A_383 : i32 to vector<16xi32>
        %lt3A_385 = arith.cmpi slt, %add3A_382, %lt3A_384 : vector<16xi32>
        %add3A_386 = arith.constant 16 : i32
        %add3A_387 = vector.broadcast %add3A_386 : i32 to vector<16xi32>
        %add3A_388 = arith.addi %add3A_382, %add3A_387 : vector<16xi32>
        %select_n3A_389 = arith.select %lt3A_385, %add3A_388, %add3A_382 : vector<16xi1>, vector<16xi32>
        %broadcast_in_dim3A_390 = vector.shape_cast %select_n3A_389 : vector<16xi32> to vector<16x1xi32>
        %gather3A_391 = vector.shape_cast %broadcast_in_dim3A_390 : vector<16x1xi32> to vector<16xi32>
        %gather3A_392 = tpu.dynamic_gather %add3A_314[%gather3A_391] in [0] : vector<16xi32>, vector<16xi32> -> vector<16xi32>
        %lt3A_393 = arith.cmpi slt, %gather3A_392, %add3A_317 : vector<16xi32>
        %jit3A_394 = arith.constant 1 : i32
        %jit3A_395 = arith.constant 0 : i32
        %broadcast_in_dim3A_396 = vector.broadcast %jit3A_394 : i32 to vector<16xi32>
        %broadcast_in_dim3A_397 = vector.broadcast %jit3A_395 : i32 to vector<16xi32>
        %select_n3A_398 = arith.select %lt3A_393, %broadcast_in_dim3A_396, %broadcast_in_dim3A_397 : vector<16xi1>, vector<16xi32>
        %add3A_399 = arith.addi %add3A_379, %select_n3A_398 : vector<16xi32>
        %lt3A_400 = arith.constant 0 : i32
        %lt3A_401 = vector.broadcast %lt3A_400 : i32 to vector<16xi32>
        %lt3A_402 = arith.cmpi slt, %add3A_399, %lt3A_401 : vector<16xi32>
        %add3A_403 = arith.constant 16 : i32
        %add3A_404 = vector.broadcast %add3A_403 : i32 to vector<16xi32>
        %add3A_405 = arith.addi %add3A_399, %add3A_404 : vector<16xi32>
        %select_n3A_406 = arith.select %lt3A_402, %add3A_405, %add3A_399 : vector<16xi1>, vector<16xi32>
        %broadcast_in_dim3A_407 = vector.shape_cast %select_n3A_406 : vector<16xi32> to vector<16x1xi32>
        %gather3A_408 = vector.shape_cast %broadcast_in_dim3A_407 : vector<16x1xi32> to vector<16xi32>
        %gather3A_409 = tpu.dynamic_gather %get3A_215[%gather3A_408] in [0] : vector<16xi32>, vector<16xi32> -> vector<16xi32>
        %sub3A_410 = vector.broadcast %mul3A_30 : i32 to vector<16xi32>
        %sub3A_411 = arith.subi %get3A_210, %sub3A_410 : vector<16xi32>
        %lt3A_412 = arith.constant 0 : i32
        %lt3A_413 = vector.broadcast %lt3A_412 : i32 to vector<16xi32>
        %lt3A_414 = arith.cmpi slt, %add3A_399, %lt3A_413 : vector<16xi32>
        %add3A_415 = arith.constant 16 : i32
        %add3A_416 = vector.broadcast %add3A_415 : i32 to vector<16xi32>
        %add3A_417 = arith.addi %add3A_399, %add3A_416 : vector<16xi32>
        %select_n3A_418 = arith.select %lt3A_414, %add3A_417, %add3A_399 : vector<16xi1>, vector<16xi32>
        %broadcast_in_dim3A_419 = vector.shape_cast %select_n3A_418 : vector<16xi32> to vector<16x1xi32>
        %gather3A_420 = vector.shape_cast %broadcast_in_dim3A_419 : vector<16x1xi32> to vector<16xi32>
        %gather3A_421 = tpu.dynamic_gather %sub3A_411[%gather3A_420] in [0] : vector<16xi32>, vector<16xi32> -> vector<16xi32>
        %swap3A_422 = arith.index_cast %scan3A_206 : i32 to index
        %swap3A_423 = tpu.vector_load %arg13[%swap3A_422] {strides = array<i32>} : memref<12672xi32, #tpu.memory_space<vmem>>, vector<16xi32>,
        %swap3A_424 = vector.shape_cast %swap3A_423 : vector<16xi32> to vector<16xi32>
        %swap3A_425 = vector.shape_cast %gather3A_409 : vector<16xi32> to vector<16xi32>
        tpu.vector_store %arg13[%swap3A_422], %swap3A_425 {strides = array<i32>} : memref<12672xi32, #tpu.memory_space<vmem>>, vector<16xi32>,
        %swap3A_426 = arith.index_cast %scan3A_206 : i32 to index
        %swap3A_427 = tpu.vector_load %arg14[%swap3A_426] {strides = array<i32>} : memref<12672xi32, #tpu.memory_space<vmem>>, vector<16xi32>,
        %swap3A_428 = vector.shape_cast %swap3A_427 : vector<16xi32> to vector<16xi32>
        %swap3A_429 = vector.shape_cast %gather3A_421 : vector<16xi32> to vector<16xi32>
        tpu.vector_store %arg14[%swap3A_426], %swap3A_429 {strides = array<i32>} : memref<12672xi32, #tpu.memory_space<vmem>>, vector<16xi32>,
        %slice3A = vector.extract_strided_slice %add3A_314 {offsets = [15], sizes = [1], strides = [1]} : vector<16xi32> to vector<1xi32>
        %squeeze3A = vector.extract %slice3A[0] : i32 from vector<1xi32>
        %add3A_430 = arith.addi %scan3A_206, %squeeze3A : i32
        scf.yield %add3A_430 : i32
      }
      %scan3A_41 = arith.constant 782 : i32
      %broadcast_in_dim3A = arith.constant 0 : i32
      %broadcast_in_dim3A_42 = vector.broadcast %broadcast_in_dim3A : i32 to vector<16xi32>
      %mul3A_43 = arith.constant 64 : i32
      %mul3A_44 = arith.muli %arg1, %mul3A_43 : i32
      %add3A_45 = vector.broadcast %mul3A_44 : i32 to vector<16xi32>
      %add3A_46 = arith.addi %broadcast_in_dim3A_42, %add3A_45 : vector<16xi32>
      %broadcast_in_dim3A_47 = arith.constant 0 : i32
      %broadcast_in_dim3A_48 = vector.broadcast %broadcast_in_dim3A_47 : i32 to vector<16xi32>
      %jit3A = arith.constant 8 : i32
      %eq3A = arith.constant 0 : i32
      %eq3A_49 = arith.cmpi eq, %jit3A, %eq3A : i32
      %jit3A_50 = arith.constant 1 : i32
      %select_n3A = arith.select %eq3A_49, %jit3A_50, %jit3A : i32
      %rem3A = arith.remsi %arg1, %select_n3A : i32
      %ne3A = arith.constant 0 : i32
      %ne3A_51 = arith.cmpi ne, %rem3A, %ne3A : i32
      %lt3A = arith.constant 0 : i32
      %lt3A_52 = arith.cmpi slt, %rem3A, %lt3A : i32
      %lt3A_53 = arith.constant 0 : i32
      %lt3A_54 = arith.cmpi slt, %select_n3A, %lt3A_53 : i32
      %ne3A_55 = arith.xori %lt3A_52, %lt3A_54 : i1
      %and3A = arith.andi %ne3A_55, %ne3A_51 : i1
      %add3A_56 = arith.addi %rem3A, %select_n3A : i32
      %select_n3A_57 = arith.select %and3A, %add3A_56, %rem3A : i32
      %add3A_58 = arith.constant 5120 : i32
      %add3A_59 = arith.addi %add3A_58, %select_n3A_57 : i32
      %add3A_60 = vector.broadcast %add3A_59 : i32 to vector<16xi32>
      %add3A_61 = arith.addi %broadcast_in_dim3A_48, %add3A_60 : vector<16xi32>
      %add3A_62 = arith.constant 0 : i32
      %add3A_63 = arith.addi %scan3A_40, %add3A_62 : i32
      %swap3A = arith.index_cast %add3A_63 : i32 to index
      %swap3A_64 = tpu.vector_load %arg13[%swap3A] {strides = array<i32>} : memref<12672xi32, #tpu.memory_space<vmem>>, vector<16xi32>,
      %swap3A_65 = vector.shape_cast %swap3A_64 : vector<16xi32> to vector<16xi32>
      %swap3A_66 = vector.shape_cast %add3A_46 : vector<16xi32> to vector<16xi32>
      tpu.vector_store %arg13[%swap3A], %swap3A_66 {strides = array<i32>} : memref<12672xi32, #tpu.memory_space<vmem>>, vector<16xi32>,
      %add3A_67 = arith.constant 0 : i32
      %add3A_68 = arith.addi %scan3A_40, %add3A_67 : i32
      %swap3A_69 = arith.index_cast %add3A_68 : i32 to index
      %swap3A_70 = tpu.vector_load %arg14[%swap3A_69] {strides = array<i32>} : memref<12672xi32, #tpu.memory_space<vmem>>, vector<16xi32>,
      %swap3A_71 = vector.shape_cast %swap3A_70 : vector<16xi32> to vector<16xi32>
      %swap3A_72 = vector.shape_cast %add3A_61 : vector<16xi32> to vector<16xi32>
      tpu.vector_store %arg14[%swap3A_69], %swap3A_72 {strides = array<i32>} : memref<12672xi32, #tpu.memory_space<vmem>>, vector<16xi32>,
      %add3A_73 = arith.constant 16 : i32
      %add3A_74 = arith.addi %scan3A_40, %add3A_73 : i32
      %swap3A_75 = arith.index_cast %add3A_74 : i32 to index
      %swap3A_76 = tpu.vector_load %arg13[%swap3A_75] {strides = array<i32>} : memref<12672xi32, #tpu.memory_space<vmem>>, vector<16xi32>,
      %swap3A_77 = vector.shape_cast %swap3A_76 : vector<16xi32> to vector<16xi32>
      %swap3A_78 = vector.shape_cast %add3A_46 : vector<16xi32> to vector<16xi32>
      tpu.vector_store %arg13[%swap3A_75], %swap3A_78 {strides = array<i32>} : memref<12672xi32, #tpu.memory_space<vmem>>, vector<16xi32>,
      %add3A_79 = arith.constant 16 : i32
      %add3A_80 = arith.addi %scan3A_40, %add3A_79 : i32
      %swap3A_81 = arith.index_cast %add3A_80 : i32 to index
      %swap3A_82 = tpu.vector_load %arg14[%swap3A_81] {strides = array<i32>} : memref<12672xi32, #tpu.memory_space<vmem>>, vector<16xi32>,
      %swap3A_83 = vector.shape_cast %swap3A_82 : vector<16xi32> to vector<16xi32>
      %swap3A_84 = vector.shape_cast %add3A_61 : vector<16xi32> to vector<16xi32>
      tpu.vector_store %arg14[%swap3A_81], %swap3A_84 {strides = array<i32>} : memref<12672xi32, #tpu.memory_space<vmem>>, vector<16xi32>,
      %add3A_85 = arith.constant 32 : i32
      %add3A_86 = arith.addi %scan3A_40, %add3A_85 : i32
      %swap3A_87 = arith.index_cast %add3A_86 : i32 to index
      %swap3A_88 = tpu.vector_load %arg13[%swap3A_87] {strides = array<i32>} : memref<12672xi32, #tpu.memory_space<vmem>>, vector<16xi32>,
      %swap3A_89 = vector.shape_cast %swap3A_88 : vector<16xi32> to vector<16xi32>
      %swap3A_90 = vector.shape_cast %add3A_46 : vector<16xi32> to vector<16xi32>
      tpu.vector_store %arg13[%swap3A_87], %swap3A_90 {strides = array<i32>} : memref<12672xi32, #tpu.memory_space<vmem>>, vector<16xi32>,
      %add3A_91 = arith.constant 32 : i32
      %add3A_92 = arith.addi %scan3A_40, %add3A_91 : i32
      %swap3A_93 = arith.index_cast %add3A_92 : i32 to index
      %swap3A_94 = tpu.vector_load %arg14[%swap3A_93] {strides = array<i32>} : memref<12672xi32, #tpu.memory_space<vmem>>, vector<16xi32>,
      %swap3A_95 = vector.shape_cast %swap3A_94 : vector<16xi32> to vector<16xi32>
      %swap3A_96 = vector.shape_cast %add3A_61 : vector<16xi32> to vector<16xi32>
      tpu.vector_store %arg14[%swap3A_93], %swap3A_96 {strides = array<i32>} : memref<12672xi32, #tpu.memory_space<vmem>>, vector<16xi32>,
      %add3A_97 = arith.constant 48 : i32
      %add3A_98 = arith.addi %scan3A_40, %add3A_97 : i32
      %swap3A_99 = arith.index_cast %add3A_98 : i32 to index
      %swap3A_100 = tpu.vector_load %arg13[%swap3A_99] {strides = array<i32>} : memref<12672xi32, #tpu.memory_space<vmem>>, vector<16xi32>,
      %swap3A_101 = vector.shape_cast %swap3A_100 : vector<16xi32> to vector<16xi32>
      %swap3A_102 = vector.shape_cast %add3A_46 : vector<16xi32> to vector<16xi32>
      tpu.vector_store %arg13[%swap3A_99], %swap3A_102 {strides = array<i32>} : memref<12672xi32, #tpu.memory_space<vmem>>, vector<16xi32>,
      %add3A_103 = arith.constant 48 : i32
      %add3A_104 = arith.addi %scan3A_40, %add3A_103 : i32
      %swap3A_105 = arith.index_cast %add3A_104 : i32 to index
      %swap3A_106 = tpu.vector_load %arg14[%swap3A_105] {strides = array<i32>} : memref<12672xi32, #tpu.memory_space<vmem>>, vector<16xi32>,
      %swap3A_107 = vector.shape_cast %swap3A_106 : vector<16xi32> to vector<16xi32>
      %swap3A_108 = vector.shape_cast %add3A_61 : vector<16xi32> to vector<16xi32>
      tpu.vector_store %arg14[%swap3A_105], %swap3A_108 {strides = array<i32>} : memref<12672xi32, #tpu.memory_space<vmem>>, vector<16xi32>,
      %add3A_109 = arith.constant 64 : i32
      %add3A_110 = arith.addi %scan3A_40, %add3A_109 : i32
      %swap3A_111 = arith.index_cast %add3A_110 : i32 to index
      %swap3A_112 = tpu.vector_load %arg13[%swap3A_111] {strides = array<i32>} : memref<12672xi32, #tpu.memory_space<vmem>>, vector<16xi32>,
      %swap3A_113 = vector.shape_cast %swap3A_112 : vector<16xi32> to vector<16xi32>
      %swap3A_114 = vector.shape_cast %add3A_46 : vector<16xi32> to vector<16xi32>
      tpu.vector_store %arg13[%swap3A_111], %swap3A_114 {strides = array<i32>} : memref<12672xi32, #tpu.memory_space<vmem>>, vector<16xi32>,
      %add3A_115 = arith.constant 64 : i32
      %add3A_116 = arith.addi %scan3A_40, %add3A_115 : i32
      %swap3A_117 = arith.index_cast %add3A_116 : i32 to index
      %swap3A_118 = tpu.vector_load %arg14[%swap3A_117] {strides = array<i32>} : memref<12672xi32, #tpu.memory_space<vmem>>, vector<16xi32>,
      %swap3A_119 = vector.shape_cast %swap3A_118 : vector<16xi32> to vector<16xi32>
      %swap3A_120 = vector.shape_cast %add3A_61 : vector<16xi32> to vector<16xi32>
      tpu.vector_store %arg14[%swap3A_117], %swap3A_120 {strides = array<i32>} : memref<12672xi32, #tpu.memory_space<vmem>>, vector<16xi32>,
      %add3A_121 = arith.constant 80 : i32
      %add3A_122 = arith.addi %scan3A_40, %add3A_121 : i32
      %swap3A_123 = arith.index_cast %add3A_122 : i32 to index
      %swap3A_124 = tpu.vector_load %arg13[%swap3A_123] {strides = array<i32>} : memref<12672xi32, #tpu.memory_space<vmem>>, vector<16xi32>,
      %swap3A_125 = vector.shape_cast %swap3A_124 : vector<16xi32> to vector<16xi32>
      %swap3A_126 = vector.shape_cast %add3A_46 : vector<16xi32> to vector<16xi32>
      tpu.vector_store %arg13[%swap3A_123], %swap3A_126 {strides = array<i32>} : memref<12672xi32, #tpu.memory_space<vmem>>, vector<16xi32>,
      %add3A_127 = arith.constant 80 : i32
      %add3A_128 = arith.addi %scan3A_40, %add3A_127 : i32
      %swap3A_129 = arith.index_cast %add3A_128 : i32 to index
      %swap3A_130 = tpu.vector_load %arg14[%swap3A_129] {strides = array<i32>} : memref<12672xi32, #tpu.memory_space<vmem>>, vector<16xi32>,
      %swap3A_131 = vector.shape_cast %swap3A_130 : vector<16xi32> to vector<16xi32>
      %swap3A_132 = vector.shape_cast %add3A_61 : vector<16xi32> to vector<16xi32>
      tpu.vector_store %arg14[%swap3A_129], %swap3A_132 {strides = array<i32>} : memref<12672xi32, #tpu.memory_space<vmem>>, vector<16xi32>,
      %add3A_133 = arith.constant 96 : i32
      %add3A_134 = arith.addi %scan3A_40, %add3A_133 : i32
      %swap3A_135 = arith.index_cast %add3A_134 : i32 to index
      %swap3A_136 = tpu.vector_load %arg13[%swap3A_135] {strides = array<i32>} : memref<12672xi32, #tpu.memory_space<vmem>>, vector<16xi32>,
      %swap3A_137 = vector.shape_cast %swap3A_136 : vector<16xi32> to vector<16xi32>
      %swap3A_138 = vector.shape_cast %add3A_46 : vector<16xi32> to vector<16xi32>
      tpu.vector_store %arg13[%swap3A_135], %swap3A_138 {strides = array<i32>} : memref<12672xi32, #tpu.memory_space<vmem>>, vector<16xi32>,
      %add3A_139 = arith.constant 96 : i32
      %add3A_140 = arith.addi %scan3A_40, %add3A_139 : i32
      %swap3A_141 = arith.index_cast %add3A_140 : i32 to index
      %swap3A_142 = tpu.vector_load %arg14[%swap3A_141] {strides = array<i32>} : memref<12672xi32, #tpu.memory_space<vmem>>, vector<16xi32>,
      %swap3A_143 = vector.shape_cast %swap3A_142 : vector<16xi32> to vector<16xi32>
      %swap3A_144 = vector.shape_cast %add3A_61 : vector<16xi32> to vector<16xi32>
      tpu.vector_store %arg14[%swap3A_141], %swap3A_144 {strides = array<i32>} : memref<12672xi32, #tpu.memory_space<vmem>>, vector<16xi32>,
      %add3A_145 = arith.constant 112 : i32
      %add3A_146 = arith.addi %scan3A_40, %add3A_145 : i32
      %swap3A_147 = arith.index_cast %add3A_146 : i32 to index
      %swap3A_148 = tpu.vector_load %arg13[%swap3A_147] {strides = array<i32>} : memref<12672xi32, #tpu.memory_space<vmem>>, vector<16xi32>,
      %swap3A_149 = vector.shape_cast %swap3A_148 : vector<16xi32> to vector<16xi32>
      %swap3A_150 = vector.shape_cast %add3A_46 : vector<16xi32> to vector<16xi32>
      tpu.vector_store %arg13[%swap3A_147], %swap3A_150 {strides = array<i32>} : memref<12672xi32, #tpu.memory_space<vmem>>, vector<16xi32>,
      %add3A_151 = arith.constant 112 : i32
      %add3A_152 = arith.addi %scan3A_40, %add3A_151 : i32
      %swap3A_153 = arith.index_cast %add3A_152 : i32 to index
      %swap3A_154 = tpu.vector_load %arg14[%swap3A_153] {strides = array<i32>} : memref<12672xi32, #tpu.memory_space<vmem>>, vector<16xi32>,
      %swap3A_155 = vector.shape_cast %swap3A_154 : vector<16xi32> to vector<16xi32>
      %swap3A_156 = vector.shape_cast %add3A_61 : vector<16xi32> to vector<16xi32>
      tpu.vector_store %arg14[%swap3A_153], %swap3A_156 {strides = array<i32>} : memref<12672xi32, #tpu.memory_space<vmem>>, vector<16xi32>,
      %add3A_157 = arith.constant 128 : i32
      %add3A_158 = arith.addi %scan3A_40, %add3A_157 : i32
      %swap3A_159 = arith.index_cast %add3A_158 : i32 to index
      %swap3A_160 = tpu.vector_load %arg13[%swap3A_159] {strides = array<i32>} : memref<12672xi32, #tpu.memory_space<vmem>>, vector<16xi32>,
      %swap3A_161 = vector.shape_cast %swap3A_160 : vector<16xi32> to vector<16xi32>
      %swap3A_162 = vector.shape_cast %add3A_46 : vector<16xi32> to vector<16xi32>
      tpu.vector_store %arg13[%swap3A_159], %swap3A_162 {strides = array<i32>} : memref<12672xi32, #tpu.memory_space<vmem>>, vector<16xi32>,
      %add3A_163 = arith.constant 128 : i32
      %add3A_164 = arith.addi %scan3A_40, %add3A_163 : i32
      %swap3A_165 = arith.index_cast %add3A_164 : i32 to index
      %swap3A_166 = tpu.vector_load %arg14[%swap3A_165] {strides = array<i32>} : memref<12672xi32, #tpu.memory_space<vmem>>, vector<16xi32>,
      %swap3A_167 = vector.shape_cast %swap3A_166 : vector<16xi32> to vector<16xi32>
      %swap3A_168 = vector.shape_cast %add3A_61 : vector<16xi32> to vector<16xi32>
      tpu.vector_store %arg14[%swap3A_165], %swap3A_168 {strides = array<i32>} : memref<12672xi32, #tpu.memory_space<vmem>>, vector<16xi32>,
      %add3A_169 = arith.constant 63 : i32
      %add3A_170 = arith.addi %scan3A_40, %add3A_169 : i32
      %jit3A_171 = arith.constant 64 : i32
      %div3A = arith.divsi %add3A_170, %jit3A_171 : i32
      %sign3A = arith.constant 0 : i32
      %sign3A_172 = arith.cmpi sgt, %add3A_170, %sign3A : i32
      %sign3A_173 = arith.extui %sign3A_172 : i1 to i32
      %sign3A_174 = arith.constant 0 : i32
      %sign3A_175 = arith.cmpi slt, %add3A_170, %sign3A_174 : i32
      %sign3A_176 = arith.extui %sign3A_175 : i1 to i32
      %sign3A_177 = arith.subi %sign3A_173, %sign3A_176 : i32
      %sign3A_178 = arith.constant 0 : i32
      %sign3A_179 = arith.cmpi sgt, %jit3A_171, %sign3A_178 : i32
      %sign3A_180 = arith.extui %sign3A_179 : i1 to i32
      %sign3A_181 = arith.constant 0 : i32
      %sign3A_182 = arith.cmpi slt, %jit3A_171, %sign3A_181 : i32
      %sign3A_183 = arith.extui %sign3A_182 : i1 to i32
      %sign3A_184 = arith.subi %sign3A_180, %sign3A_183 : i32
      %ne3A_185 = arith.cmpi ne, %sign3A_177, %sign3A_184 : i32
      %rem3A_186 = arith.remsi %add3A_170, %jit3A_171 : i32
      %ne3A_187 = arith.constant 0 : i32
      %ne3A_188 = arith.cmpi ne, %rem3A_186, %ne3A_187 : i32
      %and3A_189 = arith.andi %ne3A_185, %ne3A_188 : i1
      %sub3A = arith.constant 1 : i32
      %sub3A_190 = arith.subi %div3A, %sub3A : i32
      %select_n3A_191 = arith.select %and3A_189, %sub3A_190, %div3A : i32
      %while3A = arith.constant 0 : i32
      %while3A_192 = arith.constant 0 : i32
      %while3A_193 = arith.subi %select_n3A_191, %while3A_192 : i32
      %while3A_194 = arith.addi %while3A_192, %while3A_193 : i32
      %while3A_195 = arith.constant 1 : i32
      %while3A_196 = arith.divsi %while3A_193, %while3A_195 : i32
      %while3A_197 = arith.muli %while3A_196, %while3A_195 : i32
      %while3A_198 = arith.addi %while3A_192, %while3A_197 : i32
      %while3A_199 = arith.constant 1 : i32
      scf.for %while3A_205 = %while3A_192 to %while3A_198 step %while3A_199  : i32 {
        %mul3A_206 = arith.constant 64 : i32
        %mul3A_207 = arith.muli %while3A_205, %mul3A_206 : i32
        %add3A_208 = arith.constant 0 : i32
        %add3A_209 = arith.addi %mul3A_207, %add3A_208 : i32
        %get3A = arith.index_cast %add3A_209 : i32 to index
        %get3A_210 = tpu.vector_load %arg14[%get3A] {strides = array<i32>} : memref<12672xi32, #tpu.memory_space<vmem>>, vector<16xi32>,
        %get3A_211 = vector.shape_cast %get3A_210 : vector<16xi32> to vector<16xi32>
        %swap3A_212 = arith.constant 0 : i32
        %swap3A_213 = arith.index_cast %swap3A_212 : i32 to index
        %swap3A_214 = arith.constant 0 : index
        %swap3A_215 = tpu.vector_load %arg15[%swap3A_213, %swap3A_214] {strides = array<i32>} : memref<2x64xi32, #tpu.memory_space<vmem>>, vector<1x16xi32>,
        %swap3A_216 = vector.shape_cast %swap3A_215 : vector<1x16xi32> to vector<16xi32>
        %swap3A_217 = vector.shape_cast %get3A_211 : vector<16xi32> to vector<1x16xi32>
        tpu.vector_store %arg15[%swap3A_213, %swap3A_214], %swap3A_217 {strides = array<i32>} : memref<2x64xi32, #tpu.memory_space<vmem>>, vector<1x16xi32>,
        %mul3A_218 = arith.constant 64 : i32
        %mul3A_219 = arith.muli %while3A_205, %mul3A_218 : i32
        %add3A_220 = arith.constant 16 : i32
        %add3A_221 = arith.addi %mul3A_219, %add3A_220 : i32
        %get3A_222 = arith.index_cast %add3A_221 : i32 to index
        %get3A_223 = tpu.vector_load %arg14[%get3A_222] {strides = array<i32>} : memref<12672xi32, #tpu.memory_space<vmem>>, vector<16xi32>,
        %get3A_224 = vector.shape_cast %get3A_223 : vector<16xi32> to vector<16xi32>
        %swap3A_225 = arith.constant 0 : i32
        %swap3A_226 = arith.index_cast %swap3A_225 : i32 to index
        %swap3A_227 = arith.constant 16 : index
        %swap3A_228 = tpu.vector_load %arg15[%swap3A_226, %swap3A_227] {strides = array<i32>} : memref<2x64xi32, #tpu.memory_space<vmem>>, vector<1x16xi32>,
        %swap3A_229 = vector.shape_cast %swap3A_228 : vector<1x16xi32> to vector<16xi32>
        %swap3A_230 = vector.shape_cast %get3A_224 : vector<16xi32> to vector<1x16xi32>
        tpu.vector_store %arg15[%swap3A_226, %swap3A_227], %swap3A_230 {strides = array<i32>} : memref<2x64xi32, #tpu.memory_space<vmem>>, vector<1x16xi32>,
        %mul3A_231 = arith.constant 64 : i32
        %mul3A_232 = arith.muli %while3A_205, %mul3A_231 : i32
        %add3A_233 = arith.constant 32 : i32
        %add3A_234 = arith.addi %mul3A_232, %add3A_233 : i32
        %get3A_235 = arith.index_cast %add3A_234 : i32 to index
        %get3A_236 = tpu.vector_load %arg14[%get3A_235] {strides = array<i32>} : memref<12672xi32, #tpu.memory_space<vmem>>, vector<16xi32>,
        %get3A_237 = vector.shape_cast %get3A_236 : vector<16xi32> to vector<16xi32>
        %swap3A_238 = arith.constant 0 : i32
        %swap3A_239 = arith.index_cast %swap3A_238 : i32 to index
        %swap3A_240 = arith.constant 32 : index
        %swap3A_241 = tpu.vector_load %arg15[%swap3A_239, %swap3A_240] {strides = array<i32>} : memref<2x64xi32, #tpu.memory_space<vmem>>, vector<1x16xi32>,
        %swap3A_242 = vector.shape_cast %swap3A_241 : vector<1x16xi32> to vector<16xi32>
        %swap3A_243 = vector.shape_cast %get3A_237 : vector<16xi32> to vector<1x16xi32>
        tpu.vector_store %arg15[%swap3A_239, %swap3A_240], %swap3A_243 {strides = array<i32>} : memref<2x64xi32, #tpu.memory_space<vmem>>, vector<1x16xi32>,
        %mul3A_244 = arith.constant 64 : i32
        %mul3A_245 = arith.muli %while3A_205, %mul3A_244 : i32
        %add3A_246 = arith.constant 48 : i32
        %add3A_247 = arith.addi %mul3A_245, %add3A_246 : i32
        %get3A_248 = arith.index_cast %add3A_247 : i32 to index
        %get3A_249 = tpu.vector_load %arg14[%get3A_248] {strides = array<i32>} : memref<12672xi32, #tpu.memory_space<vmem>>, vector<16xi32>,
        %get3A_250 = vector.shape_cast %get3A_249 : vector<16xi32> to vector<16xi32>
        %swap3A_251 = arith.constant 0 : i32
        %swap3A_252 = arith.index_cast %swap3A_251 : i32 to index
        %swap3A_253 = arith.constant 48 : index
        %swap3A_254 = tpu.vector_load %arg15[%swap3A_252, %swap3A_253] {strides = array<i32>} : memref<2x64xi32, #tpu.memory_space<vmem>>, vector<1x16xi32>,
        %swap3A_255 = vector.shape_cast %swap3A_254 : vector<1x16xi32> to vector<16xi32>
        %swap3A_256 = vector.shape_cast %get3A_250 : vector<16xi32> to vector<1x16xi32>
        tpu.vector_store %arg15[%swap3A_252, %swap3A_253], %swap3A_256 {strides = array<i32>} : memref<2x64xi32, #tpu.memory_space<vmem>>, vector<1x16xi32>,
        %mul3A_257 = arith.constant 64 : i32
        %mul3A_258 = arith.muli %while3A_205, %mul3A_257 : i32
        %dma_start3A = arith.constant 0 : i32
        %dma_start3A_259 = arith.constant 0 : i32
        %dma_start3A_260 = arith.constant 0 : i32
        %dma_start3A_261 = tpu.memref_slice %arg16[%dma_start3A, %dma_start3A_259, %dma_start3A_260] : memref<2x64x144xf32, #tpu.memory_space<vmem>> -> memref<1x64x144xf32, #tpu.memory_space<vmem>>
        %dma_start3A_262 = tpu.memref_squeeze %dma_start3A_261 : memref<1x64x144xf32, #tpu.memory_space<vmem>> -> memref<64x144xf32, #tpu.memory_space<vmem>>
        %dma_start3A_263 = tpu.memref_slice %arg13[%mul3A_258] : memref<12672xi32, #tpu.memory_space<vmem>> -> memref<64xi32, #tpu.memory_space<vmem>>
        %dma_start3A_264 = arith.constant 0 : i32
        %dma_start3A_265 = arith.constant 0 : i32
        %dma_start3A_266 = tpu.memref_slice %arg2[%dma_start3A_264, %dma_start3A_265] : memref<100000x144xf32, #tpu.memory_space<hbm>> -> memref<100000x144xf32, #tpu.memory_space<hbm>>
        tpu.enqueue_indirect_dma source(%dma_start3A_266 : memref<100000x144xf32, #tpu.memory_space<hbm>>) target(%dma_start3A_262 : memref<64x144xf32, #tpu.memory_space<vmem>>) offsets(%dma_start3A_263 : memref<64xi32, #tpu.memory_space<vmem>>) semaphore(%arg18 : memref<!tpu.dma_semaphore, #tpu.memory_space<semaphore_mem>>)
        %dma_wait3A = arith.constant 0 : i32
        %dma_wait3A_267 = arith.constant 0 : i32
        %dma_wait3A_268 = arith.constant 0 : i32
        %dma_wait3A_269 = tpu.memref_slice %arg16[%dma_wait3A, %dma_wait3A_267, %dma_wait3A_268] : memref<2x64x144xf32, #tpu.memory_space<vmem>> -> memref<1x64x144xf32, #tpu.memory_space<vmem>>
        %dma_wait3A_270 = tpu.memref_squeeze %dma_wait3A_269 : memref<1x64x144xf32, #tpu.memory_space<vmem>> -> memref<64x144xf32, #tpu.memory_space<vmem>>
        %dma_wait3A_271 = tpu.memref_slice %arg13[%mul3A_258] : memref<12672xi32, #tpu.memory_space<vmem>> -> memref<64xi32, #tpu.memory_space<vmem>>
        %dma_wait3A_272 = arith.constant 0 : i32
        %dma_wait3A_273 = arith.constant 0 : i32
        %dma_wait3A_274 = tpu.memref_slice %arg2[%dma_wait3A_272, %dma_wait3A_273] : memref<100000x144xf32, #tpu.memory_space<hbm>> -> memref<100000x144xf32, #tpu.memory_space<hbm>>
        tpu.wait_indirect_dma semaphore(%arg18 : memref<!tpu.dma_semaphore, #tpu.memory_space<semaphore_mem>>) src(%dma_wait3A_274 : memref<100000x144xf32, #tpu.memory_space<hbm>>) dst(%dma_wait3A_270 : memref<64x144xf32, #tpu.memory_space<vmem>>)
        %run_scoped3A = arith.constant 0 : i32
        %run_scoped3A_275 = arith.constant 0 : i32
        "tpu.region"() ({
          %run_scoped3A_276 = tpu.sem_alloc : memref<!tpu.dma_semaphore, #tpu.memory_space<semaphore_mem>>
          %dma_start3A_277 = arith.constant 0 : i32
          %dma_start3A_278 = arith.constant 0 : i32
          %dma_start3A_279 = tpu.memref_slice %arg16[%run_scoped3A, %dma_start3A_277, %dma_start3A_278] : memref<2x64x144xf32, #tpu.memory_space<vmem>> -> memref<1x64x144xf32, #tpu.memory_space<vmem>>
          %dma_start3A_280 = tpu.memref_squeeze %dma_start3A_279 : memref<1x64x144xf32, #tpu.memory_space<vmem>> -> memref<64x144xf32, #tpu.memory_space<vmem>>
          %dma_start3A_281 = arith.constant 0 : i32
          %dma_start3A_282 = tpu.memref_slice %arg15[%run_scoped3A_275, %dma_start3A_281] : memref<2x64xi32, #tpu.memory_space<vmem>> -> memref<1x64xi32, #tpu.memory_space<vmem>>
          %dma_start3A_283 = tpu.memref_squeeze %dma_start3A_282 : memref<1x64xi32, #tpu.memory_space<vmem>> -> memref<64xi32, #tpu.memory_space<vmem>>
          %dma_start3A_284 = arith.constant 0 : i32
          %dma_start3A_285 = arith.constant 0 : i32
          %dma_start3A_286 = tpu.memref_slice %arg17[%dma_start3A_284, %dma_start3A_285] : memref<5128x144xf32, #tpu.memory_space<vmem_shared>> -> memref<5128x144xf32, #tpu.memory_space<vmem_shared>>
          tpu.enqueue_indirect_dma source(%dma_start3A_280 : memref<64x144xf32, #tpu.memory_space<vmem>>) target(%dma_start3A_286 : memref<5128x144xf32, #tpu.memory_space<vmem_shared>>) offsets(%dma_start3A_283 : memref<64xi32, #tpu.memory_space<vmem>>) semaphore(%run_scoped3A_276 : memref<!tpu.dma_semaphore, #tpu.memory_space<semaphore_mem>>) {add = true}
          %dma_wait3A_287 = arith.constant 0 : i32
          %dma_wait3A_288 = arith.constant 0 : i32
          %dma_wait3A_289 = tpu.memref_slice %arg16[%run_scoped3A, %dma_wait3A_287, %dma_wait3A_288] : memref<2x64x144xf32, #tpu.memory_space<vmem>> -> memref<1x64x144xf32, #tpu.memory_space<vmem>>
          %dma_wait3A_290 = tpu.memref_squeeze %dma_wait3A_289 : memref<1x64x144xf32, #tpu.memory_space<vmem>> -> memref<64x144xf32, #tpu.memory_space<vmem>>
          %dma_wait3A_291 = arith.constant 0 : i32
          %dma_wait3A_292 = tpu.memref_slice %arg15[%run_scoped3A_275, %dma_wait3A_291] : memref<2x64xi32, #tpu.memory_space<vmem>> -> memref<1x64xi32, #tpu.memory_space<vmem>>
          %dma_wait3A_293 = tpu.memref_squeeze %dma_wait3A_292 : memref<1x64xi32, #tpu.memory_space<vmem>> -> memref<64xi32, #tpu.memory_space<vmem>>
          %dma_wait3A_294 = arith.constant 0 : i32
          %dma_wait3A_295 = arith.constant 0 : i32
          %dma_wait3A_296 = tpu.memref_slice %arg17[%dma_wait3A_294, %dma_wait3A_295] : memref<5128x144xf32, #tpu.memory_space<vmem_shared>> -> memref<5128x144xf32, #tpu.memory_space<vmem_shared>>
          tpu.wait_indirect_dma semaphore(%run_scoped3A_276 : memref<!tpu.dma_semaphore, #tpu.memory_space<semaphore_mem>>) src(%dma_wait3A_290 : memref<64x144xf32, #tpu.memory_space<vmem>>) dst(%dma_wait3A_296 : memref<5128x144xf32, #tpu.memory_space<vmem_shared>>)
          tpu.yield
        }) : () -> ()
      }
      %while3A_200 = arith.constant 1 : i32
      scf.for %while3A_205 = %while3A_198 to %while3A_194 step %while3A_200  : i32 {
        %mul3A_206 = arith.constant 64 : i32
        %mul3A_207 = arith.muli %while3A_205, %mul3A_206 : i32
        %add3A_208 = arith.constant 0 : i32
        %add3A_209 = arith.addi %mul3A_207, %add3A_208 : i32
        %get3A = arith.index_cast %add3A_209 : i32 to index
        %get3A_210 = tpu.vector_load %arg14[%get3A] {strides = array<i32>} : memref<12672xi32, #tpu.memory_space<vmem>>, vector<16xi32>,
        %get3A_211 = vector.shape_cast %get3A_210 : vector<16xi32> to vector<16xi32>
        %swap3A_212 = arith.constant 0 : i32
        %swap3A_213 = arith.index_cast %swap3A_212 : i32 to index
        %swap3A_214 = arith.constant 0 : index
        %swap3A_215 = tpu.vector_load %arg15[%swap3A_213, %swap3A_214] {strides = array<i32>} : memref<2x64xi32, #tpu.memory_space<vmem>>, vector<1x16xi32>,
        %swap3A_216 = vector.shape_cast %swap3A_215 : vector<1x16xi32> to vector<16xi32>
        %swap3A_217 = vector.shape_cast %get3A_211 : vector<16xi32> to vector<1x16xi32>
        tpu.vector_store %arg15[%swap3A_213, %swap3A_214], %swap3A_217 {strides = array<i32>} : memref<2x64xi32, #tpu.memory_space<vmem>>, vector<1x16xi32>,
        %mul3A_218 = arith.constant 64 : i32
        %mul3A_219 = arith.muli %while3A_205, %mul3A_218 : i32
        %add3A_220 = arith.constant 16 : i32
        %add3A_221 = arith.addi %mul3A_219, %add3A_220 : i32
        %get3A_222 = arith.index_cast %add3A_221 : i32 to index
        %get3A_223 = tpu.vector_load %arg14[%get3A_222] {strides = array<i32>} : memref<12672xi32, #tpu.memory_space<vmem>>, vector<16xi32>,
        %get3A_224 = vector.shape_cast %get3A_223 : vector<16xi32> to vector<16xi32>
        %swap3A_225 = arith.constant 0 : i32
        %swap3A_226 = arith.index_cast %swap3A_225 : i32 to index
        %swap3A_227 = arith.constant 16 : index
        %swap3A_228 = tpu.vector_load %arg15[%swap3A_226, %swap3A_227] {strides = array<i32>} : memref<2x64xi32, #tpu.memory_space<vmem>>, vector<1x16xi32>,
        %swap3A_229 = vector.shape_cast %swap3A_228 : vector<1x16xi32> to vector<16xi32>
        %swap3A_230 = vector.shape_cast %get3A_224 : vector<16xi32> to vector<1x16xi32>
        tpu.vector_store %arg15[%swap3A_226, %swap3A_227], %swap3A_230 {strides = array<i32>} : memref<2x64xi32, #tpu.memory_space<vmem>>, vector<1x16xi32>,
        %mul3A_231 = arith.constant 64 : i32
        %mul3A_232 = arith.muli %while3A_205, %mul3A_231 : i32
        %add3A_233 = arith.constant 32 : i32
        %add3A_234 = arith.addi %mul3A_232, %add3A_233 : i32
        %get3A_235 = arith.index_cast %add3A_234 : i32 to index
        %get3A_236 = tpu.vector_load %arg14[%get3A_235] {strides = array<i32>} : memref<12672xi32, #tpu.memory_space<vmem>>, vector<16xi32>,
        %get3A_237 = vector.shape_cast %get3A_236 : vector<16xi32> to vector<16xi32>
        %swap3A_238 = arith.constant 0 : i32
        %swap3A_239 = arith.index_cast %swap3A_238 : i32 to index
        %swap3A_240 = arith.constant 32 : index
        %swap3A_241 = tpu.vector_load %arg15[%swap3A_239, %swap3A_240] {strides = array<i32>} : memref<2x64xi32, #tpu.memory_space<vmem>>, vector<1x16xi32>,
        %swap3A_242 = vector.shape_cast %swap3A_241 : vector<1x16xi32> to vector<16xi32>
        %swap3A_243 = vector.shape_cast %get3A_237 : vector<16xi32> to vector<1x16xi32>
        tpu.vector_store %arg15[%swap3A_239, %swap3A_240], %swap3A_243 {strides = array<i32>} : memref<2x64xi32, #tpu.memory_space<vmem>>, vector<1x16xi32>,
        %mul3A_244 = arith.constant 64 : i32
        %mul3A_245 = arith.muli %while3A_205, %mul3A_244 : i32
        %add3A_246 = arith.constant 48 : i32
        %add3A_247 = arith.addi %mul3A_245, %add3A_246 : i32
        %get3A_248 = arith.index_cast %add3A_247 : i32 to index
        %get3A_249 = tpu.vector_load %arg14[%get3A_248] {strides = array<i32>} : memref<12672xi32, #tpu.memory_space<vmem>>, vector<16xi32>,
        %get3A_250 = vector.shape_cast %get3A_249 : vector<16xi32> to vector<16xi32>
        %swap3A_251 = arith.constant 0 : i32
        %swap3A_252 = arith.index_cast %swap3A_251 : i32 to index
        %swap3A_253 = arith.constant 48 : index
        %swap3A_254 = tpu.vector_load %arg15[%swap3A_252, %swap3A_253] {strides = array<i32>} : memref<2x64xi32, #tpu.memory_space<vmem>>, vector<1x16xi32>,
        %swap3A_255 = vector.shape_cast %swap3A_254 : vector<1x16xi32> to vector<16xi32>
        %swap3A_256 = vector.shape_cast %get3A_250 : vector<16xi32> to vector<1x16xi32>
        tpu.vector_store %arg15[%swap3A_252, %swap3A_253], %swap3A_256 {strides = array<i32>} : memref<2x64xi32, #tpu.memory_space<vmem>>, vector<1x16xi32>,
        %mul3A_257 = arith.constant 64 : i32
        %mul3A_258 = arith.muli %while3A_205, %mul3A_257 : i32
        %dma_start3A = arith.constant 0 : i32
        %dma_start3A_259 = arith.constant 0 : i32
        %dma_start3A_260 = arith.constant 0 : i32
        %dma_start3A_261 = tpu.memref_slice %arg16[%dma_start3A, %dma_start3A_259, %dma_start3A_260] : memref<2x64x144xf32, #tpu.memory_space<vmem>> -> memref<1x64x144xf32, #tpu.memory_space<vmem>>
        %dma_start3A_262 = tpu.memref_squeeze %dma_start3A_261 : memref<1x64x144xf32, #tpu.memory_space<vmem>> -> memref<64x144xf32, #tpu.memory_space<vmem>>
        %dma_start3A_263 = tpu.memref_slice %arg13[%mul3A_258] : memref<12672xi32, #tpu.memory_space<vmem>> -> memref<64xi32, #tpu.memory_space<vmem>>
        %dma_start3A_264 = arith.constant 0 : i32
        %dma_start3A_265 = arith.constant 0 : i32
        %dma_start3A_266 = tpu.memref_slice %arg2[%dma_start3A_264, %dma_start3A_265] : memref<100000x144xf32, #tpu.memory_space<hbm>> -> memref<100000x144xf32, #tpu.memory_space<hbm>>
        tpu.enqueue_indirect_dma source(%dma_start3A_266 : memref<100000x144xf32, #tpu.memory_space<hbm>>) target(%dma_start3A_262 : memref<64x144xf32, #tpu.memory_space<vmem>>) offsets(%dma_start3A_263 : memref<64xi32, #tpu.memory_space<vmem>>) semaphore(%arg18 : memref<!tpu.dma_semaphore, #tpu.memory_space<semaphore_mem>>)
        %dma_wait3A = arith.constant 0 : i32
        %dma_wait3A_267 = arith.constant 0 : i32
        %dma_wait3A_268 = arith.constant 0 : i32
        %dma_wait3A_269 = tpu.memref_slice %arg16[%dma_wait3A, %dma_wait3A_267, %dma_wait3A_268] : memref<2x64x144xf32, #tpu.memory_space<vmem>> -> memref<1x64x144xf32, #tpu.memory_space<vmem>>
        %dma_wait3A_270 = tpu.memref_squeeze %dma_wait3A_269 : memref<1x64x144xf32, #tpu.memory_space<vmem>> -> memref<64x144xf32, #tpu.memory_space<vmem>>
        %dma_wait3A_271 = tpu.memref_slice %arg13[%mul3A_258] : memref<12672xi32, #tpu.memory_space<vmem>> -> memref<64xi32, #tpu.memory_space<vmem>>
        %dma_wait3A_272 = arith.constant 0 : i32
        %dma_wait3A_273 = arith.constant 0 : i32
        %dma_wait3A_274 = tpu.memref_slice %arg2[%dma_wait3A_272, %dma_wait3A_273] : memref<100000x144xf32, #tpu.memory_space<hbm>> -> memref<100000x144xf32, #tpu.memory_space<hbm>>
        tpu.wait_indirect_dma semaphore(%arg18 : memref<!tpu.dma_semaphore, #tpu.memory_space<semaphore_mem>>) src(%dma_wait3A_274 : memref<100000x144xf32, #tpu.memory_space<hbm>>) dst(%dma_wait3A_270 : memref<64x144xf32, #tpu.memory_space<vmem>>)
        %run_scoped3A = arith.constant 0 : i32
        %run_scoped3A_275 = arith.constant 0 : i32
        "tpu.region"() ({
          %run_scoped3A_276 = tpu.sem_alloc : memref<!tpu.dma_semaphore, #tpu.memory_space<semaphore_mem>>
          %dma_start3A_277 = arith.constant 0 : i32
          %dma_start3A_278 = arith.constant 0 : i32
          %dma_start3A_279 = tpu.memref_slice %arg16[%run_scoped3A, %dma_start3A_277, %dma_start3A_278] : memref<2x64x144xf32, #tpu.memory_space<vmem>> -> memref<1x64x144xf32, #tpu.memory_space<vmem>>
          %dma_start3A_280 = tpu.memref_squeeze %dma_start3A_279 : memref<1x64x144xf32, #tpu.memory_space<vmem>> -> memref<64x144xf32, #tpu.memory_space<vmem>>
          %dma_start3A_281 = arith.constant 0 : i32
          %dma_start3A_282 = tpu.memref_slice %arg15[%run_scoped3A_275, %dma_start3A_281] : memref<2x64xi32, #tpu.memory_space<vmem>> -> memref<1x64xi32, #tpu.memory_space<vmem>>
          %dma_start3A_283 = tpu.memref_squeeze %dma_start3A_282 : memref<1x64xi32, #tpu.memory_space<vmem>> -> memref<64xi32, #tpu.memory_space<vmem>>
          %dma_start3A_284 = arith.constant 0 : i32
          %dma_start3A_285 = arith.constant 0 : i32
          %dma_start3A_286 = tpu.memref_slice %arg17[%dma_start3A_284, %dma_start3A_285] : memref<5128x144xf32, #tpu.memory_space<vmem_shared>> -> memref<5128x144xf32, #tpu.memory_space<vmem_shared>>
          tpu.enqueue_indirect_dma source(%dma_start3A_280 : memref<64x144xf32, #tpu.memory_space<vmem>>) target(%dma_start3A_286 : memref<5128x144xf32, #tpu.memory_space<vmem_shared>>) offsets(%dma_start3A_283 : memref<64xi32, #tpu.memory_space<vmem>>) semaphore(%run_scoped3A_276 : memref<!tpu.dma_semaphore, #tpu.memory_space<semaphore_mem>>) {add = true}
          %dma_wait3A_287 = arith.constant 0 : i32
          %dma_wait3A_288 = arith.constant 0 : i32
          %dma_wait3A_289 = tpu.memref_slice %arg16[%run_scoped3A, %dma_wait3A_287, %dma_wait3A_288] : memref<2x64x144xf32, #tpu.memory_space<vmem>> -> memref<1x64x144xf32, #tpu.memory_space<vmem>>
          %dma_wait3A_290 = tpu.memref_squeeze %dma_wait3A_289 : memref<1x64x144xf32, #tpu.memory_space<vmem>> -> memref<64x144xf32, #tpu.memory_space<vmem>>
          %dma_wait3A_291 = arith.constant 0 : i32
          %dma_wait3A_292 = tpu.memref_slice %arg15[%run_scoped3A_275, %dma_wait3A_291] : memref<2x64xi32, #tpu.memory_space<vmem>> -> memref<1x64xi32, #tpu.memory_space<vmem>>
          %dma_wait3A_293 = tpu.memref_squeeze %dma_wait3A_292 : memref<1x64xi32, #tpu.memory_space<vmem>> -> memref<64xi32, #tpu.memory_space<vmem>>
          %dma_wait3A_294 = arith.constant 0 : i32
          %dma_wait3A_295 = arith.constant 0 : i32
          %dma_wait3A_296 = tpu.memref_slice %arg17[%dma_wait3A_294, %dma_wait3A_295] : memref<5128x144xf32, #tpu.memory_space<vmem_shared>> -> memref<5128x144xf32, #tpu.memory_space<vmem_shared>>
          tpu.wait_indirect_dma semaphore(%run_scoped3A_276 : memref<!tpu.dma_semaphore, #tpu.memory_space<semaphore_mem>>) src(%dma_wait3A_290 : memref<64x144xf32, #tpu.memory_space<vmem>>) dst(%dma_wait3A_296 : memref<5128x144xf32, #tpu.memory_space<vmem_shared>>)
          tpu.yield
        }) : () -> ()
      }
      %barrier3A_201 = arith.constant 0 : index
      tpu.barrier barrier_id(%barrier3A_201)
      %lt3A_202 = arith.constant 20 : i32
      %lt3A_203 = arith.cmpi slt, %add3A_28, %lt3A_202 : i32
      %convert_element_type3A = arith.extui %lt3A_203 : i1 to i32
      %cond3A = arith.constant 0 : i32
      %cond3A_204 = arith.cmpi ne, %convert_element_type3A, %cond3A : i32
      scf.if %cond3A_204 {
        %mul3A_205 = arith.constant 320 : i32
        %mul3A_206 = arith.muli %arg1, %mul3A_205 : i32
        %mul3A_207 = arith.constant 5120 : i32
        %mul3A_208 = arith.muli %add3A_28, %mul3A_207 : i32
        %mul3A_209 = arith.constant 320 : i32
        %mul3A_210 = arith.muli %arg1, %mul3A_209 : i32
        %add3A_211 = arith.addi %mul3A_208, %mul3A_210 : i32
        %run_scoped3A = arith.constant 2 : i32
        "tpu.region"() ({
          %run_scoped3A_212 = tpu.sem_alloc : memref<!tpu.dma_semaphore, #tpu.memory_space<semaphore_mem>>
          %dma_start3A = arith.constant 0 : i32
          %dma_start3A_213 = tpu.memref_slice %arg10[%run_scoped3A, %add3A_211, %dma_start3A] : memref<3x102400x144xf32, #tpu.memory_space<hbm>> -> memref<1x320x144xf32, #tpu.memory_space<hbm>>
          %dma_start3A_214 = tpu.memref_squeeze %dma_start3A_213 : memref<1x320x144xf32, #tpu.memory_space<hbm>> -> memref<320x144xf32, #tpu.memory_space<hbm>>
          %dma_start3A_215 = arith.constant 0 : i32
          %dma_start3A_216 = tpu.memref_slice %arg17[%mul3A_206, %dma_start3A_215] : memref<5128x144xf32, #tpu.memory_space<vmem_shared>> -> memref<320x144xf32, #tpu.memory_space<vmem_shared>>
          tpu.enqueue_dma source(%dma_start3A_216 : memref<320x144xf32, #tpu.memory_space<vmem_shared>>) target(%dma_start3A_214 : memref<320x144xf32, #tpu.memory_space<hbm>>) target_semaphore(%run_scoped3A_212 : memref<!tpu.dma_semaphore, #tpu.memory_space<semaphore_mem>>)
          %dma_wait3A = arith.constant 0 : i32
          %dma_wait3A_217 = tpu.memref_slice %arg10[%run_scoped3A, %add3A_211, %dma_wait3A] : memref<3x102400x144xf32, #tpu.memory_space<hbm>> -> memref<1x320x144xf32, #tpu.memory_space<hbm>>
          %dma_wait3A_218 = tpu.memref_squeeze %dma_wait3A_217 : memref<1x320x144xf32, #tpu.memory_space<hbm>> -> memref<320x144xf32, #tpu.memory_space<hbm>>
          %dma_wait3A_219 = arith.constant 0 : i32
          %dma_wait3A_220 = tpu.memref_slice %arg17[%mul3A_206, %dma_wait3A_219] : memref<5128x144xf32, #tpu.memory_space<vmem_shared>> -> memref<320x144xf32, #tpu.memory_space<vmem_shared>>
          tpu.wait_dma2 semaphore(%run_scoped3A_212 : memref<!tpu.dma_semaphore, #tpu.memory_space<semaphore_mem>>) src(%dma_wait3A_220 : memref<320x144xf32, #tpu.memory_space<vmem_shared>>) dst(%dma_wait3A_218 : memref<320x144xf32, #tpu.memory_space<hbm>>)
          tpu.yield
        }) : () -> ()
      } else {
      }
    }
    %scan3A_24 = arith.constant 10 : i32
    return
  }
}

module attributes {stable_mosaic.version = 14 : i64} {
  func.func @_tc_body(%arg0: i32, %arg1: memref<3x512x144xf32, #tpu.memory_space<vmem>>, %arg2: memref<512x128xf32, #tpu.memory_space<vmem>>, %arg3: memref<2x128x128xf32, #tpu.memory_space<vmem>>, %arg4: memref<3x2xf32, #tpu.memory_space<vmem>>, %arg5: memref<128x128xf32, #tpu.memory_space<vmem>>, %arg6: memref<1x128xf32, #tpu.memory_space<vmem>>, %arg7: memref<512x128xf32, #tpu.memory_space<vmem>>) attributes {dimension_semantics = [#tpu.dimension_semantics<arbitrary>], iteration_bounds = array<i64: 196>, scalar_prefetch = 0 : i64, scratch_operands = 0 : i64, tpu.core_type = #tpu.core_type<tc>, window_params = [{transform_indices = @transform_0, window_bounds = array<i64: 3, 512, 144>}, {transform_indices = @transform_1, window_bounds = array<i64: 512, 128>}, {pipeline_mode = #tpu.pipeline_mode<synchronous>, transform_indices = @transform_2, window_bounds = array<i64: 2, 128, 128>}, {pipeline_mode = #tpu.pipeline_mode<synchronous>, transform_indices = @transform_3, window_bounds = array<i64: 3, 2>}, {pipeline_mode = #tpu.pipeline_mode<synchronous>, transform_indices = @transform_4, window_bounds = array<i64: 128, 128>}, {pipeline_mode = #tpu.pipeline_mode<synchronous>, transform_indices = @transform_5, window_bounds = array<i64: 1, 128>}, {transform_indices = @transform_6, window_bounds = array<i64: 512, 128>}]} {
    %get3A = arith.constant 0 : index
    %get3A_0 = arith.constant 0 : index
    %get3A_1 = vector.load %arg2[%get3A, %get3A_0] : memref<512x128xf32, #tpu.memory_space<vmem>>, vector<512x128xf32>
    %get3A_2 = arith.constant 0 : index
    %get3A_3 = arith.constant 0 : index
    %get3A_4 = vector.load %arg5[%get3A_2, %get3A_3] : memref<128x128xf32, #tpu.memory_space<vmem>>, vector<128x128xf32>
    %dot_general3A = arith.constant dense<0.000000e+00> : vector<512x128xf32>
    %dot_general3A_5 = tpu.matmul %get3A_1, %get3A_4, %dot_general3A {dimension_numbers = #tpu.dot_dimension_numbers<[1], [0], [0], [1], [0, 0, 1, 1], [], []>, transpose_lhs_hint = false} : vector<512x128xf32>, vector<128x128xf32>, vector<512x128xf32> -> vector<512x128xf32>
    %get3A_6 = arith.constant 0 : index
    %get3A_7 = arith.constant 0 : index
    %get3A_8 = vector.load %arg4[%get3A_6, %get3A_7] : memref<3x2xf32, #tpu.memory_space<vmem>>, vector<3x2xf32>
    %broadcast_in_dim3A = arith.constant 0.000000e+00 : f32
    %broadcast_in_dim3A_9 = vector.broadcast %broadcast_in_dim3A : f32 to vector<512x128xf32>
    %broadcast_in_dim3A_10 = arith.constant 0.000000e+00 : f32
    %broadcast_in_dim3A_11 = vector.broadcast %broadcast_in_dim3A_10 : f32 to vector<512x128xf32>
    %get3A_12 = arith.constant 0 : index
    %get3A_13 = arith.constant 0 : index
    %get3A_14 = arith.constant 0 : index
    %get3A_15 = vector.load %arg1[%get3A_12, %get3A_13, %get3A_14] : memref<3x512x144xf32, #tpu.memory_space<vmem>>, vector<1x512x128xf32>
    %get3A_16 = vector.shape_cast %get3A_15 : vector<1x512x128xf32> to vector<512x128xf32>
    %get3A_17 = arith.constant 0 : index
    %get3A_18 = arith.constant 0 : index
    %get3A_19 = arith.constant 128 : index
    %get3A_20 = vector.load %arg1[%get3A_17, %get3A_18, %get3A_19] : memref<3x512x144xf32, #tpu.memory_space<vmem>>, vector<1x512x1xf32>
    %get3A_21 = vector.shape_cast %get3A_20 : vector<1x512x1xf32> to vector<512x1xf32>
    %max3A = arith.constant 1.000000e+00 : f32
    %max3A_22 = vector.broadcast %max3A : f32 to vector<512x1xf32>
    %max3A_23 = arith.maximumf %get3A_21, %max3A_22 : vector<512x1xf32>
    %div3A = arith.constant 1.000000e+00 : f32
    %div3A_24 = vector.broadcast %div3A : f32 to vector<512x1xf32>
    %div3A_25 = arith.divf %div3A_24, %max3A_23 : vector<512x1xf32>
    %mul3A = vector.broadcast %div3A_25 : vector<512x1xf32> to vector<512x128xf32>
    %mul3A_26 = arith.mulf %get3A_16, %mul3A : vector<512x128xf32>
    %slice3A = vector.extract_strided_slice %get3A_8 {offsets = [0, 0], sizes = [1, 1], strides = [1, 1]} : vector<3x2xf32> to vector<1x1xf32>
    %squeeze3A = vector.extract %slice3A[0, 0] : f32 from vector<1x1xf32>
    %mul3A_27 = vector.broadcast %squeeze3A : f32 to vector<512x128xf32>
    %mul3A_28 = arith.mulf %mul3A_27, %mul3A_26 : vector<512x128xf32>
    %add3A = arith.addf %broadcast_in_dim3A_9, %mul3A_28 : vector<512x128xf32>
    %slice3A_29 = vector.extract_strided_slice %get3A_8 {offsets = [0, 1], sizes = [1, 1], strides = [1, 1]} : vector<3x2xf32> to vector<1x1xf32>
    %squeeze3A_30 = vector.extract %slice3A_29[0, 0] : f32 from vector<1x1xf32>
    %mul3A_31 = vector.broadcast %squeeze3A_30 : f32 to vector<512x128xf32>
    %mul3A_32 = arith.mulf %mul3A_31, %mul3A_26 : vector<512x128xf32>
    %add3A_33 = arith.addf %broadcast_in_dim3A_11, %mul3A_32 : vector<512x128xf32>
    %get3A_34 = arith.constant 1 : index
    %get3A_35 = arith.constant 0 : index
    %get3A_36 = arith.constant 0 : index
    %get3A_37 = vector.load %arg1[%get3A_34, %get3A_35, %get3A_36] : memref<3x512x144xf32, #tpu.memory_space<vmem>>, vector<1x512x128xf32>
    %get3A_38 = vector.shape_cast %get3A_37 : vector<1x512x128xf32> to vector<512x128xf32>
    %get3A_39 = arith.constant 1 : index
    %get3A_40 = arith.constant 0 : index
    %get3A_41 = arith.constant 128 : index
    %get3A_42 = vector.load %arg1[%get3A_39, %get3A_40, %get3A_41] : memref<3x512x144xf32, #tpu.memory_space<vmem>>, vector<1x512x1xf32>
    %get3A_43 = vector.shape_cast %get3A_42 : vector<1x512x1xf32> to vector<512x1xf32>
    %max3A_44 = arith.constant 1.000000e+00 : f32
    %max3A_45 = vector.broadcast %max3A_44 : f32 to vector<512x1xf32>
    %max3A_46 = arith.maximumf %get3A_43, %max3A_45 : vector<512x1xf32>
    %div3A_47 = arith.constant 1.000000e+00 : f32
    %div3A_48 = vector.broadcast %div3A_47 : f32 to vector<512x1xf32>
    %div3A_49 = arith.divf %div3A_48, %max3A_46 : vector<512x1xf32>
    %mul3A_50 = vector.broadcast %div3A_49 : vector<512x1xf32> to vector<512x128xf32>
    %mul3A_51 = arith.mulf %get3A_38, %mul3A_50 : vector<512x128xf32>
    %slice3A_52 = vector.extract_strided_slice %get3A_8 {offsets = [1, 0], sizes = [1, 1], strides = [1, 1]} : vector<3x2xf32> to vector<1x1xf32>
    %squeeze3A_53 = vector.extract %slice3A_52[0, 0] : f32 from vector<1x1xf32>
    %mul3A_54 = vector.broadcast %squeeze3A_53 : f32 to vector<512x128xf32>
    %mul3A_55 = arith.mulf %mul3A_54, %mul3A_51 : vector<512x128xf32>
    %add3A_56 = arith.addf %add3A, %mul3A_55 : vector<512x128xf32>
    %slice3A_57 = vector.extract_strided_slice %get3A_8 {offsets = [1, 1], sizes = [1, 1], strides = [1, 1]} : vector<3x2xf32> to vector<1x1xf32>
    %squeeze3A_58 = vector.extract %slice3A_57[0, 0] : f32 from vector<1x1xf32>
    %mul3A_59 = vector.broadcast %squeeze3A_58 : f32 to vector<512x128xf32>
    %mul3A_60 = arith.mulf %mul3A_59, %mul3A_51 : vector<512x128xf32>
    %add3A_61 = arith.addf %add3A_33, %mul3A_60 : vector<512x128xf32>
    %get3A_62 = arith.constant 2 : index
    %get3A_63 = arith.constant 0 : index
    %get3A_64 = arith.constant 0 : index
    %get3A_65 = vector.load %arg1[%get3A_62, %get3A_63, %get3A_64] : memref<3x512x144xf32, #tpu.memory_space<vmem>>, vector<1x512x128xf32>
    %get3A_66 = vector.shape_cast %get3A_65 : vector<1x512x128xf32> to vector<512x128xf32>
    %get3A_67 = arith.constant 2 : index
    %get3A_68 = arith.constant 0 : index
    %get3A_69 = arith.constant 128 : index
    %get3A_70 = vector.load %arg1[%get3A_67, %get3A_68, %get3A_69] : memref<3x512x144xf32, #tpu.memory_space<vmem>>, vector<1x512x1xf32>
    %get3A_71 = vector.shape_cast %get3A_70 : vector<1x512x1xf32> to vector<512x1xf32>
    %max3A_72 = arith.constant 1.000000e+00 : f32
    %max3A_73 = vector.broadcast %max3A_72 : f32 to vector<512x1xf32>
    %max3A_74 = arith.maximumf %get3A_71, %max3A_73 : vector<512x1xf32>
    %div3A_75 = arith.constant 1.000000e+00 : f32
    %div3A_76 = vector.broadcast %div3A_75 : f32 to vector<512x1xf32>
    %div3A_77 = arith.divf %div3A_76, %max3A_74 : vector<512x1xf32>
    %mul3A_78 = vector.broadcast %div3A_77 : vector<512x1xf32> to vector<512x128xf32>
    %mul3A_79 = arith.mulf %get3A_66, %mul3A_78 : vector<512x128xf32>
    %slice3A_80 = vector.extract_strided_slice %get3A_8 {offsets = [2, 0], sizes = [1, 1], strides = [1, 1]} : vector<3x2xf32> to vector<1x1xf32>
    %squeeze3A_81 = vector.extract %slice3A_80[0, 0] : f32 from vector<1x1xf32>
    %mul3A_82 = vector.broadcast %squeeze3A_81 : f32 to vector<512x128xf32>
    %mul3A_83 = arith.mulf %mul3A_82, %mul3A_79 : vector<512x128xf32>
    %add3A_84 = arith.addf %add3A_56, %mul3A_83 : vector<512x128xf32>
    %slice3A_85 = vector.extract_strided_slice %get3A_8 {offsets = [2, 1], sizes = [1, 1], strides = [1, 1]} : vector<3x2xf32> to vector<1x1xf32>
    %squeeze3A_86 = vector.extract %slice3A_85[0, 0] : f32 from vector<1x1xf32>
    %mul3A_87 = vector.broadcast %squeeze3A_86 : f32 to vector<512x128xf32>
    %mul3A_88 = arith.mulf %mul3A_87, %mul3A_79 : vector<512x128xf32>
    %add3A_89 = arith.addf %add3A_61, %mul3A_88 : vector<512x128xf32>
    %get3A_90 = arith.constant 0 : index
    %get3A_91 = arith.constant 0 : index
    %get3A_92 = arith.constant 0 : index
    %get3A_93 = vector.load %arg3[%get3A_90, %get3A_91, %get3A_92] : memref<2x128x128xf32, #tpu.memory_space<vmem>>, vector<1x128x128xf32>
    %get3A_94 = vector.shape_cast %get3A_93 : vector<1x128x128xf32> to vector<128x128xf32>
    %dot_general3A_95 = arith.constant dense<0.000000e+00> : vector<512x128xf32>
    %dot_general3A_96 = tpu.matmul %add3A_84, %get3A_94, %dot_general3A_95 {dimension_numbers = #tpu.dot_dimension_numbers<[1], [0], [0], [1], [0, 0, 1, 1], [], []>, transpose_lhs_hint = false} : vector<512x128xf32>, vector<128x128xf32>, vector<512x128xf32> -> vector<512x128xf32>
    %add3A_97 = arith.addf %dot_general3A_5, %dot_general3A_96 : vector<512x128xf32>
    %get3A_98 = arith.constant 1 : index
    %get3A_99 = arith.constant 0 : index
    %get3A_100 = arith.constant 0 : index
    %get3A_101 = vector.load %arg3[%get3A_98, %get3A_99, %get3A_100] : memref<2x128x128xf32, #tpu.memory_space<vmem>>, vector<1x128x128xf32>
    %get3A_102 = vector.shape_cast %get3A_101 : vector<1x128x128xf32> to vector<128x128xf32>
    %dot_general3A_103 = arith.constant dense<0.000000e+00> : vector<512x128xf32>
    %dot_general3A_104 = tpu.matmul %add3A_89, %get3A_102, %dot_general3A_103 {dimension_numbers = #tpu.dot_dimension_numbers<[1], [0], [0], [1], [0, 0, 1, 1], [], []>, transpose_lhs_hint = false} : vector<512x128xf32>, vector<128x128xf32>, vector<512x128xf32> -> vector<512x128xf32>
    %add3A_105 = arith.addf %add3A_97, %dot_general3A_104 : vector<512x128xf32>
    %get3A_106 = arith.constant 0 : index
    %get3A_107 = arith.constant 0 : index
    %get3A_108 = vector.load %arg6[%get3A_106, %get3A_107] : memref<1x128xf32, #tpu.memory_space<vmem>>, vector<1x128xf32>
    %add3A_109 = vector.broadcast %get3A_108 : vector<1x128xf32> to vector<512x128xf32>
    %add3A_110 = arith.addf %add3A_105, %add3A_109 : vector<512x128xf32>
    %swap3A = arith.constant 0 : index
    %swap3A_111 = arith.constant 0 : index
    %swap3A_112 = vector.load %arg7[%swap3A, %swap3A_111] : memref<512x128xf32, #tpu.memory_space<vmem>>, vector<512x128xf32>
    tpu.vector_store %arg7[%swap3A, %swap3A_111], %add3A_110 {strides = array<i32>} : memref<512x128xf32, #tpu.memory_space<vmem>>, vector<512x128xf32>,
    return
  }
  func.func @transform_0(%arg0: i32) -> (i32, i32, i32) {
    %c0_i32 = arith.constant 0 : i32
    %c0_i32_0 = arith.constant 0 : i32
    %c0_i32_1 = arith.constant 0 : i32
    return %c0_i32, %arg0, %c0_i32_0 : i32, i32, i32
  }
  func.func @transform_1(%arg0: i32) -> (i32, i32) {
    %c0_i32 = arith.constant 0 : i32
    %c0_i32_0 = arith.constant 0 : i32
    return %arg0, %c0_i32 : i32, i32
  }
  func.func @transform_2(%arg0: i32) -> (i32, i32, i32) {
    %c0_i32 = arith.constant 0 : i32
    %c0_i32_0 = arith.constant 0 : i32
    %c0_i32_1 = arith.constant 0 : i32
    %c0_i32_2 = arith.constant 0 : i32
    return %c0_i32, %c0_i32_0, %c0_i32_1 : i32, i32, i32
  }
  func.func @transform_3(%arg0: i32) -> (i32, i32) {
    %c0_i32 = arith.constant 0 : i32
    %c0_i32_0 = arith.constant 0 : i32
    %c0_i32_1 = arith.constant 0 : i32
    return %c0_i32, %c0_i32_0 : i32, i32
  }
  func.func @transform_4(%arg0: i32) -> (i32, i32) {
    %c0_i32 = arith.constant 0 : i32
    %c0_i32_0 = arith.constant 0 : i32
    %c0_i32_1 = arith.constant 0 : i32
    return %c0_i32, %c0_i32_0 : i32, i32
  }
  func.func @transform_5(%arg0: i32) -> (i32, i32) {
    %c0_i32 = arith.constant 0 : i32
    %c0_i32_0 = arith.constant 0 : i32
    %c0_i32_1 = arith.constant 0 : i32
    return %c0_i32, %c0_i32_0 : i32, i32
  }
  func.func @transform_6(%arg0: i32) -> (i32, i32) {
    %c0_i32 = arith.constant 0 : i32
    %c0_i32_0 = arith.constant 0 : i32
    return %arg0, %c0_i32 : i32, i32
  }
}

</mosaic_0001>

<sc_bundles>
// kernel: kernel.4.cloned.1.call-start
scs
__scs_entry_jumppad:
0x0: {  	(pc) =	sbr.rel $0x88, $3  }
0x1: {  	(tag) =	ssettag $0x0;
	lr =	simm.s32 $0x1  }
0x2: {  	[smem:$0x3F99] =	sst lr;
	_ =	strace $0xD0000000  }
0x3: {  	_ = 	snop  }
0x4: {  	_ = 	snop  }
0x5: {  	_ = 	snop  }
0x6: {  	_ = 	snop  }
0x7: {  	_ = 	snop  }
__scs_overlays_trampoline_lowered:
0x8: {  	[smem:$0x3FA8] =	sst s0  }
0x9: {  	[smem:$0x3FA9] =	sst s1  }
0xa: {  	[smem:$0x3FAA] =	sst s2  }
0xb: {  	[smem:$0x3FAB] =	sst s3  }
0xc: {  	[smem:$0x3FAC] =	sst s4  }
0xd: {  	[smem:$0x3FAD] =	sst s5  }
0xe: {  	[smem:$0x3FAE] =	sst s6  }
0xf: {  	[smem:$0x3FAF] =	sst s7  }
0x10: {  	[smem:$0x3FB0] =	sst s8  }
0x11: {  	[smem:$0x3FB1] =	sst s9;
	s0 =	simm.s32 @!p0 $0x0  }
0x12: {  	s1 =	sld [smem:$0x3F97];
	s0 =	simm.s32 @p0 $0x1  }
0x13: {  	[smem:$0x3FB2] =	sst s0;
	s0 =	simm.s32 @!p1 $0x0  }
0x14: {  	s2 =	sld [smem:$0x3F96];
	s0 =	simm.s32 @p1 $0x1  }
0x15: {  	[smem:$0x3FB3] =	sst s0;
	s0 =	simm.s32 @!p2 $0x0  }
0x16: {  	s3 =	sld [smem:$0x3FDB];
	s0 =	simm.s32 @p2 $0x1  }
0x17: {  	s4 =	simm.s32 $0x1BF5;
	[smem:$0x3FB5] =	sst s0  }
0x18: {  	s0 =	sld [smem:$0x3F98];
	_ =	swait.ge [sflag:s4], $0x0  }
0x19: {  	s7 =	sld [smem:$0x3F99]  }
0x1a: {  	s8 =	sadd.s32 $0xFFFFE003, lr  }
0x1b: {  	s9 =	sadd.s32 $0xFFFFFEF7, lr;
	s5 =	simm.s32 $0xFFFFFFFF;
	p2 =	slt.u32 s8, $0xFFFFF086  }
0x1c: {  	p1 =	slt.u32 s9, $0xF7A;
	s5 =	simm.s32 @!p2 $0x0  }
0x1d: {  	s5 =	simm.s32 @p1 $0x1;
	p0 =	seq.s32 s7, s2  }
0x1e: {  	s7 =	smul.u32 @!p0 $0xF7A, s2;
	p2 =	seq.s32 @!p0 s5, $0x0  }
0x1f: {  	s9 =	smul.u32 $0xF7A, s1;
	s8 =	simm.s32 @!p0 $0x1BF5;
	p2 =	por !p2, p0  }
0x20: {  	[sflag:s8] =	ssyncset.s32 @!p0 $0xFFFFF086;
	s6 =	sadd.s32 @!p0 s3, s7;
	s7 =	simm.s32 @!p0 $0x108  }
0x21: {  	s3 =	sadd.s32 s3, s9;
	s6 =	sadd.s32 @!p0 $0x88, s6;
	s7 =	simm.s32 @p2 $0x1082  }
0x22: {  	[simem:s7], [sflag:s8] =	dma.local @!p0 [hbm:s6], $0xF7A  }
0x23: {  	s9 =	sor.u32 $0xD0000000, s2;
	s6 =	simm.s32 $0x108;
	_ =	swait.ge @!p0 [sflag:s8], $0x0  }
0x24: {  	s3 =	sadd.s32 $0x88, s3;
	s6 =	simm.s32 @!p1 $0x1082;
	[sflag:s4] =	ssyncset.s32 $0xFFFFF086  }
0x25: {  	[simem:s6], [sflag:s4] =	dma.local [hbm:s3], $0xF7A  }
0x26: {  	[smem:$0x3F99] =	sst s1;
	(tag) =	ssettag s2;
	_ =	strace s9  }
0x27: {  	s1 =	sld [smem:$0x3FA9]  }
0x28: {  	s2 =	sld [smem:$0x3FAA]  }
0x29: {  	s4 =	sld [smem:$0x3FAC]  }
0x2a: {  	p0 =	seq.s32 s5, $0x0;
	s5 =	sld [smem:$0x3FAD]  }
0x2b: {  	s6 =	sld [smem:$0x3FAE]  }
0x2c: {  	s7 =	sld [smem:$0x3FAF]  }
0x2d: {  	s3 =	simm.s32 $0x108;
	s8 =	sld [smem:$0x3FB0]  }
0x2e: {  	s3 =	simm.s32 @!p0 $0x1082;
	s9 =	sld [smem:$0x3FB1]  }
0x2f: {  	lr =	sadd.s32 s0, s3;
	s0 =	sld [smem:$0x3FA8]  }
0x30: {  	s3 =	sld [smem:$0x3FAB]  }
0x31: {  	[smem:$0x3FB4] =	sst s10  }
0x32: {  	s10 =	sld [smem:$0x3FB2];
	_ =	sdelay $0x3  }
0x33: {  	p0 =	seq.s32 s10, $0x1;
	s10 =	sld [smem:$0x3FB4];
	_ =	sdelay $0x3  }
0x34: {  	[smem:$0x3FB4] =	sst s10  }
0x35: {  	s10 =	sld [smem:$0x3FB3];
	_ =	sdelay $0x3  }
0x36: {  	p1 =	seq.s32 s10, $0x1;
	s10 =	sld [smem:$0x3FB4];
	_ =	sdelay $0x3  }
0x37: {  	[smem:$0x3FB4] =	sst s10  }
0x38: {  	s10 =	sld [smem:$0x3FB5]  }
0x39: {  	_ = 	snop;
	(pc) =	sbr.ind lr, $3  }
0x3a: {  	_ = 	snop  }
0x3b: {  	_ = 	snop  }
0x3c: {  	p2 =	seq.s32 s10, $0x1;
	s10 =	sld [smem:$0x3FB4]  }
0x3d: {  	_ =	shalt  }
0x3e: {  	_ =	shalt  }
0x3f: {  	_ =	shalt  }
0x40: {  	_ =	shalt  }
0x41: {  	_ =	shalt  }
0x42: {  	_ =	shalt  }
0x43: {  	_ =	shalt  }
0x44: {  	_ =	shalt  }
0x45: {  	_ =	shalt  }
0x46: {  	_ =	shalt  }
0x47: {  	_ =	shalt  }
0x48: {  	_ =	shalt  }
0x49: {  	_ =	shalt  }
0x4a: {  	_ =	shalt  }
0x4b: {  	_ =	shalt  }
0x4c: {  	_ =	shalt  }
0x4d: {  	_ =	shalt  }
0x4e: {  	_ =	shalt  }
0x4f: {  	_ =	shalt  }
0x50: {  	_ =	shalt  }
0x51: {  	_ =	shalt  }
0x52: {  	_ =	shalt  }
0x53: {  	_ =	shalt  }
0x54: {  	_ =	shalt  }
0x55: {  	_ =	shalt  }
0x56: {  	_ =	shalt  }
0x57: {  	_ =	shalt  }
0x58: {  	_ =	shalt  }
0x59: {  	_ =	shalt  }
0x5a: {  	_ =	shalt  }
0x5b: {  	_ =	shalt  }
0x5c: {  	_ =	shalt  }
0x5d: {  	_ =	shalt  }
0x5e: {  	_ =	shalt  }
0x5f: {  	_ =	shalt  }
0x60: {  	_ =	shalt  }
0x61: {  	_ =	shalt  }
0x62: {  	_ =	shalt  }
0x63: {  	_ =	shalt  }
0x64: {  	_ =	shalt  }
0x65: {  	_ =	shalt  }
0x66: {  	_ =	shalt  }
0x67: {  	_ =	shalt  }
0x68: {  	_ =	shalt  }
0x69: {  	_ =	shalt  }
0x6a: {  	_ =	shalt  }
0x6b: {  	_ =	shalt  }
0x6c: {  	_ =	shalt  }
0x6d: {  	_ =	shalt  }
0x6e: {  	_ =	shalt  }
0x6f: {  	_ =	shalt  }
0x70: {  	_ =	shalt  }
0x71: {  	_ =	shalt  }
0x72: {  	_ =	shalt  }
0x73: {  	_ =	shalt  }
0x74: {  	_ =	shalt  }
0x75: {  	_ =	shalt  }
0x76: {  	_ =	shalt  }
0x77: {  	_ =	shalt  }
0x78: {  	_ =	shalt  }
0x79: {  	_ =	shalt  }
0x7a: {  	_ =	shalt  }
0x7b: {  	_ =	shalt  }
0x7c: {  	_ =	shalt  }
0x7d: {  	_ =	shalt  }
0x7e: {  	_ =	shalt  }
0x7f: {  	_ =	shalt  }
0x80: {  	_ =	shalt  }
0x81: {  	_ =	shalt  }
0x82: {  	_ =	shalt  }
0x83: {  	_ =	shalt  }
0x84: {  	_ =	shalt  }
0x85: {  	_ =	shalt  }
0x86: {  	_ =	shalt  }
0x87: {  	_ =	shalt  }
.Lfunc_end0:
.L_simem_size_0:
called_computation_lowered:
.L_overlay_start_0:
0x88: {  	s2 =	sld [smem:$0x3FD9]  }
0x89: {  	s3 =	sld [smem:$0x3FFE];
	_ =	sdelay $0x1  }
0x8a: {  	s1 =	srdreg.scid  }
0x8b: {  	s0 =	sand.u32 $0x1, s1  }
0x8c: {  	s17 =	sshll.u32 s0, $0xA;
	s2 =	sadd.s32 s3, s2  }
0x8d: {  	s2 =	sadd.s32 s2, s17  }
0x8e: {  	[smem:$0x3FC0] =	sst s2  }
0x8f: {  	_ = 	snop  }
0x90: {  	s2 =	sld [smem:$0x3FD0];
	(tm) =	ssettm $0x1  }
0x91: {  	s18 =	sld [smem:$0x3FFB];
	_ =	sdelay $0x3  }
0x92: {  	_ =	strace s18  }
0x93: {  	s3 =	sld [smem:$0x3FFC];
	_ =	sdelay $0x3  }
0x94: {  	_ =	strace s3  }
0x95: {  	s3 =	sld [smem:$0x3FFD];
	_ =	sdelay $0x3  }
0x96: {  	_ =	strace s3  }
0x97: {  	_ =	strace $0x8FFFFFFF  }
0x98: {  	s19 =	sld [smem:$0x3FDB];
	_ =	sdelay $0x1  }
0x99: {  	s4 =	simm.s32 $_scs_section_size  }
0x9a: {  	s5 =	simm.s32 $_size__tile_overlayer_lowered;
	s6 =	simm.s32 $_tile_overlayer_lowered  }
0x9b: {  	s22 =	simm.s32 $0x1BFF;
	s21 =	sshll.u32 s6, $0x1;
	s3 =	sadd.s32 s4, s19  }
0x9c: {  	s7 =	simm.s32 $0x0;
	s20 =	sshll.u32 s5, $0x1;
	s5 =	sadd.s32 s21, s3  }
0x9d: {  	[timem:s7], [sflag:s22] =	dma.local [hbm:s5], s20  }
0x9e: {  	_ =	swait.ge [sflag:s22], s20  }
0x9f: {  	s4 =	ssub.s32 $0x0, s20;
	[sflag:s22] =	ssyncset.done $0x0  }
0xa0: {  	[sflag:s22] =	ssyncadd.s32 s4;
	_ =	sdelay $0x1  }
0xa1: {  	s23 =	simm.s32 $0x1B8B  }
0xa2: {  	_ =	swait.ge [sflag:s23], $0x1  }
0xa3: {  	[sflag:s23] =	ssyncset.done $0x0  }
0xa4: {  	s25 =	simm.s32 $0x1B8E;
	s24 =	sld [smem:$0x3FFE];
	[sflag:s23] =	ssyncadd.s32 $0xFFFFFFFF  }
0xa5: {  	s26 =	simm.s32 $execute0_lowered;
	[smem:$0x3FD2] =	sst s25  }
0xa6: {  	s5 =	sshll.u32 s26, $0x1;
	_ =	strace $0x80000046;
	[dreg:$0x1] =	wrdreg $0xFFFFFFFF  }
0xa7: {  	s28 =	simm.s32 $_size_execute0_lowered;
	s3 =	sadd.s32 s3, s5;
	[dreg:$0x0] =	wrdreg $0x0  }
0xa8: {  	s5 =	sshll.u32 s28, $0x1;
	[dreg:$0x2] =	wrdreg s3  }
0xa9: {  	[dreg:$0x3] =	wrdreg s5  }
0xaa: {  	[dreg:$0x4] =	wrdreg $0xC0  }
0xab: {  	_ =	task [dreg:s7], $0x5FFFF  }
0xac: {  	[dreg:$0x1] =	wrdreg $0xFFFFFFFF  }
0xad: {  	[dreg:$0x0] =	wrdreg $0x60  }
0xae: {  	[dreg:$0x2] =	wrdreg s24  }
0xaf: {  	[dreg:$0x3] =	wrdreg s2  }
0xb0: {  	[dreg:$0x4] =	wrdreg $0x10D400  }
0xb1: {  	[dreg:$0x5] =	wrdreg $0x9  }
0xb2: {  	_ =	task.clear_ibuf [dreg:s7], $0x6FFFF;
	_ =	strace $0x90000046  }
0xb3: {  	s29 =	simm.s32 $0x9;
	_ =	strace $0x80000048  }
0xb4: {  	_ =	swait.ge [sflag:s29], $0x1  }
0xb5: {  	[sflag:s29] =	ssyncadd.s32 $0xFFFFFFFF  }
0xb6: {  	_ =	strace $0x90000048  }
0xb7: {  	_ =	sfence  }
0xb8: {  	s30 =	sld [smem:$0x0];
	_ =	sdelay $0x2  }
0xb9: {  	s31 =	sshll.u32 s1, $0xD;
	s1 =	sshrl.u32 s1, $0x2  }
0xba: {  	s3 =	sand.u32 $0x4000, s31;
	s1 =	sadd.s32 s1, s30  }
0xbb: {  	s0 =	sor.u32 s3, s0;
	s1 =	sshll.u32 s1, $0x11  }
0xbc: {  	s0 =	sor.u32 s1, s0  }
0xbd: {  	s0 =	sadd.s32 $0x8F2B, s0  }
0xbe: {  	[sflag:s0] =	ssyncadd.remote.s32 $0x1  }
0xbf: {  	_ =	sfence.sel $0xFFFF  }
0xc0: {  	[dreg:$0x0] =	wrdreg $0xFFFFFFFF;
	(pc) =	sbr.abs _section_cstart, $3  }
0xc1: {  	[dreg:$0x1] =	wrdreg $0xFFFFFFFF  }
0xc2: {  	_ =	task.clear_ibuf [dreg:s7], $0x2FFFF;
	_ =	strace $0x9FFFFFFF  }
0xc3: {  	(tm) =	ssettm $0x7FFFFFFF  }
tec
execute0_lowered:
.L_overlay_start_1:
0x0: {  	(tag) =	ssettag $0x1  }
0x1: {  	s0 =	rddreg [dreg:$0x0]  }
0x2: {  	v0 =	vimm.s32 $0xEDCBA987;
	s1 =	rddreg [dreg:$0x1]  }
0x3: {  	s12 =	stileid.u32;
	v1 =	vimm.s32 $0x65432100;
	s2 =	rddreg [dreg:$0x2];
	v0 =	vunpack.c.l.s4.s8 v0  }
0x4: {  	v4 =	vimm.s32 $0xDCBA9876;
	s6 =	simm.s32 $0x0;
	s5 =	srdreg.scid;
	v7 =	vimm.s32 $0xE40000;
	s17 =	simm.s32 $0x2;
	v2 =	vunpack.c.l.s4.s8 v1  }
0x5: {  	v8 =	vimm.s32 $0x32100000;
	s18 =	simm.s32 $0x30E0;
	s21 =	simm.s32 $0x3;
	s22 =	simm.s32 $0x1;
	v4 =	vunpack.c.l.s4.s8 v4;
	v3 =	vunpack.c.0.s8.s32 v0  }
0x6: {  	vm0 =	vmmov $0x3;
	s23 =	simm.s32 $0x40;
	s24 =	simm.s32 $0xC540;
	s25 =	simm.s32 $0xC4C0;
	v5 =	vunpack.c.0.s8.s32 v2;
	v2 =	vimm.s32 $0x54321000  }
0x7: {  	s26 =	simm.s32 $0x0;
	s4 =	sand.u32 $0x7, s12;
	s3 =	sshll.u32 s12, $0x6;
	v4 =	vunpack.c.0.s8.s32 v4;
	v6 =	vunpack.c.l.s4.s8 v2;
	v3 =	vand.u32 $0xF, v3  }
0x8: {  	vm2 =	vcmask $0x3F30;
	s30 =	sand.u32 $0x1, s5;
	s5 =	sadd.s32 $0x32BE00, s0;
	s10 =	smul.u32 $0x61C, s12;
	v3 =	vcombine.low v5, v3;
	v5 =	vunpack.c.l.s2.s4 v7  }
0x9: {  	[smem:$0x7FF] =	sst s6;
	s6 =	sadd.s32 $0x1EA00, s0;
	s13 =	smul.u32 $0x2D000, s12;
	v6 =	vunpack.c.0.s8.s32 v6;
	v7 =	vand.u32 $0xF, v4;
	v4 =	vimm.s32 $0xBA987654  }
0xa: {  	vm1 =	vmmov $0xf;
	s7 =	sadd.s32 $0x4E3600, s0;
	s12 =	smul.u32 $0x140, s12;
	s4 =	sor.u32 $0x1400, s4;
	v9 =	vunpack.c.l.s4.s8 v4;
	v10 =	vunpack.c.l.s4.s8 v5  }
0xb: {  	_ =	strace $0x80000047;
	s8 =	ssub.s32 $0x2, s30;
	s19 =	sor.u32 $0x1C03, s3;
	v0 =	vmov s3;
	v5 =	vcombine.low v6, v7;
	v6 =	vunpack.c.l.s4.s8 v8  }
.Ltmp0:
0xc: {  	s9 =	sshrl.u32 s8, $0x1;
	s1 =	sadd.s32 s1, s10;
	v8 =	vimm.s32 $0x7060504;
	v7 =	vunpack.c.0.s8.s32 v9;
	v9 =	vunpack.c.0.s8.s32 v10;
	(pc) =	sbr.rel .LBB2_1-.Ltmp0, $4  }
0xd: {  	v1 =	vmov s4;
	s31 =	sshrl.u32 s13, $0x2;
	s16 =	ssub.s32 s8, s9;
	[dreg:$0x4] =	wrdreg s1;
	v8 =	vunpack.c.0.s8.s32 v8;
	v6 =	vunpack.c.0.s8.s32 v6  }
0xe: {  	v2 =	vimm.s32 $0x0;
	s9 =	sadd.s32 s0, s10;
	s10 =	smul.u32 $0xA, s30;
	s0 =	sadd.s32 s31, s2;
	v7 =	vand.u32 $0xF, v7;
	v9 =	vand.u32 $0x3, v9  }
0xf: {  	s11 =	sadd.s32 $0x18800, s9;
	s13 =	sadd.s32 $0x12600, s9;
	s14 =	sadd.s32 $0x6200, s9;
	v4 =	vlaneseq.u32;
	v6 =	vcombine.low v6, v7;
	v7 =	vsel vm2, v8, v9  }
0x10: {  	s15 =	sadd.s32 $0xC400, s9;
	s16 =	smax.u32 s16, $0x1;
	s20 =	sshrl.u32 s0, $0x3;
	vm2 =	vmmov $0xff;
	v8 =	vimm.s32 $0x7;
	v9 =	vadd.s32 $0x1, v4  }
.LBB2_25:
0x11: {  	s26 =	sadd.s32 $0x1, s26  }
0x12: {  	p0 =	sne.s32 s26, s16  }
.Ltmp1:
0x13: {  	_ = 	snop;
	(pc) =	sbr.rel @!p0 .LBB2_26-.Ltmp1, $1  }
0x14: {  	_ =	sdelay $0x3  }
.LBB2_1:
0x15: {  	s0 =	simm.s32 $0x0;
	s1 =	rddreg [dreg:$0x4]  }
0x16: {  	[tilespmem:s0], [sflag:$0x2] =	stream.linear.gather [hbm4b:s1+s0], $0x30E0, $0x38;
	[tilespmem:$0x1C188] =	vst v63  }
0x17: {  	_ =	swait.ge [sflag:s17], $0x30E0  }
0x18: {  	[sflag:s17] =	ssyncset.done $0x0  }
.Ltmp2:
0x19: {  	[sflag:s17] =	ssyncadd.s32 $0xFFFFCF20;
	(pc) =	sbr.rel .LBB2_2-.Ltmp2, $4  }
0x1a: {  	[tilespmem:s18], [sflag:$0x2] =	stream.linear.gather [hbm4b:s11+s0], $0x30E0, $0x38;
	[tilespmem:$0x1C188] =	vst v63  }
0x1b: {  	_ =	swait.ge [sflag:s17], $0x30E0  }
0x1c: {  	[sflag:s17] =	ssyncset.done $0x0  }
0x1d: {  	s29 =	simm.s32 $0x0;
	[sflag:s17] =	ssyncadd.s32 $0xFFFFCF20  }
.LBB2_7:
0x1e: {  	[sflag:s21] =	ssyncadd.s32 $0xFFFFDC00  }
.LBB2_8:
0x1f: {  	s0 =	sadd.s32 s12, s28  }
0x20: {  	s29 =	sadd.s32 $0x1, s29;
	s0 =	smul.u32 $0x12, s0  }
0x21: {  	[bflag:$0x0] =	sbarrier.arrive $0xFFFF;
	p0 =	sne.s32 s29, $0xA  }
.Ltmp3:
0x22: {  	s28 =	sor.u32 $0x1C02, s3;
	s0 =	sadd.s32 s7, s0;
	(pc) =	sbr.rel @!p0 .LBB2_9-.Ltmp3, $4  }
0x23: {  	[hbm:s0], [sflag:s28] =	dma.local [spmem:s20], $0x1680  }
0x24: {  	_ =	swait.ge [sflag:s17], $0x1680  }
0x25: {  	[sflag:s17] =	ssyncset.done $0x0  }
0x26: {  	[sflag:s17] =	ssyncadd.s32 $0xFFFFE980  }
.LBB2_2:
0x27: {  	[spmem:s20], [sflag:s19] =	dma.local [hbm:s6], $0x1680  }
0x28: {  	_ =	swait.ge [sflag:s21], $0x1680  }
0x29: {  	[sflag:s21] =	ssyncset.done $0x0  }
0x2a: {  	[sflag:s21] =	ssyncadd.s32 $0xFFFFE980  }
0x2b: {  	s0 =	simm.s32 $0x0;
	[bflag:$0x0] =	sbarrier.arrive $0xFFFF  }
0x2c: {  	s1 =	sadd.s32 s10, s29;
	v12 =	vld [tilespmem:s0+$0x30E0]  }
0x2d: {  	s28 =	smul.u32 $0x1400, s1;
	_ =	sdelay $0x1  }
0x2e: {  	s1 =	sadd.s32 $0x1400, s28  }
0x2f: {  	v10 =	vmov s28;
	v11 =	vmov s1  }
0x30: {  	vm3 =	vge.s32 v12, v10;
	vm4 =	vlt.s32 v12, v11  }
0x31: {  	vm3 =	vmand vm3, vm4  }
0x32: {  	v13 =	vsel vm3, $0x1, v2  }
0x33: {  	v14 =	vperm.xlane v13, v3  }
0x34: {  	vm3 =	veq.s32 v4, $0x0  }
0x35: {  	v14 =	vsel vm3, $0x0, v14  }
0x36: {  	v13 =	vadd.s32 v13, v14  }
0x37: {  	v14 =	vperm.xlane v13, v5;
	_ =	sdelay $0x1  }
0x38: {  	v14 =	vsel vm0, $0x0, v14  }
0x39: {  	v13 =	vadd.s32 v14, v13  }
0x3a: {  	v14 =	vperm.xlane v13, v6;
	_ =	sdelay $0x1  }
0x3b: {  	v14 =	vsel vm1, $0x0, v14  }
0x3c: {  	v13 =	vadd.s32 v14, v13  }
0x3d: {  	v14 =	vperm.xlane v13, v7;
	_ =	sdelay $0x1  }
0x3e: {  	v14 =	vsel vm2, $0x0, v14  }
0x3f: {  	v13 =	vadd.s32 v14, v13  }
0x40: {  	v14 =	vperm.xlane v13, v8;
	_ =	sdelay $0x1  }
0x41: {  	vm4 =	vlt.s32 v14, v9  }
0x42: {  	v14 =	vsel vm4, $0x8, v2  }
0x43: {  	v15 =	vor.u32 $0x3, v14  }
0x44: {  	(v2sf) =	vpush v13, $0xF;
	v15 =	vperm.xlane v13, v15;
	_ =	sdelay $0x1  }
0x45: {  	vm4 =	vlt.s32 v15, v9  }
0x46: {  	v15 =	vsel vm4, $0x4, v2  }
0x47: {  	v14 =	vor.u32 v14, v15  }
0x48: {  	v15 =	vor.u32 $0x1, v14  }
0x49: {  	v15 =	vperm.xlane v13, v15;
	_ =	sdelay $0x1  }
0x4a: {  	vm4 =	vlt.s32 v15, v9  }
0x4b: {  	v15 =	vsel vm4, $0x2, v2  }
0x4c: {  	v14 =	vor.u32 v15, v14  }
0x4d: {  	v15 =	vld [tilespmem:s0+$0x0];
	v13 =	vperm.xlane v13, v14;
	_ =	sdelay $0x1  }
0x4e: {  	vm4 =	vlt.s32 v13, v9  }
0x4f: {  	v13 =	vsel vm4, $0x1, v2  }
0x50: {  	v12 =	vsub.s32 v12, v10;
	s8 =	spop (v2sf);
	v14 =	vor.u32 v13, v14  }
0x51: {  	s31 =	simm.s32 $0x0;
	s1 =	simm.s32 $0x40;
	s30 =	sadd.s32 $0x0, s8;
	v13 =	vperm.xlane v15, v14;
	v12 =	vperm.xlane v12, v14  }
.LBB2_3:
0x52: {  	_ = 	snop  }
0x53: {  	p0 =	sne.s32 s1, $0xC340;
	s0 =	smov.u32 s1;
	s1 =	sadd.s32 $0x40, s1;
	[tilespmem:s31+$0x61C0] =	vst v13  }
0x54: {  	s0 =	sshra.s32 s0, $0x2;
	[tilespmem:s31+$0x9340] =	vst v12;
	s31 =	smov.u32 s30  }
0x55: {  	v12 =	vld [tilespmem:s0+$0x30E0];
	_ =	sdelay $0x4  }
0x56: {  	vm4 =	vge.s32 v12, v10;
	vm5 =	vlt.s32 v12, v11  }
0x57: {  	vm4 =	vmand vm4, vm5  }
0x58: {  	v13 =	vsel vm4, $0x1, v2  }
0x59: {  	v14 =	vperm.xlane v13, v3;
	_ =	sdelay $0x1  }
0x5a: {  	v14 =	vsel vm3, $0x0, v14  }
0x5b: {  	v13 =	vadd.s32 v13, v14  }
0x5c: {  	v14 =	vperm.xlane v13, v5;
	_ =	sdelay $0x1  }
0x5d: {  	v14 =	vsel vm0, $0x0, v14  }
0x5e: {  	v13 =	vadd.s32 v14, v13  }
0x5f: {  	v14 =	vperm.xlane v13, v6;
	_ =	sdelay $0x1  }
0x60: {  	v14 =	vsel vm1, $0x0, v14  }
0x61: {  	v13 =	vadd.s32 v14, v13  }
0x62: {  	v14 =	vperm.xlane v13, v7;
	_ =	sdelay $0x1  }
0x63: {  	v14 =	vsel vm2, $0x0, v14  }
0x64: {  	v13 =	vadd.s32 v14, v13  }
0x65: {  	v14 =	vperm.xlane v13, v8;
	(v2sf) =	vpush v13, $0xF;
	_ =	sdelay $0x1  }
0x66: {  	vm4 =	vlt.s32 v14, v9  }
0x67: {  	v14 =	vsel vm4, $0x8, v2  }
0x68: {  	v15 =	vor.u32 $0x3, v14  }
0x69: {  	v15 =	vperm.xlane v13, v15;
	_ =	sdelay $0x1  }
0x6a: {  	vm4 =	vlt.s32 v15, v9  }
0x6b: {  	v15 =	vsel vm4, $0x4, v2  }
0x6c: {  	v14 =	vor.u32 v14, v15  }
0x6d: {  	v15 =	vor.u32 $0x1, v14  }
0x6e: {  	v15 =	vperm.xlane v13, v15;
	_ =	sdelay $0x1  }
0x6f: {  	vm4 =	vlt.s32 v15, v9  }
0x70: {  	v15 =	vsel vm4, $0x2, v2  }
0x71: {  	v14 =	vor.u32 v15, v14;
	s4 =	spop (v2sf)  }
0x72: {  	v15 =	vld [tilespmem:s0+$0x0];
	v13 =	vperm.xlane v13, v14;
	s30 =	sadd.s32 s30, s4  }
.Ltmp4:
0x73: {  	(pc) =	sbr.rel @p0 .LBB2_3-.Ltmp4, $4  }
0x74: {  	vm4 =	vlt.s32 v13, v9  }
0x75: {  	v13 =	vsel vm4, $0x1, v2  }
0x76: {  	v12 =	vsub.s32 v12, v10;
	v14 =	vor.u32 v13, v14  }
0x77: {  	v13 =	vperm.xlane v15, v14;
	v12 =	vperm.xlane v12, v14  }
0x78: {  	_ = 	snop  }
0x79: {  	[tilespmem:s31+$0x61C0] =	vst v13  }
0x7a: {  	[tilespmem:s31+$0x9340] =	vst v12  }
0x7b: {  	[tilespmem:s30+$0x61C0] =	vst v0  }
0x7c: {  	[tilespmem:s30+$0x9340] =	vst v1  }
0x7d: {  	[tilespmem:s30+$0x61D0] =	vst v0  }
0x7e: {  	[tilespmem:s30+$0x9350] =	vst v1  }
0x7f: {  	[tilespmem:s30+$0x61E0] =	vst v0  }
0x80: {  	s0 =	sadd.s32 $0x3F, s30;
	[tilespmem:s30+$0x9360] =	vst v1  }
0x81: {  	s1 =	sand.u32 $0x3F, s0;
	[tilespmem:s30+$0x61F0] =	vst v0  }
0x82: {  	s31 =	sshra.s32 s0, $0x1F;
	p1 =	slt.s32 s0, $0x1;
	[tilespmem:s30+$0x9370] =	vst v1;
	p0 =	sne.s32 s1, $0x0  }
0x83: {  	[tilespmem:s30+$0x6200] =	vst v0;
	s1 =	sshrl.u32 s31, $0x1A;
	p0 =	por !p1, !p0  }
0x84: {  	[tilespmem:s30+$0x9380] =	vst v1;
	s0 =	sadd.s32 s1, s0;
	s1 =	simm.s32 $0x1;
	p0 =	por !p0, !p0  }
0x85: {  	[tilespmem:s30+$0x6210] =	vst v0;
	s0 =	sshra.s32 s0, $0x6;
	s1 =	simm.s32 @!p0 $0x0  }
0x86: {  	[tilespmem:s30+$0x9390] =	vst v1;
	s4 =	ssub.s32 s0, s1  }
0x87: {  	[tilespmem:s30+$0x6220] =	vst v0;
	p0 =	slt.s32 s4, $0x1  }
.Ltmp5:
0x88: {  	[tilespmem:s30+$0x93A0] =	vst v1;
	(pc) =	sbr.rel @p0 .LBB2_8-.Ltmp5, $4  }
0x89: {  	[tilespmem:s30+$0x6230] =	vst v0  }
0x8a: {  	[tilespmem:s30+$0x93B0] =	vst v1  }
0x8b: {  	[tilespmem:s30+$0x6240] =	vst v0  }
0x8c: {  	[tilespmem:s30+$0x93C0] =	vst v1  }
0x8d: {  	s0 =	simm.s32 $0x9360  }
0x8e: {  	v10 =	vld [tilespmem:s0+$0xFFFFFFE0];
	_ =	sdelay $0x4  }
0x8f: {  	[tilespmem:$0xC4C0] =	vst v10  }
0x90: {  	v10 =	vld [tilespmem:s0+$0xFFFFFFF0];
	_ =	sdelay $0x4  }
0x91: {  	[tilespmem:$0xC4D0] =	vst v10  }
0x92: {  	v10 =	vld [tilespmem:s0+$0x0];
	_ =	sdelay $0x4  }
0x93: {  	[tilespmem:$0xC4E0] =	vst v10  }
0x94: {  	v10 =	vld [tilespmem:s0+$0x10];
	_ =	sdelay $0x4  }
0x95: {  	s1 =	simm.s32 $0x61C0;
	[tilespmem:$0xC4F0] =	vst v10  }
0x96: {  	[tilespmem:s24], [sflag:$0x1] =	stream.indirect.gather [hbm4b:s5+s23], $0x90, s1, s23, $0xb8;
	[tilespmem:$0x1C188] =	vst v63  }
0x97: {  	p0 =	sne.s32 s4, $0x1;
	_ =	swait.ge [sflag:s22], $0x2400  }
.Ltmp6:
0x98: {  	[sflag:s22] =	ssyncset.done $0x0;
	(pc) =	sbr.rel @!p0 .LBB2_7-.Ltmp6, $4  }
0x99: {  	[sflag:s22] =	ssyncadd.s32 $0xFFFFDC00  }
0x9a: {  	[spmem:s2] =	stream.indirect.scatter.add.f32 [tilespmem:s24], [sflag:$0x3], $0x90, s25, s23, $0xb8;
	[tilespmem:$0x1C188] =	vst v63  }
0x9b: {  	_ =	swait.ge [sflag:s21], $0x2400  }
0x9c: {  	s4 =	sadd.s32 $0xFFFFFFFF, s4;
	[sflag:s21] =	ssyncset.done $0x0  }
.LBB2_6:
0x9d: {  	[sflag:s21] =	ssyncadd.s32 $0xFFFFDC00;
	s0 =	sadd.s32 $0x40, s0;
	s1 =	sadd.s32 $0x40, s1  }
0x9e: {  	p0 =	sne.s32 s4, $0x1;
	s4 =	sadd.s32 $0xFFFFFFFF, s4;
	v10 =	vld [tilespmem:s0+$0xFFFFFFE0];
	_ =	sdelay $0x4  }
0x9f: {  	[tilespmem:$0xC4C0] =	vst v10  }
0xa0: {  	v10 =	vld [tilespmem:s0+$0xFFFFFFF0];
	_ =	sdelay $0x4  }
0xa1: {  	[tilespmem:$0xC4D0] =	vst v10  }
0xa2: {  	v10 =	vld [tilespmem:s0+$0x0];
	_ =	sdelay $0x4  }
0xa3: {  	[tilespmem:$0xC4E0] =	vst v10  }
0xa4: {  	v10 =	vld [tilespmem:s0+$0x10];
	_ =	sdelay $0x4  }
0xa5: {  	[tilespmem:$0xC4F0] =	vst v10  }
0xa6: {  	[tilespmem:s24], [sflag:$0x1] =	stream.indirect.gather [hbm4b:s5+s23], $0x90, s1, s23, $0xb8;
	[tilespmem:$0x1C188] =	vst v63  }
0xa7: {  	_ =	swait.ge [sflag:s22], $0x2400  }
.Ltmp7:
0xa8: {  	[sflag:s22] =	ssyncset.done $0x0;
	(pc) =	sbr.rel @p0 .LBB2_6-.Ltmp7, $4  }
0xa9: {  	[sflag:s22] =	ssyncadd.s32 $0xFFFFDC00  }
0xaa: {  	[spmem:s2] =	stream.indirect.scatter.add.f32 [tilespmem:s24], [sflag:$0x3], $0x90, s25, s23, $0xb8;
	[tilespmem:$0x1C188] =	vst v63  }
0xab: {  	_ =	swait.ge [sflag:s21], $0x2400  }
0xac: {  	[sflag:s21] =	ssyncset.done $0x0  }
.Ltmp8:
0xad: {  	_ = 	snop;
	(pc) =	sbr.rel .LBB2_7-.Ltmp8, $1  }
0xae: {  	_ =	sdelay $0x3  }
.LBB2_9:
0xaf: {  	s29 =	simm.s32 $0x0  }
0xb0: {  	[tilespmem:s29], [sflag:$0x2] =	stream.linear.gather [hbm4b:s13+s29], $0x30E0, $0x38;
	[tilespmem:$0x1C188] =	vst v63  }
0xb1: {  	_ =	swait.ge [sflag:s17], $0x30E0  }
0xb2: {  	[sflag:s17] =	ssyncset.done $0x0  }
.Ltmp9:
0xb3: {  	[sflag:s17] =	ssyncadd.s32 $0xFFFFCF20;
	(pc) =	sbr.rel .LBB2_10-.Ltmp9, $4  }
0xb4: {  	[tilespmem:s18], [sflag:$0x2] =	stream.linear.gather [hbm4b:s14+s29], $0x30E0, $0x38;
	[tilespmem:$0x1C188] =	vst v63  }
0xb5: {  	_ =	swait.ge [sflag:s17], $0x30E0  }
0xb6: {  	[sflag:s17] =	ssyncset.done $0x0  }
0xb7: {  	[sflag:s17] =	ssyncadd.s32 $0xFFFFCF20  }
.LBB2_15:
0xb8: {  	[sflag:s21] =	ssyncadd.s32 $0xFFFFDC00  }
.LBB2_16:
0xb9: {  	s0 =	sadd.s32 s12, s30  }
0xba: {  	s0 =	smul.u32 $0x90, s0;
	_ =	sdelay $0x1  }
0xbb: {  	s29 =	sadd.s32 $0x1, s29;
	s0 =	sshrl.u32 s0, $0x3  }
0xbc: {  	p0 =	sne.s32 s29, $0xA;
	s0 =	sadd.s32 s7, s0  }
.Ltmp10:
0xbd: {  	[bflag:$0x0] =	sbarrier.arrive $0xFFFF;
	s0 =	sadd.s32 $0x1C2000, s0;
	(pc) =	sbr.rel @!p0 .LBB2_17-.Ltmp10, $4  }
0xbe: {  	[hbm:s0], [sflag:s28] =	dma.local [spmem:s20], $0x1680  }
0xbf: {  	_ =	swait.ge [sflag:s17], $0x1680  }
0xc0: {  	[sflag:s17] =	ssyncset.done $0x0  }
0xc1: {  	[sflag:s17] =	ssyncadd.s32 $0xFFFFE980  }
.LBB2_10:
0xc2: {  	[spmem:s20], [sflag:s19] =	dma.local [hbm:s6], $0x1680  }
0xc3: {  	_ =	swait.ge [sflag:s21], $0x1680  }
0xc4: {  	[sflag:s21] =	ssyncset.done $0x0  }
0xc5: {  	[sflag:s21] =	ssyncadd.s32 $0xFFFFE980  }
0xc6: {  	s0 =	simm.s32 $0x0;
	[bflag:$0x0] =	sbarrier.arrive $0xFFFF  }
0xc7: {  	s1 =	sadd.s32 s10, s29;
	v12 =	vld [tilespmem:s0+$0x30E0]  }
0xc8: {  	s30 =	smul.u32 $0x1400, s1;
	_ =	sdelay $0x1  }
0xc9: {  	s1 =	sadd.s32 $0x1400, s30  }
0xca: {  	v10 =	vmov s30;
	v11 =	vmov s1  }
0xcb: {  	vm3 =	vge.s32 v12, v10;
	vm4 =	vlt.s32 v12, v11  }
0xcc: {  	vm3 =	vmand vm3, vm4  }
0xcd: {  	v13 =	vsel vm3, $0x1, v2  }
0xce: {  	v14 =	vperm.xlane v13, v3  }
0xcf: {  	vm3 =	veq.s32 v4, $0x0  }
0xd0: {  	v14 =	vsel vm3, $0x0, v14  }
0xd1: {  	v13 =	vadd.s32 v13, v14  }
0xd2: {  	v14 =	vperm.xlane v13, v5;
	_ =	sdelay $0x1  }
0xd3: {  	v14 =	vsel vm0, $0x0, v14  }
0xd4: {  	v13 =	vadd.s32 v14, v13  }
0xd5: {  	v14 =	vperm.xlane v13, v6;
	_ =	sdelay $0x1  }
0xd6: {  	v14 =	vsel vm1, $0x0, v14  }
0xd7: {  	v13 =	vadd.s32 v14, v13  }
0xd8: {  	v14 =	vperm.xlane v13, v7;
	_ =	sdelay $0x1  }
0xd9: {  	v14 =	vsel vm2, $0x0, v14  }
0xda: {  	v13 =	vadd.s32 v14, v13  }
0xdb: {  	v14 =	vperm.xlane v13, v8;
	_ =	sdelay $0x1  }
0xdc: {  	vm4 =	vlt.s32 v14, v9  }
0xdd: {  	v14 =	vsel vm4, $0x8, v2  }
0xde: {  	v15 =	vor.u32 $0x3, v14  }
0xdf: {  	(v2sf) =	vpush v13, $0xF;
	v15 =	vperm.xlane v13, v15;
	_ =	sdelay $0x1  }
0xe0: {  	vm4 =	vlt.s32 v15, v9  }
0xe1: {  	v15 =	vsel vm4, $0x4, v2  }
0xe2: {  	v14 =	vor.u32 v14, v15  }
0xe3: {  	v15 =	vor.u32 $0x1, v14  }
0xe4: {  	v15 =	vperm.xlane v13, v15;
	_ =	sdelay $0x1  }
0xe5: {  	vm4 =	vlt.s32 v15, v9  }
0xe6: {  	v15 =	vsel vm4, $0x2, v2  }
0xe7: {  	v14 =	vor.u32 v15, v14  }
0xe8: {  	v15 =	vld [tilespmem:s0+$0x0];
	v13 =	vperm.xlane v13, v14;
	_ =	sdelay $0x1  }
0xe9: {  	vm4 =	vlt.s32 v13, v9  }
0xea: {  	v13 =	vsel vm4, $0x1, v2  }
0xeb: {  	v12 =	vsub.s32 v12, v10;
	s8 =	spop (v2sf);
	v14 =	vor.u32 v13, v14  }
0xec: {  	s1 =	simm.s32 $0x40;
	s0 =	simm.s32 $0x0;
	s31 =	sadd.s32 $0x0, s8;
	v13 =	vperm.xlane v15, v14;
	v12 =	vperm.xlane v12, v14  }
.LBB2_11:
0xed: {  	_ = 	snop  }
0xee: {  	p0 =	sne.s32 s1, $0xC340;
	s4 =	smov.u32 s1;
	s1 =	sadd.s32 $0x40, s1;
	[tilespmem:s0+$0x61C0] =	vst v13  }
0xef: {  	s4 =	sshra.s32 s4, $0x2;
	[tilespmem:s0+$0x9340] =	vst v12;
	s0 =	smov.u32 s31  }
0xf0: {  	v12 =	vld [tilespmem:s4+$0x30E0];
	_ =	sdelay $0x4  }
0xf1: {  	vm4 =	vge.s32 v12, v10;
	vm5 =	vlt.s32 v12, v11  }
0xf2: {  	vm4 =	vmand vm4, vm5  }
0xf3: {  	v13 =	vsel vm4, $0x1, v2  }
0xf4: {  	v14 =	vperm.xlane v13, v3;
	_ =	sdelay $0x1  }
0xf5: {  	v14 =	vsel vm3, $0x0, v14  }
0xf6: {  	v13 =	vadd.s32 v13, v14  }
0xf7: {  	v14 =	vperm.xlane v13, v5;
	_ =	sdelay $0x1  }
0xf8: {  	v14 =	vsel vm0, $0x0, v14  }
0xf9: {  	v13 =	vadd.s32 v14, v13  }
0xfa: {  	v14 =	vperm.xlane v13, v6;
	_ =	sdelay $0x1  }
0xfb: {  	v14 =	vsel vm1, $0x0, v14  }
0xfc: {  	v13 =	vadd.s32 v14, v13  }
0xfd: {  	v14 =	vperm.xlane v13, v7;
	_ =	sdelay $0x1  }
0xfe: {  	v14 =	vsel vm2, $0x0, v14  }
0xff: {  	v13 =	vadd.s32 v14, v13  }
0x100: {  	v14 =	vperm.xlane v13, v8;
	(v2sf) =	vpush v13, $0xF;
	_ =	sdelay $0x1  }
0x101: {  	vm4 =	vlt.s32 v14, v9  }
0x102: {  	v14 =	vsel vm4, $0x8, v2  }
0x103: {  	v15 =	vor.u32 $0x3, v14  }
0x104: {  	v15 =	vperm.xlane v13, v15;
	_ =	sdelay $0x1  }
0x105: {  	vm4 =	vlt.s32 v15, v9  }
0x106: {  	v15 =	vsel vm4, $0x4, v2  }
0x107: {  	v14 =	vor.u32 v14, v15  }
0x108: {  	v15 =	vor.u32 $0x1, v14  }
0x109: {  	v15 =	vperm.xlane v13, v15;
	_ =	sdelay $0x1  }
0x10a: {  	vm4 =	vlt.s32 v15, v9  }
0x10b: {  	v15 =	vsel vm4, $0x2, v2  }
0x10c: {  	v14 =	vor.u32 v15, v14;
	s8 =	spop (v2sf)  }
0x10d: {  	v15 =	vld [tilespmem:s4+$0x0];
	v13 =	vperm.xlane v13, v14;
	s31 =	sadd.s32 s31, s8  }
.Ltmp11:
0x10e: {  	(pc) =	sbr.rel @p0 .LBB2_11-.Ltmp11, $4  }
0x10f: {  	vm4 =	vlt.s32 v13, v9  }
0x110: {  	v13 =	vsel vm4, $0x1, v2  }
0x111: {  	v12 =	vsub.s32 v12, v10;
	v14 =	vor.u32 v13, v14  }
0x112: {  	v13 =	vperm.xlane v15, v14;
	v12 =	vperm.xlane v12, v14  }
0x113: {  	_ = 	snop  }
0x114: {  	[tilespmem:s0+$0x61C0] =	vst v13  }
0x115: {  	[tilespmem:s0+$0x9340] =	vst v12  }
0x116: {  	[tilespmem:s31+$0x61C0] =	vst v0  }
0x117: {  	[tilespmem:s31+$0x9340] =	vst v1  }
0x118: {  	[tilespmem:s31+$0x61D0] =	vst v0  }
0x119: {  	[tilespmem:s31+$0x9350] =	vst v1  }
0x11a: {  	[tilespmem:s31+$0x61E0] =	vst v0  }
0x11b: {  	s4 =	sadd.s32 $0x3F, s31;
	[tilespmem:s31+$0x9360] =	vst v1  }
0x11c: {  	s1 =	sand.u32 $0x3F, s4;
	[tilespmem:s31+$0x61F0] =	vst v0  }
0x11d: {  	s8 =	sshra.s32 s4, $0x1F;
	p1 =	slt.s32 s4, $0x1;
	[tilespmem:s31+$0x9370] =	vst v1;
	p0 =	sne.s32 s1, $0x0  }
0x11e: {  	[tilespmem:s31+$0x6200] =	vst v0;
	s1 =	sshrl.u32 s8, $0x1A;
	p0 =	por !p1, !p0  }
0x11f: {  	[tilespmem:s31+$0x9380] =	vst v1;
	s0 =	sadd.s32 s1, s4;
	s1 =	simm.s32 $0x1;
	p0 =	por !p0, !p0  }
0x120: {  	[tilespmem:s31+$0x6210] =	vst v0;
	s0 =	sshra.s32 s0, $0x6;
	s1 =	simm.s32 @!p0 $0x0  }
0x121: {  	[tilespmem:s31+$0x9390] =	vst v1;
	s4 =	ssub.s32 s0, s1  }
0x122: {  	[tilespmem:s31+$0x6220] =	vst v0;
	p0 =	slt.s32 s4, $0x1  }
.Ltmp12:
0x123: {  	[tilespmem:s31+$0x93A0] =	vst v1;
	(pc) =	sbr.rel @p0 .LBB2_16-.Ltmp12, $4  }
0x124: {  	[tilespmem:s31+$0x6230] =	vst v0  }
0x125: {  	[tilespmem:s31+$0x93B0] =	vst v1  }
0x126: {  	[tilespmem:s31+$0x6240] =	vst v0  }
0x127: {  	[tilespmem:s31+$0x93C0] =	vst v1  }
0x128: {  	s0 =	simm.s32 $0x9360  }
0x129: {  	v10 =	vld [tilespmem:s0+$0xFFFFFFE0];
	_ =	sdelay $0x4  }
0x12a: {  	[tilespmem:$0xC4C0] =	vst v10  }
0x12b: {  	v10 =	vld [tilespmem:s0+$0xFFFFFFF0];
	_ =	sdelay $0x4  }
0x12c: {  	[tilespmem:$0xC4D0] =	vst v10  }
0x12d: {  	v10 =	vld [tilespmem:s0+$0x0];
	_ =	sdelay $0x4  }
0x12e: {  	[tilespmem:$0xC4E0] =	vst v10  }
0x12f: {  	v10 =	vld [tilespmem:s0+$0x10];
	_ =	sdelay $0x4  }
0x130: {  	s1 =	simm.s32 $0x61C0;
	[tilespmem:$0xC4F0] =	vst v10  }
0x131: {  	[tilespmem:s24], [sflag:$0x1] =	stream.indirect.gather [hbm4b:s5+s23], $0x90, s1, s23, $0xb8;
	[tilespmem:$0x1C188] =	vst v63  }
0x132: {  	p0 =	sne.s32 s4, $0x1;
	_ =	swait.ge [sflag:s22], $0x2400  }
.Ltmp13:
0x133: {  	[sflag:s22] =	ssyncset.done $0x0;
	(pc) =	sbr.rel @!p0 .LBB2_15-.Ltmp13, $4  }
0x134: {  	[sflag:s22] =	ssyncadd.s32 $0xFFFFDC00  }
0x135: {  	[spmem:s2] =	stream.indirect.scatter.add.f32 [tilespmem:s24], [sflag:$0x3], $0x90, s25, s23, $0xb8;
	[tilespmem:$0x1C188] =	vst v63  }
0x136: {  	_ =	swait.ge [sflag:s21], $0x2400  }
0x137: {  	s4 =	sadd.s32 $0xFFFFFFFF, s4;
	[sflag:s21] =	ssyncset.done $0x0  }
.LBB2_14:
0x138: {  	[sflag:s21] =	ssyncadd.s32 $0xFFFFDC00;
	s0 =	sadd.s32 $0x40, s0;
	s1 =	sadd.s32 $0x40, s1  }
0x139: {  	p0 =	sne.s32 s4, $0x1;
	s4 =	sadd.s32 $0xFFFFFFFF, s4;
	v10 =	vld [tilespmem:s0+$0xFFFFFFE0];
	_ =	sdelay $0x4  }
0x13a: {  	[tilespmem:$0xC4C0] =	vst v10  }
0x13b: {  	v10 =	vld [tilespmem:s0+$0xFFFFFFF0];
	_ =	sdelay $0x4  }
0x13c: {  	[tilespmem:$0xC4D0] =	vst v10  }
0x13d: {  	v10 =	vld [tilespmem:s0+$0x0];
	_ =	sdelay $0x4  }
0x13e: {  	[tilespmem:$0xC4E0] =	vst v10  }
0x13f: {  	v10 =	vld [tilespmem:s0+$0x10];
	_ =	sdelay $0x4  }
0x140: {  	[tilespmem:$0xC4F0] =	vst v10  }
0x141: {  	[tilespmem:s24], [sflag:$0x1] =	stream.indirect.gather [hbm4b:s5+s23], $0x90, s1, s23, $0xb8;
	[tilespmem:$0x1C188] =	vst v63  }
0x142: {  	_ =	swait.ge [sflag:s22], $0x2400  }
.Ltmp14:
0x143: {  	[sflag:s22] =	ssyncset.done $0x0;
	(pc) =	sbr.rel @p0 .LBB2_14-.Ltmp14, $4  }
0x144: {  	[sflag:s22] =	ssyncadd.s32 $0xFFFFDC00  }
0x145: {  	[spmem:s2] =	stream.indirect.scatter.add.f32 [tilespmem:s24], [sflag:$0x3], $0x90, s25, s23, $0xb8;
	[tilespmem:$0x1C188] =	vst v63  }
0x146: {  	_ =	swait.ge [sflag:s21], $0x2400  }
0x147: {  	[sflag:s21] =	ssyncset.done $0x0  }
.Ltmp15:
0x148: {  	_ = 	snop;
	(pc) =	sbr.rel .LBB2_15-.Ltmp15, $1  }
0x149: {  	_ =	sdelay $0x3  }
.LBB2_17:
0x14a: {  	s29 =	simm.s32 $0x0  }
0x14b: {  	[tilespmem:s29], [sflag:$0x2] =	stream.linear.gather [hbm4b:s15+s29], $0x30E0, $0x38;
	[tilespmem:$0x1C188] =	vst v63  }
0x14c: {  	_ =	swait.ge [sflag:s17], $0x30E0  }
0x14d: {  	[sflag:s17] =	ssyncset.done $0x0  }
.Ltmp16:
0x14e: {  	[sflag:s17] =	ssyncadd.s32 $0xFFFFCF20;
	(pc) =	sbr.rel .LBB2_18-.Ltmp16, $4  }
0x14f: {  	[tilespmem:s18], [sflag:$0x2] =	stream.linear.gather [hbm4b:s9+s29], $0x30E0, $0x38;
	[tilespmem:$0x1C188] =	vst v63  }
0x150: {  	_ =	swait.ge [sflag:s17], $0x30E0  }
0x151: {  	[sflag:s17] =	ssyncset.done $0x0  }
0x152: {  	[sflag:s17] =	ssyncadd.s32 $0xFFFFCF20  }
.LBB2_23:
0x153: {  	[sflag:s21] =	ssyncadd.s32 $0xFFFFDC00  }
.LBB2_24:
0x154: {  	s0 =	sadd.s32 s12, s30  }
0x155: {  	s0 =	smul.u32 $0x90, s0;
	_ =	sdelay $0x1  }
0x156: {  	s29 =	sadd.s32 $0x1, s29;
	s0 =	sshrl.u32 s0, $0x3  }
0x157: {  	p0 =	sne.s32 s29, $0xA;
	s0 =	sadd.s32 s7, s0  }
.Ltmp17:
0x158: {  	[bflag:$0x0] =	sbarrier.arrive $0xFFFF;
	s0 =	sadd.s32 $0x384000, s0;
	(pc) =	sbr.rel @!p0 .LBB2_25-.Ltmp17, $4  }
0x159: {  	[hbm:s0], [sflag:s28] =	dma.local [spmem:s20], $0x1680  }
0x15a: {  	_ =	swait.ge [sflag:s17], $0x1680  }
0x15b: {  	[sflag:s17] =	ssyncset.done $0x0  }
0x15c: {  	[sflag:s17] =	ssyncadd.s32 $0xFFFFE980  }
.LBB2_18:
0x15d: {  	[spmem:s20], [sflag:s19] =	dma.local [hbm:s6], $0x1680  }
0x15e: {  	_ =	swait.ge [sflag:s21], $0x1680  }
0x15f: {  	[sflag:s21] =	ssyncset.done $0x0  }
0x160: {  	[sflag:s21] =	ssyncadd.s32 $0xFFFFE980  }
0x161: {  	s0 =	simm.s32 $0x0;
	[bflag:$0x0] =	sbarrier.arrive $0xFFFF  }
0x162: {  	s1 =	sadd.s32 s10, s29;
	v12 =	vld [tilespmem:s0+$0x30E0]  }
0x163: {  	s30 =	smul.u32 $0x1400, s1;
	_ =	sdelay $0x1  }
0x164: {  	s1 =	sadd.s32 $0x1400, s30  }
0x165: {  	v10 =	vmov s30;
	v11 =	vmov s1  }
0x166: {  	vm3 =	vge.s32 v12, v10;
	vm4 =	vlt.s32 v12, v11  }
0x167: {  	vm3 =	vmand vm3, vm4  }
0x168: {  	v13 =	vsel vm3, $0x1, v2  }
0x169: {  	v14 =	vperm.xlane v13, v3  }
0x16a: {  	vm3 =	veq.s32 v4, $0x0  }
0x16b: {  	v14 =	vsel vm3, $0x0, v14  }
0x16c: {  	v13 =	vadd.s32 v13, v14  }
0x16d: {  	v14 =	vperm.xlane v13, v5;
	_ =	sdelay $0x1  }
0x16e: {  	v14 =	vsel vm0, $0x0, v14  }
0x16f: {  	v13 =	vadd.s32 v14, v13  }
0x170: {  	v14 =	vperm.xlane v13, v6;
	_ =	sdelay $0x1  }
0x171: {  	v14 =	vsel vm1, $0x0, v14  }
0x172: {  	v13 =	vadd.s32 v14, v13  }
0x173: {  	v14 =	vperm.xlane v13, v7;
	_ =	sdelay $0x1  }
0x174: {  	v14 =	vsel vm2, $0x0, v14  }
0x175: {  	v13 =	vadd.s32 v14, v13  }
0x176: {  	v14 =	vperm.xlane v13, v8;
	_ =	sdelay $0x1  }
0x177: {  	vm4 =	vlt.s32 v14, v9  }
0x178: {  	v14 =	vsel vm4, $0x8, v2  }
0x179: {  	v15 =	vor.u32 $0x3, v14  }
0x17a: {  	(v2sf) =	vpush v13, $0xF;
	v15 =	vperm.xlane v13, v15;
	_ =	sdelay $0x1  }
0x17b: {  	vm4 =	vlt.s32 v15, v9  }
0x17c: {  	v15 =	vsel vm4, $0x4, v2  }
0x17d: {  	v14 =	vor.u32 v14, v15  }
0x17e: {  	v15 =	vor.u32 $0x1, v14  }
0x17f: {  	v15 =	vperm.xlane v13, v15;
	_ =	sdelay $0x1  }
0x180: {  	vm4 =	vlt.s32 v15, v9  }
0x181: {  	v15 =	vsel vm4, $0x2, v2  }
0x182: {  	v14 =	vor.u32 v15, v14  }
0x183: {  	v15 =	vld [tilespmem:s0+$0x0];
	v13 =	vperm.xlane v13, v14;
	_ =	sdelay $0x1  }
0x184: {  	vm4 =	vlt.s32 v13, v9  }
0x185: {  	v13 =	vsel vm4, $0x1, v2  }
0x186: {  	v12 =	vsub.s32 v12, v10;
	s8 =	spop (v2sf);
	v14 =	vor.u32 v13, v14  }
0x187: {  	s1 =	simm.s32 $0x40;
	s0 =	simm.s32 $0x0;
	s31 =	sadd.s32 $0x0, s8;
	v13 =	vperm.xlane v15, v14;
	v12 =	vperm.xlane v12, v14  }
.LBB2_19:
0x188: {  	_ = 	snop  }
0x189: {  	p0 =	sne.s32 s1, $0xC340;
	s4 =	smov.u32 s1;
	s1 =	sadd.s32 $0x40, s1;
	[tilespmem:s0+$0x61C0] =	vst v13  }
0x18a: {  	s4 =	sshra.s32 s4, $0x2;
	[tilespmem:s0+$0x9340] =	vst v12;
	s0 =	smov.u32 s31  }
0x18b: {  	v12 =	vld [tilespmem:s4+$0x30E0];
	_ =	sdelay $0x4  }
0x18c: {  	vm4 =	vge.s32 v12, v10;
	vm5 =	vlt.s32 v12, v11  }
0x18d: {  	vm4 =	vmand vm4, vm5  }
0x18e: {  	v13 =	vsel vm4, $0x1, v2  }
0x18f: {  	v14 =	vperm.xlane v13, v3;
	_ =	sdelay $0x1  }
0x190: {  	v14 =	vsel vm3, $0x0, v14  }
0x191: {  	v13 =	vadd.s32 v13, v14  }
0x192: {  	v14 =	vperm.xlane v13, v5;
	_ =	sdelay $0x1  }
0x193: {  	v14 =	vsel vm0, $0x0, v14  }
0x194: {  	v13 =	vadd.s32 v14, v13  }
0x195: {  	v14 =	vperm.xlane v13, v6;
	_ =	sdelay $0x1  }
0x196: {  	v14 =	vsel vm1, $0x0, v14  }
0x197: {  	v13 =	vadd.s32 v14, v13  }
0x198: {  	v14 =	vperm.xlane v13, v7;
	_ =	sdelay $0x1  }
0x199: {  	v14 =	vsel vm2, $0x0, v14  }
0x19a: {  	v13 =	vadd.s32 v14, v13  }
0x19b: {  	v14 =	vperm.xlane v13, v8;
	(v2sf) =	vpush v13, $0xF;
	_ =	sdelay $0x1  }
0x19c: {  	vm4 =	vlt.s32 v14, v9  }
0x19d: {  	v14 =	vsel vm4, $0x8, v2  }
0x19e: {  	v15 =	vor.u32 $0x3, v14  }
0x19f: {  	v15 =	vperm.xlane v13, v15;
	_ =	sdelay $0x1  }
0x1a0: {  	vm4 =	vlt.s32 v15, v9  }
0x1a1: {  	v15 =	vsel vm4, $0x4, v2  }
0x1a2: {  	v14 =	vor.u32 v14, v15  }
0x1a3: {  	v15 =	vor.u32 $0x1, v14  }
0x1a4: {  	v15 =	vperm.xlane v13, v15;
	_ =	sdelay $0x1  }
0x1a5: {  	vm4 =	vlt.s32 v15, v9  }
0x1a6: {  	v15 =	vsel vm4, $0x2, v2  }
0x1a7: {  	v14 =	vor.u32 v15, v14;
	s8 =	spop (v2sf)  }
0x1a8: {  	v15 =	vld [tilespmem:s4+$0x0];
	v13 =	vperm.xlane v13, v14;
	s31 =	sadd.s32 s31, s8  }
.Ltmp18:
0x1a9: {  	(pc) =	sbr.rel @p0 .LBB2_19-.Ltmp18, $4  }
0x1aa: {  	vm4 =	vlt.s32 v13, v9  }
0x1ab: {  	v13 =	vsel vm4, $0x1, v2  }
0x1ac: {  	v12 =	vsub.s32 v12, v10;
	v14 =	vor.u32 v13, v14  }
0x1ad: {  	v13 =	vperm.xlane v15, v14;
	v12 =	vperm.xlane v12, v14  }
0x1ae: {  	_ = 	snop  }
0x1af: {  	[tilespmem:s0+$0x61C0] =	vst v13  }
0x1b0: {  	[tilespmem:s0+$0x9340] =	vst v12  }
0x1b1: {  	[tilespmem:s31+$0x61C0] =	vst v0  }
0x1b2: {  	[tilespmem:s31+$0x9340] =	vst v1  }
0x1b3: {  	[tilespmem:s31+$0x61D0] =	vst v0  }
0x1b4: {  	[tilespmem:s31+$0x9350] =	vst v1  }
0x1b5: {  	[tilespmem:s31+$0x61E0] =	vst v0  }
0x1b6: {  	s4 =	sadd.s32 $0x3F, s31;
	[tilespmem:s31+$0x9360] =	vst v1  }
0x1b7: {  	s1 =	sand.u32 $0x3F, s4;
	[tilespmem:s31+$0x61F0] =	vst v0  }
0x1b8: {  	s8 =	sshra.s32 s4, $0x1F;
	p1 =	slt.s32 s4, $0x1;
	[tilespmem:s31+$0x9370] =	vst v1;
	p0 =	sne.s32 s1, $0x0  }
0x1b9: {  	[tilespmem:s31+$0x6200] =	vst v0;
	s1 =	sshrl.u32 s8, $0x1A;
	p0 =	por !p1, !p0  }
0x1ba: {  	[tilespmem:s31+$0x9380] =	vst v1;
	s0 =	sadd.s32 s1, s4;
	s1 =	simm.s32 $0x1;
	p0 =	por !p0, !p0  }
0x1bb: {  	[tilespmem:s31+$0x6210] =	vst v0;
	s0 =	sshra.s32 s0, $0x6;
	s1 =	simm.s32 @!p0 $0x0  }
0x1bc: {  	[tilespmem:s31+$0x9390] =	vst v1;
	s4 =	ssub.s32 s0, s1  }
0x1bd: {  	[tilespmem:s31+$0x6220] =	vst v0;
	p0 =	slt.s32 s4, $0x1  }
.Ltmp19:
0x1be: {  	[tilespmem:s31+$0x93A0] =	vst v1;
	(pc) =	sbr.rel @p0 .LBB2_24-.Ltmp19, $4  }
0x1bf: {  	[tilespmem:s31+$0x6230] =	vst v0  }
0x1c0: {  	[tilespmem:s31+$0x93B0] =	vst v1  }
0x1c1: {  	[tilespmem:s31+$0x6240] =	vst v0  }
0x1c2: {  	[tilespmem:s31+$0x93C0] =	vst v1  }
0x1c3: {  	s0 =	simm.s32 $0x9360  }
0x1c4: {  	v10 =	vld [tilespmem:s0+$0xFFFFFFE0];
	_ =	sdelay $0x4  }
0x1c5: {  	[tilespmem:$0xC4C0] =	vst v10  }
0x1c6: {  	v10 =	vld [tilespmem:s0+$0xFFFFFFF0];
	_ =	sdelay $0x4  }
0x1c7: {  	[tilespmem:$0xC4D0] =	vst v10  }
0x1c8: {  	v10 =	vld [tilespmem:s0+$0x0];
	_ =	sdelay $0x4  }
0x1c9: {  	[tilespmem:$0xC4E0] =	vst v10  }
0x1ca: {  	v10 =	vld [tilespmem:s0+$0x10];
	_ =	sdelay $0x4  }
0x1cb: {  	s1 =	simm.s32 $0x61C0;
	[tilespmem:$0xC4F0] =	vst v10  }
0x1cc: {  	[tilespmem:s24], [sflag:$0x1] =	stream.indirect.gather [hbm4b:s5+s23], $0x90, s1, s23, $0xb8;
	[tilespmem:$0x1C188] =	vst v63  }
0x1cd: {  	p0 =	sne.s32 s4, $0x1;
	_ =	swait.ge [sflag:s22], $0x2400  }
.Ltmp20:
0x1ce: {  	[sflag:s22] =	ssyncset.done $0x0;
	(pc) =	sbr.rel @!p0 .LBB2_23-.Ltmp20, $4  }
0x1cf: {  	[sflag:s22] =	ssyncadd.s32 $0xFFFFDC00  }
0x1d0: {  	[spmem:s2] =	stream.indirect.scatter.add.f32 [tilespmem:s24], [sflag:$0x3], $0x90, s25, s23, $0xb8;
	[tilespmem:$0x1C188] =	vst v63  }
0x1d1: {  	_ =	swait.ge [sflag:s21], $0x2400  }
0x1d2: {  	s4 =	sadd.s32 $0xFFFFFFFF, s4;
	[sflag:s21] =	ssyncset.done $0x0  }
.LBB2_22:
0x1d3: {  	[sflag:s21] =	ssyncadd.s32 $0xFFFFDC00;
	s0 =	sadd.s32 $0x40, s0;
	s1 =	sadd.s32 $0x40, s1  }
0x1d4: {  	p0 =	sne.s32 s4, $0x1;
	s4 =	sadd.s32 $0xFFFFFFFF, s4;
	v10 =	vld [tilespmem:s0+$0xFFFFFFE0];
	_ =	sdelay $0x4  }
0x1d5: {  	[tilespmem:$0xC4C0] =	vst v10  }
0x1d6: {  	v10 =	vld [tilespmem:s0+$0xFFFFFFF0];
	_ =	sdelay $0x4  }
0x1d7: {  	[tilespmem:$0xC4D0] =	vst v10  }
0x1d8: {  	v10 =	vld [tilespmem:s0+$0x0];
	_ =	sdelay $0x4  }
0x1d9: {  	[tilespmem:$0xC4E0] =	vst v10  }
0x1da: {  	v10 =	vld [tilespmem:s0+$0x10];
	_ =	sdelay $0x4  }
0x1db: {  	[tilespmem:$0xC4F0] =	vst v10  }
0x1dc: {  	[tilespmem:s24], [sflag:$0x1] =	stream.indirect.gather [hbm4b:s5+s23], $0x90, s1, s23, $0xb8;
	[tilespmem:$0x1C188] =	vst v63  }
0x1dd: {  	_ =	swait.ge [sflag:s22], $0x2400  }
.Ltmp21:
0x1de: {  	[sflag:s22] =	ssyncset.done $0x0;
	(pc) =	sbr.rel @p0 .LBB2_22-.Ltmp21, $4  }
0x1df: {  	[sflag:s22] =	ssyncadd.s32 $0xFFFFDC00  }
0x1e0: {  	[spmem:s2] =	stream.indirect.scatter.add.f32 [tilespmem:s24], [sflag:$0x3], $0x90, s25, s23, $0xb8;
	[tilespmem:$0x1C188] =	vst v63  }
0x1e1: {  	_ =	swait.ge [sflag:s21], $0x2400  }
0x1e2: {  	[sflag:s21] =	ssyncset.done $0x0  }
.Ltmp22:
0x1e3: {  	_ = 	snop;
	(pc) =	sbr.rel .LBB2_23-.Ltmp22, $1  }
0x1e4: {  	_ =	sdelay $0x3  }
.LBB2_26:
0x1e5: {  	_ =	sfence.sel $0x180000  }
0x1e6: {  	[bflag:$0x0] =	sbarrier.arrive $0xFFFF  }
0x1e7: {  	_ =	strace $0x90000047  }
0x1e8: {  	s0 =	stileid.u32;
	[bflag:$0x2] =	sbarrier.arrive $0xFFFF  }
0x1e9: {  	p0 =	sne.s32 s0, $0x0;
	s0 =	rddreg [dreg:$0x3]  }
0x1ea: {  	s0 =	sadd.s32 @!p0 $0x100000, s0  }
0x1eb: {  	[sflag:s0] =	ssyncadd.tile.s32 @!p0 $0x1;
	_ =	shalt  }
.Lfunc_end2:
_tile_overlayer_lowered:
.L_overlay_start_2:
0x1ec: {  	(tag) =	ssettag $0x2  }
0x1ed: {  	s0 =	rddreg [dreg:$0x0];
	s2 =	stileid.u32  }
0x1ee: {  	s1 =	rddreg [dreg:$0x1];
	p0 =	sne.s32 s2, $0x0  }
0x1ef: {  	s3 =	rddreg [dreg:$0x2];
	[bflag:$0x3] =	sbarrier.arrive $0xFFFF;
	s2 =	simm.s32 @!p0 $0x1C02  }
0x1f0: {  	[timem:s3], [sflag:s2] =	dma.local @!p0 [hbm:s0], s1  }
0x1f1: {  	s0 =	simm.s32 @!p0 $0x2  }
0x1f2: {  	_ =	swait.ge @!p0 [sflag:s0], s1  }
0x1f3: {  	s1 =	ssub.s32 @!p0 $0x0, s1;
	[sflag:s0] =	ssyncset.done @!p0 $0x0  }
0x1f4: {  	[sflag:s0] =	ssyncadd.s32 @!p0 s1  }
0x1f5: {  	[bflag:$0x3] =	sbarrier.arrive $0xFFFF  }
0x1f6: {  	_ =	shalt  }

</sc_bundles>
